<compile_context>
chip_gen: v7x
topology: tpu7x:2x2x1
jax: 0.10.2.dev20260603
libtpu: 0.0.44.dev20260713+nightly
codegen_flags: <defaults>
</compile_context>

<pallas_src>
import math

import jax
import jax.numpy as jnp
from jax import lax
from jax.experimental import pallas as pl
from jax.experimental.pallas import tpu as pltpu
from jax.experimental.pallas import tpu_sc as plsc

MUL = 32
N_NODES = 10000
N_EDGES = 320000
F = 4 * MUL
WF = 5 * MUL

NC = 2
NS = 16
NW = NC * NS
L = 16

EPW = N_EDGES // NW
C = 80
C2 = C // 2
NCHUNK = EPW // C
G = C // L

RPT = 624
RTAIL_OFF = RPT * NS
RTAIL = N_NODES - RTAIL_OFF

PW0 = math.sqrt(0.5)
INV3 = 1.0 / math.sqrt(3.0)
INV6 = 1.0 / math.sqrt(6.0)
SQRT3 = math.sqrt(3.0)


def _sc_body(x_hbm, ev_hbm, w_hbm, src_hbm, dst_hbm, zero_hbm,
             out0, out1,
             acc, sh_buf, w1_v, w2_v,
             a_src, a_dst, a_ev, a_rows,
             b_src, b_dst, b_ev, b_rows,
             sa_src, sa_oth, sa_g, sa_sc,
             sb_src, sb_oth, sb_g, sb_sc, s_w1, s_w2):
    cid = lax.axis_index("c")
    sid = lax.axis_index("s")
    wid = cid * NS + sid
    base0 = wid * EPW

    setA = (a_src, a_dst, a_ev, a_rows, sa_src, sa_oth, sa_g, sa_sc)
    setB = (b_src, b_dst, b_ev, b_rows, sb_src, sb_oth, sb_g, sb_sc)

    roff = pl.multiple_of(sid * RPT, 8)
    pltpu.sync_copy(zero_hbm.at[pl.ds(roff, RPT)], acc.at[pl.ds(roff, RPT)])

    @pl.when(sid == 0)
    def _():
        pltpu.sync_copy(zero_hbm.at[pl.ds(RTAIL_OFF, RTAIL)],
                        acc.at[pl.ds(RTAIL_OFF, RTAIL)])

    plsc.subcore_barrier()

    iota = lax.iota(jnp.int32, L)
    iota3 = 3 * iota
    cbs = {h: MUL + 3 * h + iota3 for h in (0, L)}

    def src_copy(c, S):
        s_v, _, _, _, s_src, _, _, _ = S
        base = base0 + c * C
        return pltpu.make_async_copy(src_hbm.at[pl.ds(base, C)], s_v, s_src)

    def oth_copies(c, S):
        _, d_v, e_v, _, _, s_oth, _, _ = S
        base = base0 + c * C
        return [
            pltpu.make_async_copy(dst_hbm.at[pl.ds(base, C)], d_v, s_oth),
            pltpu.make_async_copy(ev_hbm.at[pl.ds(base, C)],
                                  e_v.at[pl.ds(0, C)], s_oth),
            pltpu.make_async_copy(ev_hbm.at[pl.ds(N_EDGES + base, C)],
                                  e_v.at[pl.ds(C, C)], s_oth),
            pltpu.make_async_copy(ev_hbm.at[pl.ds(2 * N_EDGES + base, C)],
                                  e_v.at[pl.ds(2 * C, C)], s_oth),
        ]

    def w1_copy(c):
        base = base0 + c * C
        return pltpu.make_async_copy(w_hbm.at[pl.ds(base, C2)], w1_v, s_w1)

    def w2_copy(c):
        base = base0 + c * C + C2
        return pltpu.make_async_copy(w_hbm.at[pl.ds(base, C2)], w2_v, s_w2)

    def gather_copy(S):
        s_v, _, _, rows, _, _, s_g, _ = S
        return pltpu.make_async_copy(x_hbm.at[s_v], rows, s_g)

    def scatter_copy(S):
        _, d_v, _, rows, _, _, _, s_sc = S
        return pltpu.make_async_copy(rows, acc.at[d_v], s_sc)

    def compute(S, c):
        _, _, ev_v, rows, _, _, _, _ = S

        def sh_group(g, carry2):
            off = g * L
            vx = ev_v[pl.ds(off, L)]
            vy = ev_v[pl.ds(C + off, L)]
            vz = ev_v[pl.ds(2 * C + off, L)]
            n2 = vx * vx + vy * vy + vz * vz
            bits = plsc.bitcast(n2, jnp.int32)
            y = plsc.bitcast(jnp.full((L,), 0x5F3759DF, jnp.int32)
                             - (bits >> 1), jnp.float32)
            for _ in range(3):
                y = y * (1.5 - 0.5 * n2 * y * y)
            s3 = SQRT3 * y
            sh_buf[pl.ds(off, L)] = vx * s3
            sh_buf[pl.ds(C + off, L)] = vy * s3
            sh_buf[pl.ds(2 * C + off, L)] = vz * s3
            return carry2

        lax.fori_loop(0, G, sh_group, 0)

        def tp_edge_for(w_v, off):
          def tp_edge(j, carry2):
            e = off + j
            shx = plsc.load_gather(sh_buf, [jnp.full((L,), e)])
            shy = plsc.load_gather(sh_buf, [jnp.full((L,), C + e)])
            shz = plsc.load_gather(sh_buf, [jnp.full((L,), 2 * C + e)])
            erow = jnp.full((L,), e)
            xs = []
            for h in (0, L):
                cb = cbs[h]
                xs.append((rows[e, pl.ds(h, L)],
                           plsc.load_gather(rows, [erow, cb]),
                           plsc.load_gather(rows, [erow, cb + 1]),
                           plsc.load_gather(rows, [erow, cb + 2]),
                           w_v[j, pl.ds(h, L)],
                           w_v[j, pl.ds(MUL + h, L)],
                           w_v[j, pl.ds(2 * MUL + h, L)],
                           w_v[j, pl.ds(3 * MUL + h, L)],
                           w_v[j, pl.ds(4 * MUL + h, L)]))
            outs = []
            for x0, xx, xy, xz, wa, wb, wc, wd, we in xs:
                dot = xx * shx + xy * shy + xz * shz
                m0 = PW0 * (wa * x0) + (PW0 * INV3) * (wd * dot)
                cx = xy * shz - xz * shy
                cy = xz * shx - xx * shz
                cz = xx * shy - xy * shx
                t0 = INV3 * (wb * x0)
                wcs = INV3 * wc
                wes = INV6 * we
                m1x = t0 * shx + wcs * xx + wes * cx
                m1y = t0 * shy + wcs * xy + wes * cy
                m1z = t0 * shz + wcs * xz + wes * cz
                outs.append((m0, m1x, m1y, m1z))
            for h, (m0, m1x, m1y, m1z) in zip((0, L), outs):
                rows[e, pl.ds(h, L)] = m0
                cbase = cbs[h]
                plsc.store_scatter(rows, [erow, cbase], m1x)
                plsc.store_scatter(rows, [erow, cbase + 1], m1y)
                plsc.store_scatter(rows, [erow, cbase + 2], m1z)
            return carry2
          return tp_edge

        w1_copy(c).wait()
        lax.fori_loop(0, C2, tp_edge_for(w1_v, 0), 0)

        @pl.when(c + 1 < NCHUNK)
        def _():
            w1_copy(c + 1).start()

        w2_copy(c).wait()
        lax.fori_loop(0, C2, tp_edge_for(w2_v, C2), 0)

        @pl.when(c + 1 < NCHUNK)
        def _():
            w2_copy(c + 1).start()

    def half_body(c, S, T):
        gather_copy(S).wait()
        for d in oth_copies(c, S):
            d.wait()

        @pl.when(c + 2 < NCHUNK)
        def _():
            src_copy(c + 2, S).start()

        @pl.when(c >= 1)
        def _():
            scatter_copy(T).wait()

        @pl.when(c + 1 < NCHUNK)
        def _():
            for d in oth_copies(c + 1, T):
                d.start()
            src_copy(c + 1, T).wait()
            gather_copy(T).start()

        compute(S, c)
        _, d_v, _, rows, _, _, _, s_sc = S
        pltpu.async_copy(rows, acc.at[d_v], s_sc, add=True)

    src_copy(0, setA).start()
    for d in oth_copies(0, setA):
        d.start()
    w1_copy(0).start()
    w2_copy(0).start()
    src_copy(1, setB).start()
    src_copy(0, setA).wait()
    gather_copy(setA).start()

    def loop(k, carry):
        half_body(2 * k, setA, setB)

        @pl.when(2 * k + 1 < NCHUNK)
        def _():
            half_body(2 * k + 1, setB, setA)

        return carry

    lax.fori_loop(0, (NCHUNK + 1) // 2, loop, 0)

    scatter_copy(setA).wait()
    plsc.subcore_barrier()

    woff = pl.multiple_of(sid * RPT, 8)

    @pl.when(cid == 0)
    def _():
        pltpu.sync_copy(acc.at[pl.ds(woff, RPT)], out0.at[pl.ds(woff, RPT)])

        @pl.when(sid == 0)
        def _():
            pltpu.sync_copy(acc.at[pl.ds(RTAIL_OFF, RTAIL)],
                            out0.at[pl.ds(RTAIL_OFF, RTAIL)])

    @pl.when(cid == 1)
    def _():
        pltpu.sync_copy(acc.at[pl.ds(woff, RPT)], out1.at[pl.ds(woff, RPT)])

        @pl.when(sid == 0)
        def _():
            pltpu.sync_copy(acc.at[pl.ds(RTAIL_OFF, RTAIL)],
                            out1.at[pl.ds(RTAIL_OFF, RTAIL)])


def _tc_add(a, b):
    def body(a_ref, b_ref, o_ref):
        o_ref[...] = a_ref[...] + b_ref[...]

    blk = 1000
    return pl.pallas_call(
        body,
        out_shape=jax.ShapeDtypeStruct((N_NODES, F), jnp.float32),
        grid=(N_NODES // blk,),
        in_specs=[pl.BlockSpec((blk, F), lambda i: (i, 0)),
                  pl.BlockSpec((blk, F), lambda i: (i, 0))],
        out_specs=pl.BlockSpec((blk, F), lambda i: (i, 0)),
    )(a, b)


def kernel(x, edge_vec, weight, edge_src, edge_dst):
    zeros = jnp.zeros_like(x)
    mesh = plsc.VectorSubcoreMesh(core_axis_name="c", subcore_axis_name="s",
                                  num_cores=NC, num_subcores=NS)
    sds = jax.ShapeDtypeStruct((N_NODES, F), jnp.float32)
    p0, p1 = pl.kernel(
        _sc_body,
        out_type=(sds, sds),
        mesh=mesh,
        compiler_params=pltpu.CompilerParams(needs_layout_passes=False),
        scratch_types=[
            pltpu.VMEM_SHARED((N_NODES, F), jnp.float32),
            pltpu.VMEM((3 * C,), jnp.float32),
            pltpu.VMEM((C2, WF), jnp.float32),
            pltpu.VMEM((C2, WF), jnp.float32),
            pltpu.VMEM((C,), jnp.int32),
            pltpu.VMEM((C,), jnp.int32),
            pltpu.VMEM((3 * C,), jnp.float32),
            pltpu.VMEM((C, F), jnp.float32),
            pltpu.VMEM((C,), jnp.int32),
            pltpu.VMEM((C,), jnp.int32),
            pltpu.VMEM((3 * C,), jnp.float32),
            pltpu.VMEM((C, F), jnp.float32),
            pltpu.SemaphoreType.DMA,
            pltpu.SemaphoreType.DMA,
            pltpu.SemaphoreType.DMA,
            pltpu.SemaphoreType.DMA,
            pltpu.SemaphoreType.DMA,
            pltpu.SemaphoreType.DMA,
            pltpu.SemaphoreType.DMA,
            pltpu.SemaphoreType.DMA,
            pltpu.SemaphoreType.DMA,
            pltpu.SemaphoreType.DMA,
        ],
    )(x, edge_vec.T.reshape(-1), weight, edge_src, edge_dst, zeros)
    return _tc_add(p0, p1)

# --- scband reference (transcript-rebuilt; emitter-appended) ---
"""Pipeline reference for scband-swift-tpconvolution-55018531062295 (READ-ONLY COPY).

The authoritative reference and input builder live on the scoring server;
editing this copy changes nothing except your own understanding.
"""

import jax, jax.numpy as jnp
import numpy as np
import math

MUL = 32
N_NODES = 10000
N_EDGES = 320000

# Tensor product structure for irreps_in1=32x0e+32x1e, irreps_in2=1x0e+1x1e,
# irreps_out=32x0e+32x1e with uvu instructions:
#   A: (0e x 0e -> 0e), B: (0e x 1e -> 1e), C: (1e x 0e -> 1e),
#   D: (1e x 1e -> 0e), E: (1e x 1e -> 1e)
# e3nn path weights (normalization='path', component irreps): pw = sqrt(ir_out.dim / n_paths_to_out)
#   paths to 0e: A, D -> pw0 = sqrt(1/2);  paths to 1e: B, C, E -> pw1 = sqrt(3/3) = 1
# Wigner blocks: w3j(0,0,0)=1; w3j(l,0,l)=w3j(0,l,l)=I/sqrt(3) for l=1; w3j(1,1,0)=I/sqrt(3); w3j(1,1,1)=eps/sqrt(6)

PW0 = math.sqrt(0.5)
PW1 = 1.0
INV_SQRT3 = 1.0 / math.sqrt(3.0)
INV_SQRT6 = 1.0 / math.sqrt(6.0)


def setup_inputs(seed: int = 0) -> dict:
    key = jax.random.key(seed)
    k0, k1, k2, k3, k4 = jax.random.split(key, 5)
    x = jax.random.normal(k0, (N_NODES, 4 * MUL), dtype=jnp.float32)
    edge_vec = jax.random.normal(k1, (N_EDGES, 3), dtype=jnp.float32)
    weight = jax.random.normal(k2, (N_EDGES, 5 * MUL), dtype=jnp.float32)
    edge_src = jax.random.randint(k3, (N_EDGES,), 0, N_NODES, dtype=jnp.int32)
    edge_dst = jax.random.randint(k4, (N_EDGES,), 0, N_NODES, dtype=jnp.int32)
    return {"x": x, "edge_vec": edge_vec, "weight": weight, "edge_src": edge_src, "edge_dst": edge_dst}


def _spherical_harmonics(edge_vec):
    # normalize=True, normalization='component': Y0 = 1, Y1 = sqrt(3) * r_hat
    r = edge_vec / jnp.linalg.norm(edge_vec, axis=1, keepdims=True)
    sh0 = jnp.ones((edge_vec.shape[0], 1), dtype=edge_vec.dtype)
    sh1 = math.sqrt(3.0) * r
    return sh0, sh1


def _tp_messages(x_gathered, sh0, sh1, weight):
    x0 = x_gathered[:, :MUL]                       # [E, 32]   32x0e
    x1 = x_gathered[:, MUL:].reshape(-1, MUL, 3)   # [E, 32, 3] 32x1e
    wA = weight[:, 0 * MUL:1 * MUL]
    wB = weight[:, 1 * MUL:2 * MUL]
    wC = weight[:, 2 * MUL:3 * MUL]
    wD = weight[:, 3 * MUL:4 * MUL]
    wE = weight[:, 4 * MUL:5 * MUL]
    # scalar output: paths A and D
    msg0 = PW0 * (wA * x0 * sh0 + wD * INV_SQRT3 * jnp.einsum('eui,ei->eu', x1, sh1))
    # vector output: paths B, C and E
    sh1_b = jnp.broadcast_to(sh1[:, None, :], x1.shape)
    msg1 = PW1 * (
        wB[:, :, None] * INV_SQRT3 * x0[:, :, None] * sh1[:, None, :]
        + wC[:, :, None] * INV_SQRT3 * x1 * sh0[:, :, None]
        + wE[:, :, None] * INV_SQRT6 * jnp.cross(x1, sh1_b, axis=-1)
    )
    return jnp.concatenate([msg0, msg1.reshape(-1, 3 * MUL)], axis=1)  # [E, 128]


def reference(x, edge_vec, weight, edge_src, edge_dst):
    sh0, sh1 = _spherical_harmonics(edge_vec)
    x_gathered = jnp.take(x, edge_src, axis=0)
    msg = _tp_messages(x_gathered, sh0, sh1, weight)
    out = jnp.zeros((x.shape[0], 4 * MUL), dtype=x.dtype).at[edge_dst].add(msg)
    return out

if __name__ == "__main__":
    import jax
    _d = setup_inputs()
    print(jax.jit(kernel)(*tuple(_d.values())))

</pallas_src>

<mosaic_0001>
#map = affine_map<(d0, d1) -> (0, 0)>
#map1 = affine_map<(d0, d1) -> (0)>
module attributes {stable_mosaic.version = 14 : i64} {
  func.func @_sc_body(%arg0: i32, %arg1: i32, %arg2: memref<10000x128xf32, #tpu.memory_space<hbm>>, %arg3: memref<960000xf32, #tpu.memory_space<hbm>>, %arg4: memref<320000x160xf32, #tpu.memory_space<hbm>>, %arg5: memref<320000xi32, #tpu.memory_space<hbm>>, %arg6: memref<320000xi32, #tpu.memory_space<hbm>>, %arg7: memref<10000x128xf32, #tpu.memory_space<hbm>>, %arg8: memref<10000x128xf32, #tpu.memory_space<hbm>>, %arg9: memref<10000x128xf32, #tpu.memory_space<hbm>>, %arg10: memref<10000x128xf32, #tpu.memory_space<vmem_shared>>, %arg11: memref<240xf32, #tpu.memory_space<vmem>>, %arg12: memref<40x160xf32, #tpu.memory_space<vmem>>, %arg13: memref<40x160xf32, #tpu.memory_space<vmem>>, %arg14: memref<80xi32, #tpu.memory_space<vmem>>, %arg15: memref<80xi32, #tpu.memory_space<vmem>>, %arg16: memref<240xf32, #tpu.memory_space<vmem>>, %arg17: memref<80x128xf32, #tpu.memory_space<vmem>>, %arg18: memref<80xi32, #tpu.memory_space<vmem>>, %arg19: memref<80xi32, #tpu.memory_space<vmem>>, %arg20: memref<240xf32, #tpu.memory_space<vmem>>, %arg21: memref<80x128xf32, #tpu.memory_space<vmem>>, %arg22: memref<!tpu.dma_semaphore, #tpu.memory_space<semaphore_mem>>, %arg23: memref<!tpu.dma_semaphore, #tpu.memory_space<semaphore_mem>>, %arg24: memref<!tpu.dma_semaphore, #tpu.memory_space<semaphore_mem>>, %arg25: memref<!tpu.dma_semaphore, #tpu.memory_space<semaphore_mem>>, %arg26: memref<!tpu.dma_semaphore, #tpu.memory_space<semaphore_mem>>, %arg27: memref<!tpu.dma_semaphore, #tpu.memory_space<semaphore_mem>>, %arg28: memref<!tpu.dma_semaphore, #tpu.memory_space<semaphore_mem>>, %arg29: memref<!tpu.dma_semaphore, #tpu.memory_space<semaphore_mem>>, %arg30: memref<!tpu.dma_semaphore, #tpu.memory_space<semaphore_mem>>, %arg31: memref<!tpu.dma_semaphore, #tpu.memory_space<semaphore_mem>>) attributes {dimension_semantics = [#tpu.dimension_semantics<core_parallel>, #tpu.dimension_semantics<subcore_parallel>], iteration_bounds = array<i64: 2, 16>, scalar_prefetch = 0 : i64, scratch_operands = 22 : i64, tpu.core_type = #tpu.core_type<sc_vector_subcore>, window_params = [{transform_indices = #map}, {transform_indices = #map1}, {transform_indices = #map}, {transform_indices = #map1}, {transform_indices = #map1}, {transform_indices = #map}, {transform_indices = #map}, {transform_indices = #map}]} {
    %mul3A = arith.constant 16 : i32
    %mul3A_0 = arith.muli %arg0, %mul3A : i32
    %add3A = arith.addi %mul3A_0, %arg1 : i32
    %mul3A_1 = arith.constant 10000 : i32
    %mul3A_2 = arith.muli %add3A, %mul3A_1 : i32
    %mul3A_3 = arith.constant 624 : i32
    %mul3A_4 = arith.muli %arg1, %mul3A_3 : i32
    %multiple_of3A = tpu.assume_multiple %mul3A_4, 8 : i32
    "tpu.region"() ({
      %run_scoped3A = tpu.sem_alloc : memref<!tpu.dma_semaphore, #tpu.memory_space<semaphore_mem>>
      %dma_start3A_91 = arith.constant 0 : i32
      %dma_start3A_92 = tpu.memref_slice %arg10[%multiple_of3A, %dma_start3A_91] : memref<10000x128xf32, #tpu.memory_space<vmem_shared>> -> memref<624x128xf32, #tpu.memory_space<vmem_shared>>
      %dma_start3A_93 = arith.constant 0 : i32
      %dma_start3A_94 = tpu.memref_slice %arg7[%multiple_of3A, %dma_start3A_93] : memref<10000x128xf32, #tpu.memory_space<hbm>> -> memref<624x128xf32, #tpu.memory_space<hbm>>
      tpu.enqueue_dma source(%dma_start3A_94 : memref<624x128xf32, #tpu.memory_space<hbm>>) target(%dma_start3A_92 : memref<624x128xf32, #tpu.memory_space<vmem_shared>>) target_semaphore(%run_scoped3A : memref<!tpu.dma_semaphore, #tpu.memory_space<semaphore_mem>>)
      %dma_wait3A_95 = arith.constant 0 : i32
      %dma_wait3A_96 = tpu.memref_slice %arg10[%multiple_of3A, %dma_wait3A_95] : memref<10000x128xf32, #tpu.memory_space<vmem_shared>> -> memref<624x128xf32, #tpu.memory_space<vmem_shared>>
      %dma_wait3A_97 = arith.constant 0 : i32
      %dma_wait3A_98 = tpu.memref_slice %arg7[%multiple_of3A, %dma_wait3A_97] : memref<10000x128xf32, #tpu.memory_space<hbm>> -> memref<624x128xf32, #tpu.memory_space<hbm>>
      tpu.wait_dma2 semaphore(%run_scoped3A : memref<!tpu.dma_semaphore, #tpu.memory_space<semaphore_mem>>) src(%dma_wait3A_98 : memref<624x128xf32, #tpu.memory_space<hbm>>) dst(%dma_wait3A_96 : memref<624x128xf32, #tpu.memory_space<vmem_shared>>)
      tpu.yield
    }) : () -> ()
    %eq3A = arith.constant 0 : i32
    %eq3A_5 = arith.cmpi eq, %arg1, %eq3A : i32
    %convert_element_type3A = arith.extui %eq3A_5 : i1 to i32
    %cond3A = arith.constant 0 : i32
    %cond3A_6 = arith.cmpi ne, %convert_element_type3A, %cond3A : i32
    scf.if %cond3A_6 {
      "tpu.region"() ({
        %run_scoped3A = tpu.sem_alloc : memref<!tpu.dma_semaphore, #tpu.memory_space<semaphore_mem>>
        %dma_start3A_91 = arith.constant 9984 : i32
        %dma_start3A_92 = arith.constant 0 : i32
        %dma_start3A_93 = tpu.memref_slice %arg10[%dma_start3A_91, %dma_start3A_92] : memref<10000x128xf32, #tpu.memory_space<vmem_shared>> -> memref<16x128xf32, #tpu.memory_space<vmem_shared>>
        %dma_start3A_94 = arith.constant 9984 : i32
        %dma_start3A_95 = arith.constant 0 : i32
        %dma_start3A_96 = tpu.memref_slice %arg7[%dma_start3A_94, %dma_start3A_95] : memref<10000x128xf32, #tpu.memory_space<hbm>> -> memref<16x128xf32, #tpu.memory_space<hbm>>
        tpu.enqueue_dma source(%dma_start3A_96 : memref<16x128xf32, #tpu.memory_space<hbm>>) target(%dma_start3A_93 : memref<16x128xf32, #tpu.memory_space<vmem_shared>>) target_semaphore(%run_scoped3A : memref<!tpu.dma_semaphore, #tpu.memory_space<semaphore_mem>>)
        %dma_wait3A_97 = arith.constant 9984 : i32
        %dma_wait3A_98 = arith.constant 0 : i32
        %dma_wait3A_99 = tpu.memref_slice %arg10[%dma_wait3A_97, %dma_wait3A_98] : memref<10000x128xf32, #tpu.memory_space<vmem_shared>> -> memref<16x128xf32, #tpu.memory_space<vmem_shared>>
        %dma_wait3A_100 = arith.constant 9984 : i32
        %dma_wait3A_101 = arith.constant 0 : i32
        %dma_wait3A_102 = tpu.memref_slice %arg7[%dma_wait3A_100, %dma_wait3A_101] : memref<10000x128xf32, #tpu.memory_space<hbm>> -> memref<16x128xf32, #tpu.memory_space<hbm>>
        tpu.wait_dma2 semaphore(%run_scoped3A : memref<!tpu.dma_semaphore, #tpu.memory_space<semaphore_mem>>) src(%dma_wait3A_102 : memref<16x128xf32, #tpu.memory_space<hbm>>) dst(%dma_wait3A_99 : memref<16x128xf32, #tpu.memory_space<vmem_shared>>)
        tpu.yield
      }) : () -> ()
    } else {
    }
    %barrier3A = arith.constant 0 : index
    tpu.barrier barrier_id(%barrier3A)
    %iota3A = tpu.iota {dimensions = array<i32: 0>} : vector<16xi32>
    %mul3A_7 = arith.constant 3 : i32
    %mul3A_8 = vector.broadcast %mul3A_7 : i32 to vector<16xi32>
    %mul3A_9 = arith.muli %mul3A_8, %iota3A : vector<16xi32>
    %add3A_10 = arith.constant 32 : i32
    %add3A_11 = vector.broadcast %add3A_10 : i32 to vector<16xi32>
    %add3A_12 = arith.addi %add3A_11, %mul3A_9 : vector<16xi32>
    %add3A_13 = arith.constant 80 : i32
    %add3A_14 = vector.broadcast %add3A_13 : i32 to vector<16xi32>
    %add3A_15 = arith.addi %add3A_14, %mul3A_9 : vector<16xi32>
    %add3A_16 = arith.constant 0 : i32
    %add3A_17 = arith.addi %mul3A_2, %add3A_16 : i32
    %dma_start3A = tpu.memref_slice %arg5[%add3A_17] : memref<320000xi32, #tpu.memory_space<hbm>> -> memref<80xi32, #tpu.memory_space<hbm>>
    %dma_start3A_18 = tpu.memref_slice %arg5[%add3A_17] : memref<320000xi32, #tpu.memory_space<hbm>> -> memref<80xi32, #tpu.memory_space<hbm>>
    tpu.enqueue_dma source(%dma_start3A_18 : memref<80xi32, #tpu.memory_space<hbm>>) target(%arg14 : memref<80xi32, #tpu.memory_space<vmem>>) target_semaphore(%arg22 : memref<!tpu.dma_semaphore, #tpu.memory_space<semaphore_mem>>)
    %add3A_19 = arith.constant 0 : i32
    %add3A_20 = arith.addi %mul3A_2, %add3A_19 : i32
    %add3A_21 = arith.constant 320000 : i32
    %add3A_22 = arith.addi %add3A_21, %add3A_20 : i32
    %add3A_23 = arith.constant 640000 : i32
    %add3A_24 = arith.addi %add3A_23, %add3A_20 : i32
    %dma_start3A_25 = tpu.memref_slice %arg6[%add3A_20] : memref<320000xi32, #tpu.memory_space<hbm>> -> memref<80xi32, #tpu.memory_space<hbm>>
    %dma_start3A_26 = tpu.memref_slice %arg6[%add3A_20] : memref<320000xi32, #tpu.memory_space<hbm>> -> memref<80xi32, #tpu.memory_space<hbm>>
    tpu.enqueue_dma source(%dma_start3A_26 : memref<80xi32, #tpu.memory_space<hbm>>) target(%arg15 : memref<80xi32, #tpu.memory_space<vmem>>) target_semaphore(%arg23 : memref<!tpu.dma_semaphore, #tpu.memory_space<semaphore_mem>>)
    %dma_start3A_27 = arith.constant 0 : i32
    %dma_start3A_28 = tpu.memref_slice %arg16[%dma_start3A_27] : memref<240xf32, #tpu.memory_space<vmem>> -> memref<80xf32, #tpu.memory_space<vmem>>
    %dma_start3A_29 = tpu.memref_slice %arg3[%add3A_20] : memref<960000xf32, #tpu.memory_space<hbm>> -> memref<80xf32, #tpu.memory_space<hbm>>
    %dma_start3A_30 = arith.constant 0 : i32
    %dma_start3A_31 = tpu.memref_slice %arg16[%dma_start3A_30] : memref<240xf32, #tpu.memory_space<vmem>> -> memref<80xf32, #tpu.memory_space<vmem>>
    %dma_start3A_32 = tpu.memref_slice %arg3[%add3A_20] : memref<960000xf32, #tpu.memory_space<hbm>> -> memref<80xf32, #tpu.memory_space<hbm>>
    tpu.enqueue_dma source(%dma_start3A_32 : memref<80xf32, #tpu.memory_space<hbm>>) target(%dma_start3A_31 : memref<80xf32, #tpu.memory_space<vmem>>) target_semaphore(%arg23 : memref<!tpu.dma_semaphore, #tpu.memory_space<semaphore_mem>>)
    %dma_start3A_33 = arith.constant 80 : i32
    %dma_start3A_34 = tpu.memref_slice %arg16[%dma_start3A_33] : memref<240xf32, #tpu.memory_space<vmem>> -> memref<80xf32, #tpu.memory_space<vmem>>
    %dma_start3A_35 = tpu.memref_slice %arg3[%add3A_22] : memref<960000xf32, #tpu.memory_space<hbm>> -> memref<80xf32, #tpu.memory_space<hbm>>
    %dma_start3A_36 = arith.constant 80 : i32
    %dma_start3A_37 = tpu.memref_slice %arg16[%dma_start3A_36] : memref<240xf32, #tpu.memory_space<vmem>> -> memref<80xf32, #tpu.memory_space<vmem>>
    %dma_start3A_38 = tpu.memref_slice %arg3[%add3A_22] : memref<960000xf32, #tpu.memory_space<hbm>> -> memref<80xf32, #tpu.memory_space<hbm>>
    tpu.enqueue_dma source(%dma_start3A_38 : memref<80xf32, #tpu.memory_space<hbm>>) target(%dma_start3A_37 : memref<80xf32, #tpu.memory_space<vmem>>) target_semaphore(%arg23 : memref<!tpu.dma_semaphore, #tpu.memory_space<semaphore_mem>>)
    %dma_start3A_39 = arith.constant 160 : i32
    %dma_start3A_40 = tpu.memref_slice %arg16[%dma_start3A_39] : memref<240xf32, #tpu.memory_space<vmem>> -> memref<80xf32, #tpu.memory_space<vmem>>
    %dma_start3A_41 = tpu.memref_slice %arg3[%add3A_24] : memref<960000xf32, #tpu.memory_space<hbm>> -> memref<80xf32, #tpu.memory_space<hbm>>
    %dma_start3A_42 = arith.constant 160 : i32
    %dma_start3A_43 = tpu.memref_slice %arg16[%dma_start3A_42] : memref<240xf32, #tpu.memory_space<vmem>> -> memref<80xf32, #tpu.memory_space<vmem>>
    %dma_start3A_44 = tpu.memref_slice %arg3[%add3A_24] : memref<960000xf32, #tpu.memory_space<hbm>> -> memref<80xf32, #tpu.memory_space<hbm>>
    tpu.enqueue_dma source(%dma_start3A_44 : memref<80xf32, #tpu.memory_space<hbm>>) target(%dma_start3A_43 : memref<80xf32, #tpu.memory_space<vmem>>) target_semaphore(%arg23 : memref<!tpu.dma_semaphore, #tpu.memory_space<semaphore_mem>>)
    %add3A_45 = arith.constant 0 : i32
    %add3A_46 = arith.addi %mul3A_2, %add3A_45 : i32
    %dma_start3A_47 = arith.constant 0 : i32
    %dma_start3A_48 = tpu.memref_slice %arg4[%add3A_46, %dma_start3A_47] : memref<320000x160xf32, #tpu.memory_space<hbm>> -> memref<40x160xf32, #tpu.memory_space<hbm>>
    %dma_start3A_49 = arith.constant 0 : i32
    %dma_start3A_50 = tpu.memref_slice %arg4[%add3A_46, %dma_start3A_49] : memref<320000x160xf32, #tpu.memory_space<hbm>> -> memref<40x160xf32, #tpu.memory_space<hbm>>
    tpu.enqueue_dma source(%dma_start3A_50 : memref<40x160xf32, #tpu.memory_space<hbm>>) target(%arg12 : memref<40x160xf32, #tpu.memory_space<vmem>>) target_semaphore(%arg30 : memref<!tpu.dma_semaphore, #tpu.memory_space<semaphore_mem>>)
    %add3A_51 = arith.constant 0 : i32
    %add3A_52 = arith.addi %mul3A_2, %add3A_51 : i32
    %add3A_53 = arith.constant 40 : i32
    %add3A_54 = arith.addi %add3A_52, %add3A_53 : i32
    %dma_start3A_55 = arith.constant 0 : i32
    %dma_start3A_56 = tpu.memref_slice %arg4[%add3A_54, %dma_start3A_55] : memref<320000x160xf32, #tpu.memory_space<hbm>> -> memref<40x160xf32, #tpu.memory_space<hbm>>
    %dma_start3A_57 = arith.constant 0 : i32
    %dma_start3A_58 = tpu.memref_slice %arg4[%add3A_54, %dma_start3A_57] : memref<320000x160xf32, #tpu.memory_space<hbm>> -> memref<40x160xf32, #tpu.memory_space<hbm>>
    tpu.enqueue_dma source(%dma_start3A_58 : memref<40x160xf32, #tpu.memory_space<hbm>>) target(%arg13 : memref<40x160xf32, #tpu.memory_space<vmem>>) target_semaphore(%arg31 : memref<!tpu.dma_semaphore, #tpu.memory_space<semaphore_mem>>)
    %add3A_59 = arith.constant 80 : i32
    %add3A_60 = arith.addi %mul3A_2, %add3A_59 : i32
    %dma_start3A_61 = tpu.memref_slice %arg5[%add3A_60] : memref<320000xi32, #tpu.memory_space<hbm>> -> memref<80xi32, #tpu.memory_space<hbm>>
    %dma_start3A_62 = tpu.memref_slice %arg5[%add3A_60] : memref<320000xi32, #tpu.memory_space<hbm>> -> memref<80xi32, #tpu.memory_space<hbm>>
    tpu.enqueue_dma source(%dma_start3A_62 : memref<80xi32, #tpu.memory_space<hbm>>) target(%arg18 : memref<80xi32, #tpu.memory_space<vmem>>) target_semaphore(%arg26 : memref<!tpu.dma_semaphore, #tpu.memory_space<semaphore_mem>>)
    %add3A_63 = arith.constant 0 : i32
    %add3A_64 = arith.addi %mul3A_2, %add3A_63 : i32
    %dma_wait3A = tpu.memref_slice %arg5[%add3A_64] : memref<320000xi32, #tpu.memory_space<hbm>> -> memref<80xi32, #tpu.memory_space<hbm>>
    %dma_wait3A_65 = tpu.memref_slice %arg5[%add3A_64] : memref<320000xi32, #tpu.memory_space<hbm>> -> memref<80xi32, #tpu.memory_space<hbm>>
    tpu.wait_dma2 semaphore(%arg22 : memref<!tpu.dma_semaphore, #tpu.memory_space<semaphore_mem>>) src(%dma_wait3A_65 : memref<80xi32, #tpu.memory_space<hbm>>) dst(%arg14 : memref<80xi32, #tpu.memory_space<vmem>>)
    %dma_start3A_66 = arith.constant 0 : i32
    %dma_start3A_67 = arith.constant 0 : i32
    %dma_start3A_68 = tpu.memref_slice %arg2[%dma_start3A_66, %dma_start3A_67] : memref<10000x128xf32, #tpu.memory_space<hbm>> -> memref<10000x128xf32, #tpu.memory_space<hbm>>
    tpu.enqueue_indirect_dma source(%dma_start3A_68 : memref<10000x128xf32, #tpu.memory_space<hbm>>) target(%arg17 : memref<80x128xf32, #tpu.memory_space<vmem>>) offsets(%arg14 : memref<80xi32, #tpu.memory_space<vmem>>) semaphore(%arg24 : memref<!tpu.dma_semaphore, #tpu.memory_space<semaphore_mem>>)
    %scan3A = arith.constant 0 : i32
    %scan3A_69 = arith.constant 0 : i32
    %scan3A_70 = arith.constant 63 : i32
    %scan3A_71 = arith.addi %scan3A_69, %scan3A_70 : i32
    %scan3A_72 = arith.constant 1 : i32
    scf.for %scan3A_91 = %scan3A_69 to %scan3A_71 step %scan3A_72  : i32 {
      %mul3A_92 = arith.constant 2 : i32
      %mul3A_93 = arith.muli %mul3A_92, %scan3A_91 : i32
      %dma_wait3A_94 = arith.constant 0 : i32
      %dma_wait3A_95 = arith.constant 0 : i32
      %dma_wait3A_96 = tpu.memref_slice %arg2[%dma_wait3A_94, %dma_wait3A_95] : memref<10000x128xf32, #tpu.memory_space<hbm>> -> memref<10000x128xf32, #tpu.memory_space<hbm>>
      tpu.wait_indirect_dma semaphore(%arg24 : memref<!tpu.dma_semaphore, #tpu.memory_space<semaphore_mem>>) src(%dma_wait3A_96 : memref<10000x128xf32, #tpu.memory_space<hbm>>) dst(%arg17 : memref<80x128xf32, #tpu.memory_space<vmem>>)
      %mul3A_97 = arith.constant 80 : i32
      %mul3A_98 = arith.muli %mul3A_93, %mul3A_97 : i32
      %add3A_99 = arith.addi %mul3A_2, %mul3A_98 : i32
      %add3A_100 = arith.constant 320000 : i32
      %add3A_101 = arith.addi %add3A_100, %add3A_99 : i32
      %add3A_102 = arith.constant 640000 : i32
      %add3A_103 = arith.addi %add3A_102, %add3A_99 : i32
      %dma_wait3A_104 = tpu.memref_slice %arg6[%add3A_99] : memref<320000xi32, #tpu.memory_space<hbm>> -> memref<80xi32, #tpu.memory_space<hbm>>
      %dma_wait3A_105 = tpu.memref_slice %arg6[%add3A_99] : memref<320000xi32, #tpu.memory_space<hbm>> -> memref<80xi32, #tpu.memory_space<hbm>>
      tpu.wait_dma2 semaphore(%arg23 : memref<!tpu.dma_semaphore, #tpu.memory_space<semaphore_mem>>) src(%dma_wait3A_105 : memref<80xi32, #tpu.memory_space<hbm>>) dst(%arg15 : memref<80xi32, #tpu.memory_space<vmem>>)
      %dma_wait3A_106 = arith.constant 0 : i32
      %dma_wait3A_107 = tpu.memref_slice %arg16[%dma_wait3A_106] : memref<240xf32, #tpu.memory_space<vmem>> -> memref<80xf32, #tpu.memory_space<vmem>>
      %dma_wait3A_108 = tpu.memref_slice %arg3[%add3A_99] : memref<960000xf32, #tpu.memory_space<hbm>> -> memref<80xf32, #tpu.memory_space<hbm>>
      %dma_wait3A_109 = arith.constant 0 : i32
      %dma_wait3A_110 = tpu.memref_slice %arg16[%dma_wait3A_109] : memref<240xf32, #tpu.memory_space<vmem>> -> memref<80xf32, #tpu.memory_space<vmem>>
      %dma_wait3A_111 = tpu.memref_slice %arg3[%add3A_99] : memref<960000xf32, #tpu.memory_space<hbm>> -> memref<80xf32, #tpu.memory_space<hbm>>
      tpu.wait_dma2 semaphore(%arg23 : memref<!tpu.dma_semaphore, #tpu.memory_space<semaphore_mem>>) src(%dma_wait3A_111 : memref<80xf32, #tpu.memory_space<hbm>>) dst(%dma_wait3A_110 : memref<80xf32, #tpu.memory_space<vmem>>)
      %dma_wait3A_112 = arith.constant 80 : i32
      %dma_wait3A_113 = tpu.memref_slice %arg16[%dma_wait3A_112] : memref<240xf32, #tpu.memory_space<vmem>> -> memref<80xf32, #tpu.memory_space<vmem>>
      %dma_wait3A_114 = tpu.memref_slice %arg3[%add3A_101] : memref<960000xf32, #tpu.memory_space<hbm>> -> memref<80xf32, #tpu.memory_space<hbm>>
      %dma_wait3A_115 = arith.constant 80 : i32
      %dma_wait3A_116 = tpu.memref_slice %arg16[%dma_wait3A_115] : memref<240xf32, #tpu.memory_space<vmem>> -> memref<80xf32, #tpu.memory_space<vmem>>
      %dma_wait3A_117 = tpu.memref_slice %arg3[%add3A_101] : memref<960000xf32, #tpu.memory_space<hbm>> -> memref<80xf32, #tpu.memory_space<hbm>>
      tpu.wait_dma2 semaphore(%arg23 : memref<!tpu.dma_semaphore, #tpu.memory_space<semaphore_mem>>) src(%dma_wait3A_117 : memref<80xf32, #tpu.memory_space<hbm>>) dst(%dma_wait3A_116 : memref<80xf32, #tpu.memory_space<vmem>>)
      %dma_wait3A_118 = arith.constant 160 : i32
      %dma_wait3A_119 = tpu.memref_slice %arg16[%dma_wait3A_118] : memref<240xf32, #tpu.memory_space<vmem>> -> memref<80xf32, #tpu.memory_space<vmem>>
      %dma_wait3A_120 = tpu.memref_slice %arg3[%add3A_103] : memref<960000xf32, #tpu.memory_space<hbm>> -> memref<80xf32, #tpu.memory_space<hbm>>
      %dma_wait3A_121 = arith.constant 160 : i32
      %dma_wait3A_122 = tpu.memref_slice %arg16[%dma_wait3A_121] : memref<240xf32, #tpu.memory_space<vmem>> -> memref<80xf32, #tpu.memory_space<vmem>>
      %dma_wait3A_123 = tpu.memref_slice %arg3[%add3A_103] : memref<960000xf32, #tpu.memory_space<hbm>> -> memref<80xf32, #tpu.memory_space<hbm>>
      tpu.wait_dma2 semaphore(%arg23 : memref<!tpu.dma_semaphore, #tpu.memory_space<semaphore_mem>>) src(%dma_wait3A_123 : memref<80xf32, #tpu.memory_space<hbm>>) dst(%dma_wait3A_122 : memref<80xf32, #tpu.memory_space<vmem>>)
      %add3A_124 = arith.constant 2 : i32
      %add3A_125 = arith.addi %mul3A_93, %add3A_124 : i32
      %lt3A = arith.constant 125 : i32
      %lt3A_126 = arith.cmpi slt, %add3A_125, %lt3A : i32
      %convert_element_type3A_127 = arith.extui %lt3A_126 : i1 to i32
      %cond3A_128 = arith.constant 0 : i32
      %cond3A_129 = arith.cmpi ne, %convert_element_type3A_127, %cond3A_128 : i32
      scf.if %cond3A_129 {
        %add3A_201 = arith.constant 2 : i32
        %add3A_202 = arith.addi %mul3A_93, %add3A_201 : i32
        %mul3A_203 = arith.constant 80 : i32
        %mul3A_204 = arith.muli %add3A_202, %mul3A_203 : i32
        %add3A_205 = arith.addi %mul3A_2, %mul3A_204 : i32
        %dma_start3A_206 = tpu.memref_slice %arg5[%add3A_205] : memref<320000xi32, #tpu.memory_space<hbm>> -> memref<80xi32, #tpu.memory_space<hbm>>
        %dma_start3A_207 = tpu.memref_slice %arg5[%add3A_205] : memref<320000xi32, #tpu.memory_space<hbm>> -> memref<80xi32, #tpu.memory_space<hbm>>
        tpu.enqueue_dma source(%dma_start3A_207 : memref<80xi32, #tpu.memory_space<hbm>>) target(%arg14 : memref<80xi32, #tpu.memory_space<vmem>>) target_semaphore(%arg22 : memref<!tpu.dma_semaphore, #tpu.memory_space<semaphore_mem>>)
      } else {
      }
      %ge3A = arith.constant 1 : i32
      %ge3A_130 = arith.cmpi sge, %mul3A_93, %ge3A : i32
      %convert_element_type3A_131 = arith.extui %ge3A_130 : i1 to i32
      %cond3A_132 = arith.constant 0 : i32
      %cond3A_133 = arith.cmpi ne, %convert_element_type3A_131, %cond3A_132 : i32
      scf.if %cond3A_133 {
        %dma_wait3A_201 = arith.constant 0 : i32
        %dma_wait3A_202 = arith.constant 0 : i32
        %dma_wait3A_203 = tpu.memref_slice %arg10[%dma_wait3A_201, %dma_wait3A_202] : memref<10000x128xf32, #tpu.memory_space<vmem_shared>> -> memref<10000x128xf32, #tpu.memory_space<vmem_shared>>
        tpu.wait_indirect_dma semaphore(%arg29 : memref<!tpu.dma_semaphore, #tpu.memory_space<semaphore_mem>>) src(%arg21 : memref<80x128xf32, #tpu.memory_space<vmem>>) dst(%dma_wait3A_203 : memref<10000x128xf32, #tpu.memory_space<vmem_shared>>)
      } else {
      }
      %add3A_134 = arith.constant 1 : i32
      %add3A_135 = arith.addi %mul3A_93, %add3A_134 : i32
      %lt3A_136 = arith.constant 125 : i32
      %lt3A_137 = arith.cmpi slt, %add3A_135, %lt3A_136 : i32
      %convert_element_type3A_138 = arith.extui %lt3A_137 : i1 to i32
      %cond3A_139 = arith.constant 0 : i32
      %cond3A_140 = arith.cmpi ne, %convert_element_type3A_138, %cond3A_139 : i32
      scf.if %cond3A_140 {
        %add3A_201 = arith.constant 1 : i32
        %add3A_202 = arith.addi %mul3A_93, %add3A_201 : i32
        %mul3A_203 = arith.constant 80 : i32
        %mul3A_204 = arith.muli %add3A_202, %mul3A_203 : i32
        %add3A_205 = arith.addi %mul3A_2, %mul3A_204 : i32
        %add3A_206 = arith.constant 320000 : i32
        %add3A_207 = arith.addi %add3A_206, %add3A_205 : i32
        %add3A_208 = arith.constant 640000 : i32
        %add3A_209 = arith.addi %add3A_208, %add3A_205 : i32
        %dma_start3A_210 = tpu.memref_slice %arg6[%add3A_205] : memref<320000xi32, #tpu.memory_space<hbm>> -> memref<80xi32, #tpu.memory_space<hbm>>
        %dma_start3A_211 = tpu.memref_slice %arg6[%add3A_205] : memref<320000xi32, #tpu.memory_space<hbm>> -> memref<80xi32, #tpu.memory_space<hbm>>
        tpu.enqueue_dma source(%dma_start3A_211 : memref<80xi32, #tpu.memory_space<hbm>>) target(%arg19 : memref<80xi32, #tpu.memory_space<vmem>>) target_semaphore(%arg27 : memref<!tpu.dma_semaphore, #tpu.memory_space<semaphore_mem>>)
        %dma_start3A_212 = arith.constant 0 : i32
        %dma_start3A_213 = tpu.memref_slice %arg20[%dma_start3A_212] : memref<240xf32, #tpu.memory_space<vmem>> -> memref<80xf32, #tpu.memory_space<vmem>>
        %dma_start3A_214 = tpu.memref_slice %arg3[%add3A_205] : memref<960000xf32, #tpu.memory_space<hbm>> -> memref<80xf32, #tpu.memory_space<hbm>>
        %dma_start3A_215 = arith.constant 0 : i32
        %dma_start3A_216 = tpu.memref_slice %arg20[%dma_start3A_215] : memref<240xf32, #tpu.memory_space<vmem>> -> memref<80xf32, #tpu.memory_space<vmem>>
        %dma_start3A_217 = tpu.memref_slice %arg3[%add3A_205] : memref<960000xf32, #tpu.memory_space<hbm>> -> memref<80xf32, #tpu.memory_space<hbm>>
        tpu.enqueue_dma source(%dma_start3A_217 : memref<80xf32, #tpu.memory_space<hbm>>) target(%dma_start3A_216 : memref<80xf32, #tpu.memory_space<vmem>>) target_semaphore(%arg27 : memref<!tpu.dma_semaphore, #tpu.memory_space<semaphore_mem>>)
        %dma_start3A_218 = arith.constant 80 : i32
        %dma_start3A_219 = tpu.memref_slice %arg20[%dma_start3A_218] : memref<240xf32, #tpu.memory_space<vmem>> -> memref<80xf32, #tpu.memory_space<vmem>>
        %dma_start3A_220 = tpu.memref_slice %arg3[%add3A_207] : memref<960000xf32, #tpu.memory_space<hbm>> -> memref<80xf32, #tpu.memory_space<hbm>>
        %dma_start3A_221 = arith.constant 80 : i32
        %dma_start3A_222 = tpu.memref_slice %arg20[%dma_start3A_221] : memref<240xf32, #tpu.memory_space<vmem>> -> memref<80xf32, #tpu.memory_space<vmem>>
        %dma_start3A_223 = tpu.memref_slice %arg3[%add3A_207] : memref<960000xf32, #tpu.memory_space<hbm>> -> memref<80xf32, #tpu.memory_space<hbm>>
        tpu.enqueue_dma source(%dma_start3A_223 : memref<80xf32, #tpu.memory_space<hbm>>) target(%dma_start3A_222 : memref<80xf32, #tpu.memory_space<vmem>>) target_semaphore(%arg27 : memref<!tpu.dma_semaphore, #tpu.memory_space<semaphore_mem>>)
        %dma_start3A_224 = arith.constant 160 : i32
        %dma_start3A_225 = tpu.memref_slice %arg20[%dma_start3A_224] : memref<240xf32, #tpu.memory_space<vmem>> -> memref<80xf32, #tpu.memory_space<vmem>>
        %dma_start3A_226 = tpu.memref_slice %arg3[%add3A_209] : memref<960000xf32, #tpu.memory_space<hbm>> -> memref<80xf32, #tpu.memory_space<hbm>>
        %dma_start3A_227 = arith.constant 160 : i32
        %dma_start3A_228 = tpu.memref_slice %arg20[%dma_start3A_227] : memref<240xf32, #tpu.memory_space<vmem>> -> memref<80xf32, #tpu.memory_space<vmem>>
        %dma_start3A_229 = tpu.memref_slice %arg3[%add3A_209] : memref<960000xf32, #tpu.memory_space<hbm>> -> memref<80xf32, #tpu.memory_space<hbm>>
        tpu.enqueue_dma source(%dma_start3A_229 : memref<80xf32, #tpu.memory_space<hbm>>) target(%dma_start3A_228 : memref<80xf32, #tpu.memory_space<vmem>>) target_semaphore(%arg27 : memref<!tpu.dma_semaphore, #tpu.memory_space<semaphore_mem>>)
        %add3A_230 = arith.constant 1 : i32
        %add3A_231 = arith.addi %mul3A_93, %add3A_230 : i32
        %mul3A_232 = arith.constant 80 : i32
        %mul3A_233 = arith.muli %add3A_231, %mul3A_232 : i32
        %add3A_234 = arith.addi %mul3A_2, %mul3A_233 : i32
        %dma_wait3A_235 = tpu.memref_slice %arg5[%add3A_234] : memref<320000xi32, #tpu.memory_space<hbm>> -> memref<80xi32, #tpu.memory_space<hbm>>
        %dma_wait3A_236 = tpu.memref_slice %arg5[%add3A_234] : memref<320000xi32, #tpu.memory_space<hbm>> -> memref<80xi32, #tpu.memory_space<hbm>>
        tpu.wait_dma2 semaphore(%arg26 : memref<!tpu.dma_semaphore, #tpu.memory_space<semaphore_mem>>) src(%dma_wait3A_236 : memref<80xi32, #tpu.memory_space<hbm>>) dst(%arg18 : memref<80xi32, #tpu.memory_space<vmem>>)
        %dma_start3A_237 = arith.constant 0 : i32
        %dma_start3A_238 = arith.constant 0 : i32
        %dma_start3A_239 = tpu.memref_slice %arg2[%dma_start3A_237, %dma_start3A_238] : memref<10000x128xf32, #tpu.memory_space<hbm>> -> memref<10000x128xf32, #tpu.memory_space<hbm>>
        tpu.enqueue_indirect_dma source(%dma_start3A_239 : memref<10000x128xf32, #tpu.memory_space<hbm>>) target(%arg21 : memref<80x128xf32, #tpu.memory_space<vmem>>) offsets(%arg18 : memref<80xi32, #tpu.memory_space<vmem>>) semaphore(%arg28 : memref<!tpu.dma_semaphore, #tpu.memory_space<semaphore_mem>>)
      } else {
      }
      %scan3A_141 = arith.constant 0 : i32
      %scan3A_142 = arith.constant 0 : i32
      %scan3A_143 = arith.constant 5 : i32
      %scan3A_144 = arith.addi %scan3A_142, %scan3A_143 : i32
      %scan3A_145 = arith.constant 1 : i32
      scf.for %scan3A_201 = %scan3A_142 to %scan3A_144 step %scan3A_145  : i32 {
        %mul3A_202 = arith.constant 16 : i32
        %mul3A_203 = arith.muli %scan3A_201, %mul3A_202 : i32
        %get3A = arith.index_cast %mul3A_203 : i32 to index
        %get3A_204 = tpu.vector_load %arg16[%get3A] {strides = array<i32>} : memref<240xf32, #tpu.memory_space<vmem>>, vector<16xf32>,
        %add3A_205 = arith.constant 80 : i32
        %add3A_206 = arith.addi %add3A_205, %mul3A_203 : i32
        %get3A_207 = arith.index_cast %add3A_206 : i32 to index
        %get3A_208 = tpu.vector_load %arg16[%get3A_207] {strides = array<i32>} : memref<240xf32, #tpu.memory_space<vmem>>, vector<16xf32>,
        %add3A_209 = arith.constant 160 : i32
        %add3A_210 = arith.addi %add3A_209, %mul3A_203 : i32
        %get3A_211 = arith.index_cast %add3A_210 : i32 to index
        %get3A_212 = tpu.vector_load %arg16[%get3A_211] {strides = array<i32>} : memref<240xf32, #tpu.memory_space<vmem>>, vector<16xf32>,
        %mul3A_213 = arith.mulf %get3A_204, %get3A_204 : vector<16xf32>
        %mul3A_214 = arith.mulf %get3A_208, %get3A_208 : vector<16xf32>
        %add3A_215 = arith.addf %mul3A_213, %mul3A_214 : vector<16xf32>
        %mul3A_216 = arith.mulf %get3A_212, %get3A_212 : vector<16xf32>
        %add3A_217 = arith.addf %add3A_215, %mul3A_216 : vector<16xf32>
        %bitcast3A = vector.bitcast %add3A_217 : vector<16xf32> to vector<16xi32>
        %broadcast_in_dim3A = arith.constant 1597463007 : i32
        %broadcast_in_dim3A_218 = vector.broadcast %broadcast_in_dim3A : i32 to vector<16xi32>
        %shift_right_arithmetic3A = arith.constant 1 : i32
        %shift_right_arithmetic3A_219 = vector.broadcast %shift_right_arithmetic3A : i32 to vector<16xi32>
        %shift_right_arithmetic3A_220 = arith.shrsi %bitcast3A, %shift_right_arithmetic3A_219 : vector<16xi32>
        %sub3A = arith.subi %broadcast_in_dim3A_218, %shift_right_arithmetic3A_220 : vector<16xi32>
        %bitcast3A_221 = vector.bitcast %sub3A : vector<16xi32> to vector<16xf32>
        %mul3A_222 = arith.constant 5.000000e-01 : f32
        %mul3A_223 = vector.broadcast %mul3A_222 : f32 to vector<16xf32>
        %mul3A_224 = arith.mulf %mul3A_223, %add3A_217 : vector<16xf32>
        %mul3A_225 = arith.mulf %mul3A_224, %bitcast3A_221 : vector<16xf32>
        %mul3A_226 = arith.mulf %mul3A_225, %bitcast3A_221 : vector<16xf32>
        %sub3A_227 = arith.constant 1.500000e+00 : f32
        %sub3A_228 = vector.broadcast %sub3A_227 : f32 to vector<16xf32>
        %sub3A_229 = arith.subf %sub3A_228, %mul3A_226 : vector<16xf32>
        %mul3A_230 = arith.mulf %bitcast3A_221, %sub3A_229 : vector<16xf32>
        %mul3A_231 = arith.constant 5.000000e-01 : f32
        %mul3A_232 = vector.broadcast %mul3A_231 : f32 to vector<16xf32>
        %mul3A_233 = arith.mulf %mul3A_232, %add3A_217 : vector<16xf32>
        %mul3A_234 = arith.mulf %mul3A_233, %mul3A_230 : vector<16xf32>
        %mul3A_235 = arith.mulf %mul3A_234, %mul3A_230 : vector<16xf32>
        %sub3A_236 = arith.constant 1.500000e+00 : f32
        %sub3A_237 = vector.broadcast %sub3A_236 : f32 to vector<16xf32>
        %sub3A_238 = arith.subf %sub3A_237, %mul3A_235 : vector<16xf32>
        %mul3A_239 = arith.mulf %mul3A_230, %sub3A_238 : vector<16xf32>
        %mul3A_240 = arith.constant 5.000000e-01 : f32
        %mul3A_241 = vector.broadcast %mul3A_240 : f32 to vector<16xf32>
        %mul3A_242 = arith.mulf %mul3A_241, %add3A_217 : vector<16xf32>
        %mul3A_243 = arith.mulf %mul3A_242, %mul3A_239 : vector<16xf32>
        %mul3A_244 = arith.mulf %mul3A_243, %mul3A_239 : vector<16xf32>
        %sub3A_245 = arith.constant 1.500000e+00 : f32
        %sub3A_246 = vector.broadcast %sub3A_245 : f32 to vector<16xf32>
        %sub3A_247 = arith.subf %sub3A_246, %mul3A_244 : vector<16xf32>
        %mul3A_248 = arith.mulf %mul3A_239, %sub3A_247 : vector<16xf32>
        %mul3A_249 = arith.constant 1.73205078 : f32
        %mul3A_250 = vector.broadcast %mul3A_249 : f32 to vector<16xf32>
        %mul3A_251 = arith.mulf %mul3A_250, %mul3A_248 : vector<16xf32>
        %mul3A_252 = arith.mulf %get3A_204, %mul3A_251 : vector<16xf32>
        %swap3A = arith.index_cast %mul3A_203 : i32 to index
        %swap3A_253 = tpu.vector_load %arg11[%swap3A] {strides = array<i32>} : memref<240xf32, #tpu.memory_space<vmem>>, vector<16xf32>,
        tpu.vector_store %arg11[%swap3A], %mul3A_252 {strides = array<i32>} : memref<240xf32, #tpu.memory_space<vmem>>, vector<16xf32>,
        %mul3A_254 = arith.mulf %get3A_208, %mul3A_251 : vector<16xf32>
        %add3A_255 = arith.constant 80 : i32
        %add3A_256 = arith.addi %add3A_255, %mul3A_203 : i32
        %swap3A_257 = arith.index_cast %add3A_256 : i32 to index
        %swap3A_258 = tpu.vector_load %arg11[%swap3A_257] {strides = array<i32>} : memref<240xf32, #tpu.memory_space<vmem>>, vector<16xf32>,
        tpu.vector_store %arg11[%swap3A_257], %mul3A_254 {strides = array<i32>} : memref<240xf32, #tpu.memory_space<vmem>>, vector<16xf32>,
        %mul3A_259 = arith.mulf %get3A_212, %mul3A_251 : vector<16xf32>
        %add3A_260 = arith.constant 160 : i32
        %add3A_261 = arith.addi %add3A_260, %mul3A_203 : i32
        %swap3A_262 = arith.index_cast %add3A_261 : i32 to index
        %swap3A_263 = tpu.vector_load %arg11[%swap3A_262] {strides = array<i32>} : memref<240xf32, #tpu.memory_space<vmem>>, vector<16xf32>,
        tpu.vector_store %arg11[%swap3A_262], %mul3A_259 {strides = array<i32>} : memref<240xf32, #tpu.memory_space<vmem>>, vector<16xf32>,
      }
      %scan3A_146 = arith.constant 5 : i32
      %mul3A_147 = arith.constant 80 : i32
      %mul3A_148 = arith.muli %mul3A_93, %mul3A_147 : i32
      %add3A_149 = arith.addi %mul3A_2, %mul3A_148 : i32
      %dma_wait3A_150 = arith.constant 0 : i32
      %dma_wait3A_151 = tpu.memref_slice %arg4[%add3A_149, %dma_wait3A_150] : memref<320000x160xf32, #tpu.memory_space<hbm>> -> memref<40x160xf32, #tpu.memory_space<hbm>>
      %dma_wait3A_152 = arith.constant 0 : i32
      %dma_wait3A_153 = tpu.memref_slice %arg4[%add3A_149, %dma_wait3A_152] : memref<320000x160xf32, #tpu.memory_space<hbm>> -> memref<40x160xf32, #tpu.memory_space<hbm>>
      tpu.wait_dma2 semaphore(%arg30 : memref<!tpu.dma_semaphore, #tpu.memory_space<semaphore_mem>>) src(%dma_wait3A_153 : memref<40x160xf32, #tpu.memory_space<hbm>>) dst(%arg12 : memref<40x160xf32, #tpu.memory_space<vmem>>)
      %scan3A_154 = arith.constant 0 : i32
      %scan3A_155 = arith.constant 0 : i32
      %scan3A_156 = arith.constant 40 : i32
      %scan3A_157 = arith.addi %scan3A_155, %scan3A_156 : i32
      %scan3A_158 = arith.constant 1 : i32
      scf.for %scan3A_201 = %scan3A_155 to %scan3A_157 step %scan3A_158  : i32 {
        %add3A_202 = arith.constant 0 : i32
        %add3A_203 = arith.addi %add3A_202, %scan3A_201 : i32
        %broadcast_in_dim3A = vector.broadcast %add3A_203 : i32 to vector<16xi32>
        %gather3A = tpu.vector_load_idx %arg11[%broadcast_in_dim3A] : memref<240xf32, #tpu.memory_space<vmem>>[vector<16xi32>], vector<16xf32>,
        %add3A_204 = arith.constant 80 : i32
        %add3A_205 = arith.addi %add3A_204, %add3A_203 : i32
        %broadcast_in_dim3A_206 = vector.broadcast %add3A_205 : i32 to vector<16xi32>
        %gather3A_207 = tpu.vector_load_idx %arg11[%broadcast_in_dim3A_206] : memref<240xf32, #tpu.memory_space<vmem>>[vector<16xi32>], vector<16xf32>,
        %add3A_208 = arith.constant 160 : i32
        %add3A_209 = arith.addi %add3A_208, %add3A_203 : i32
        %broadcast_in_dim3A_210 = vector.broadcast %add3A_209 : i32 to vector<16xi32>
        %gather3A_211 = tpu.vector_load_idx %arg11[%broadcast_in_dim3A_210] : memref<240xf32, #tpu.memory_space<vmem>>[vector<16xi32>], vector<16xf32>,
        %broadcast_in_dim3A_212 = vector.broadcast %add3A_203 : i32 to vector<16xi32>
        %get3A = arith.index_cast %add3A_203 : i32 to index
        %get3A_213 = arith.constant 0 : index
        %get3A_214 = tpu.vector_load %arg17[%get3A, %get3A_213] {strides = array<i32>} : memref<80x128xf32, #tpu.memory_space<vmem>>, vector<16xf32>,
        %gather3A_215 = tpu.vector_load_idx %arg17[%broadcast_in_dim3A_212, %add3A_12] : memref<80x128xf32, #tpu.memory_space<vmem>>[vector<16xi32>, vector<16xi32>], vector<16xf32>,
        %add3A_216 = arith.constant 1 : i32
        %add3A_217 = vector.broadcast %add3A_216 : i32 to vector<16xi32>
        %add3A_218 = arith.addi %add3A_12, %add3A_217 : vector<16xi32>
        %gather3A_219 = tpu.vector_load_idx %arg17[%broadcast_in_dim3A_212, %add3A_218] : memref<80x128xf32, #tpu.memory_space<vmem>>[vector<16xi32>, vector<16xi32>], vector<16xf32>,
        %add3A_220 = arith.constant 2 : i32
        %add3A_221 = vector.broadcast %add3A_220 : i32 to vector<16xi32>
        %add3A_222 = arith.addi %add3A_12, %add3A_221 : vector<16xi32>
        %gather3A_223 = tpu.vector_load_idx %arg17[%broadcast_in_dim3A_212, %add3A_222] : memref<80x128xf32, #tpu.memory_space<vmem>>[vector<16xi32>, vector<16xi32>], vector<16xf32>,
        %get3A_224 = arith.index_cast %scan3A_201 : i32 to index
        %get3A_225 = arith.constant 0 : index
        %get3A_226 = tpu.vector_load %arg12[%get3A_224, %get3A_225] {strides = array<i32>} : memref<40x160xf32, #tpu.memory_space<vmem>>, vector<16xf32>,
        %get3A_227 = arith.index_cast %scan3A_201 : i32 to index
        %get3A_228 = arith.constant 32 : index
        %get3A_229 = tpu.vector_load %arg12[%get3A_227, %get3A_228] {strides = array<i32>} : memref<40x160xf32, #tpu.memory_space<vmem>>, vector<16xf32>,
        %get3A_230 = arith.index_cast %scan3A_201 : i32 to index
        %get3A_231 = arith.constant 64 : index
        %get3A_232 = tpu.vector_load %arg12[%get3A_230, %get3A_231] {strides = array<i32>} : memref<40x160xf32, #tpu.memory_space<vmem>>, vector<16xf32>,
        %get3A_233 = arith.index_cast %scan3A_201 : i32 to index
        %get3A_234 = arith.constant 96 : index
        %get3A_235 = tpu.vector_load %arg12[%get3A_233, %get3A_234] {strides = array<i32>} : memref<40x160xf32, #tpu.memory_space<vmem>>, vector<16xf32>,
        %get3A_236 = arith.index_cast %scan3A_201 : i32 to index
        %get3A_237 = arith.constant 128 : index
        %get3A_238 = tpu.vector_load %arg12[%get3A_236, %get3A_237] {strides = array<i32>} : memref<40x160xf32, #tpu.memory_space<vmem>>, vector<16xf32>,
        %get3A_239 = arith.index_cast %add3A_203 : i32 to index
        %get3A_240 = arith.constant 16 : index
        %get3A_241 = tpu.vector_load %arg17[%get3A_239, %get3A_240] {strides = array<i32>} : memref<80x128xf32, #tpu.memory_space<vmem>>, vector<16xf32>,
        %gather3A_242 = tpu.vector_load_idx %arg17[%broadcast_in_dim3A_212, %add3A_15] : memref<80x128xf32, #tpu.memory_space<vmem>>[vector<16xi32>, vector<16xi32>], vector<16xf32>,
        %add3A_243 = arith.constant 1 : i32
        %add3A_244 = vector.broadcast %add3A_243 : i32 to vector<16xi32>
        %add3A_245 = arith.addi %add3A_15, %add3A_244 : vector<16xi32>
        %gather3A_246 = tpu.vector_load_idx %arg17[%broadcast_in_dim3A_212, %add3A_245] : memref<80x128xf32, #tpu.memory_space<vmem>>[vector<16xi32>, vector<16xi32>], vector<16xf32>,
        %add3A_247 = arith.constant 2 : i32
        %add3A_248 = vector.broadcast %add3A_247 : i32 to vector<16xi32>
        %add3A_249 = arith.addi %add3A_15, %add3A_248 : vector<16xi32>
        %gather3A_250 = tpu.vector_load_idx %arg17[%broadcast_in_dim3A_212, %add3A_249] : memref<80x128xf32, #tpu.memory_space<vmem>>[vector<16xi32>, vector<16xi32>], vector<16xf32>,
        %get3A_251 = arith.index_cast %scan3A_201 : i32 to index
        %get3A_252 = arith.constant 16 : index
        %get3A_253 = tpu.vector_load %arg12[%get3A_251, %get3A_252] {strides = array<i32>} : memref<40x160xf32, #tpu.memory_space<vmem>>, vector<16xf32>,
        %get3A_254 = arith.index_cast %scan3A_201 : i32 to index
        %get3A_255 = arith.constant 48 : index
        %get3A_256 = tpu.vector_load %arg12[%get3A_254, %get3A_255] {strides = array<i32>} : memref<40x160xf32, #tpu.memory_space<vmem>>, vector<16xf32>,
        %get3A_257 = arith.index_cast %scan3A_201 : i32 to index
        %get3A_258 = arith.constant 80 : index
        %get3A_259 = tpu.vector_load %arg12[%get3A_257, %get3A_258] {strides = array<i32>} : memref<40x160xf32, #tpu.memory_space<vmem>>, vector<16xf32>,
        %get3A_260 = arith.index_cast %scan3A_201 : i32 to index
        %get3A_261 = arith.constant 112 : index
        %get3A_262 = tpu.vector_load %arg12[%get3A_260, %get3A_261] {strides = array<i32>} : memref<40x160xf32, #tpu.memory_space<vmem>>, vector<16xf32>,
        %get3A_263 = arith.index_cast %scan3A_201 : i32 to index
        %get3A_264 = arith.constant 144 : index
        %get3A_265 = tpu.vector_load %arg12[%get3A_263, %get3A_264] {strides = array<i32>} : memref<40x160xf32, #tpu.memory_space<vmem>>, vector<16xf32>,
        %mul3A_266 = arith.mulf %gather3A_215, %gather3A : vector<16xf32>
        %mul3A_267 = arith.mulf %gather3A_219, %gather3A_207 : vector<16xf32>
        %add3A_268 = arith.addf %mul3A_266, %mul3A_267 : vector<16xf32>
        %mul3A_269 = arith.mulf %gather3A_223, %gather3A_211 : vector<16xf32>
        %add3A_270 = arith.addf %add3A_268, %mul3A_269 : vector<16xf32>
        %mul3A_271 = arith.mulf %get3A_226, %get3A_214 : vector<16xf32>
        %mul3A_272 = arith.constant 0.707106769 : f32
        %mul3A_273 = vector.broadcast %mul3A_272 : f32 to vector<16xf32>
        %mul3A_274 = arith.mulf %mul3A_273, %mul3A_271 : vector<16xf32>
        %mul3A_275 = arith.mulf %get3A_235, %add3A_270 : vector<16xf32>
        %mul3A_276 = arith.constant 0.408248305 : f32
        %mul3A_277 = vector.broadcast %mul3A_276 : f32 to vector<16xf32>
        %mul3A_278 = arith.mulf %mul3A_277, %mul3A_275 : vector<16xf32>
        %add3A_279 = arith.addf %mul3A_274, %mul3A_278 : vector<16xf32>
        %mul3A_280 = arith.mulf %gather3A_219, %gather3A_211 : vector<16xf32>
        %mul3A_281 = arith.mulf %gather3A_223, %gather3A_207 : vector<16xf32>
        %sub3A = arith.subf %mul3A_280, %mul3A_281 : vector<16xf32>
        %mul3A_282 = arith.mulf %gather3A_223, %gather3A : vector<16xf32>
        %mul3A_283 = arith.mulf %gather3A_215, %gather3A_211 : vector<16xf32>
        %sub3A_284 = arith.subf %mul3A_282, %mul3A_283 : vector<16xf32>
        %mul3A_285 = arith.mulf %gather3A_215, %gather3A_207 : vector<16xf32>
        %mul3A_286 = arith.mulf %gather3A_219, %gather3A : vector<16xf32>
        %sub3A_287 = arith.subf %mul3A_285, %mul3A_286 : vector<16xf32>
        %mul3A_288 = arith.mulf %get3A_229, %get3A_214 : vector<16xf32>
        %mul3A_289 = arith.constant 0.577350259 : f32
        %mul3A_290 = vector.broadcast %mul3A_289 : f32 to vector<16xf32>
        %mul3A_291 = arith.mulf %mul3A_290, %mul3A_288 : vector<16xf32>
        %mul3A_292 = arith.constant 0.577350259 : f32
        %mul3A_293 = vector.broadcast %mul3A_292 : f32 to vector<16xf32>
        %mul3A_294 = arith.mulf %mul3A_293, %get3A_232 : vector<16xf32>
        %mul3A_295 = arith.constant 0.408248305 : f32
        %mul3A_296 = vector.broadcast %mul3A_295 : f32 to vector<16xf32>
        %mul3A_297 = arith.mulf %mul3A_296, %get3A_238 : vector<16xf32>
        %mul3A_298 = arith.mulf %mul3A_291, %gather3A : vector<16xf32>
        %mul3A_299 = arith.mulf %mul3A_294, %gather3A_215 : vector<16xf32>
        %add3A_300 = arith.addf %mul3A_298, %mul3A_299 : vector<16xf32>
        %mul3A_301 = arith.mulf %mul3A_297, %sub3A : vector<16xf32>
        %add3A_302 = arith.addf %add3A_300, %mul3A_301 : vector<16xf32>
        %mul3A_303 = arith.mulf %mul3A_291, %gather3A_207 : vector<16xf32>
        %mul3A_304 = arith.mulf %mul3A_294, %gather3A_219 : vector<16xf32>
        %add3A_305 = arith.addf %mul3A_303, %mul3A_304 : vector<16xf32>
        %mul3A_306 = arith.mulf %mul3A_297, %sub3A_284 : vector<16xf32>
        %add3A_307 = arith.addf %add3A_305, %mul3A_306 : vector<16xf32>
        %mul3A_308 = arith.mulf %mul3A_291, %gather3A_211 : vector<16xf32>
        %mul3A_309 = arith.mulf %mul3A_294, %gather3A_223 : vector<16xf32>
        %add3A_310 = arith.addf %mul3A_308, %mul3A_309 : vector<16xf32>
        %mul3A_311 = arith.mulf %mul3A_297, %sub3A_287 : vector<16xf32>
        %add3A_312 = arith.addf %add3A_310, %mul3A_311 : vector<16xf32>
        %mul3A_313 = arith.mulf %gather3A_242, %gather3A : vector<16xf32>
        %mul3A_314 = arith.mulf %gather3A_246, %gather3A_207 : vector<16xf32>
        %add3A_315 = arith.addf %mul3A_313, %mul3A_314 : vector<16xf32>
        %mul3A_316 = arith.mulf %gather3A_250, %gather3A_211 : vector<16xf32>
        %add3A_317 = arith.addf %add3A_315, %mul3A_316 : vector<16xf32>
        %mul3A_318 = arith.mulf %get3A_253, %get3A_241 : vector<16xf32>
        %mul3A_319 = arith.constant 0.707106769 : f32
        %mul3A_320 = vector.broadcast %mul3A_319 : f32 to vector<16xf32>
        %mul3A_321 = arith.mulf %mul3A_320, %mul3A_318 : vector<16xf32>
        %mul3A_322 = arith.mulf %get3A_262, %add3A_317 : vector<16xf32>
        %mul3A_323 = arith.constant 0.408248305 : f32
        %mul3A_324 = vector.broadcast %mul3A_323 : f32 to vector<16xf32>
        %mul3A_325 = arith.mulf %mul3A_324, %mul3A_322 : vector<16xf32>
        %add3A_326 = arith.addf %mul3A_321, %mul3A_325 : vector<16xf32>
        %mul3A_327 = arith.mulf %gather3A_246, %gather3A_211 : vector<16xf32>
        %mul3A_328 = arith.mulf %gather3A_250, %gather3A_207 : vector<16xf32>
        %sub3A_329 = arith.subf %mul3A_327, %mul3A_328 : vector<16xf32>
        %mul3A_330 = arith.mulf %gather3A_250, %gather3A : vector<16xf32>
        %mul3A_331 = arith.mulf %gather3A_242, %gather3A_211 : vector<16xf32>
        %sub3A_332 = arith.subf %mul3A_330, %mul3A_331 : vector<16xf32>
        %mul3A_333 = arith.mulf %gather3A_242, %gather3A_207 : vector<16xf32>
        %mul3A_334 = arith.mulf %gather3A_246, %gather3A : vector<16xf32>
        %sub3A_335 = arith.subf %mul3A_333, %mul3A_334 : vector<16xf32>
        %mul3A_336 = arith.mulf %get3A_256, %get3A_241 : vector<16xf32>
        %mul3A_337 = arith.constant 0.577350259 : f32
        %mul3A_338 = vector.broadcast %mul3A_337 : f32 to vector<16xf32>
        %mul3A_339 = arith.mulf %mul3A_338, %mul3A_336 : vector<16xf32>
        %mul3A_340 = arith.constant 0.577350259 : f32
        %mul3A_341 = vector.broadcast %mul3A_340 : f32 to vector<16xf32>
        %mul3A_342 = arith.mulf %mul3A_341, %get3A_259 : vector<16xf32>
        %mul3A_343 = arith.constant 0.408248305 : f32
        %mul3A_344 = vector.broadcast %mul3A_343 : f32 to vector<16xf32>
        %mul3A_345 = arith.mulf %mul3A_344, %get3A_265 : vector<16xf32>
        %mul3A_346 = arith.mulf %mul3A_339, %gather3A : vector<16xf32>
        %mul3A_347 = arith.mulf %mul3A_342, %gather3A_242 : vector<16xf32>
        %add3A_348 = arith.addf %mul3A_346, %mul3A_347 : vector<16xf32>
        %mul3A_349 = arith.mulf %mul3A_345, %sub3A_329 : vector<16xf32>
        %add3A_350 = arith.addf %add3A_348, %mul3A_349 : vector<16xf32>
        %mul3A_351 = arith.mulf %mul3A_339, %gather3A_207 : vector<16xf32>
        %mul3A_352 = arith.mulf %mul3A_342, %gather3A_246 : vector<16xf32>
        %add3A_353 = arith.addf %mul3A_351, %mul3A_352 : vector<16xf32>
        %mul3A_354 = arith.mulf %mul3A_345, %sub3A_332 : vector<16xf32>
        %add3A_355 = arith.addf %add3A_353, %mul3A_354 : vector<16xf32>
        %mul3A_356 = arith.mulf %mul3A_339, %gather3A_211 : vector<16xf32>
        %mul3A_357 = arith.mulf %mul3A_342, %gather3A_250 : vector<16xf32>
        %add3A_358 = arith.addf %mul3A_356, %mul3A_357 : vector<16xf32>
        %mul3A_359 = arith.mulf %mul3A_345, %sub3A_335 : vector<16xf32>
        %add3A_360 = arith.addf %add3A_358, %mul3A_359 : vector<16xf32>
        %swap3A = arith.index_cast %add3A_203 : i32 to index
        %swap3A_361 = arith.constant 0 : index
        %swap3A_362 = tpu.vector_load %arg17[%swap3A, %swap3A_361] {strides = array<i32>} : memref<80x128xf32, #tpu.memory_space<vmem>>, vector<16xf32>,
        tpu.vector_store %arg17[%swap3A, %swap3A_361], %add3A_279 {strides = array<i32>} : memref<80x128xf32, #tpu.memory_space<vmem>>, vector<16xf32>,
        tpu.vector_store_idx %arg17[%broadcast_in_dim3A_212, %add3A_12], %add3A_302 : memref<80x128xf32, #tpu.memory_space<vmem>>[vector<16xi32>, vector<16xi32>], vector<16xf32>,
        %add3A_363 = arith.constant 1 : i32
        %add3A_364 = vector.broadcast %add3A_363 : i32 to vector<16xi32>
        %add3A_365 = arith.addi %add3A_12, %add3A_364 : vector<16xi32>
        tpu.vector_store_idx %arg17[%broadcast_in_dim3A_212, %add3A_365], %add3A_307 : memref<80x128xf32, #tpu.memory_space<vmem>>[vector<16xi32>, vector<16xi32>], vector<16xf32>,
        %add3A_366 = arith.constant 2 : i32
        %add3A_367 = vector.broadcast %add3A_366 : i32 to vector<16xi32>
        %add3A_368 = arith.addi %add3A_12, %add3A_367 : vector<16xi32>
        tpu.vector_store_idx %arg17[%broadcast_in_dim3A_212, %add3A_368], %add3A_312 : memref<80x128xf32, #tpu.memory_space<vmem>>[vector<16xi32>, vector<16xi32>], vector<16xf32>,
        %swap3A_369 = arith.index_cast %add3A_203 : i32 to index
        %swap3A_370 = arith.constant 16 : index
        %swap3A_371 = tpu.vector_load %arg17[%swap3A_369, %swap3A_370] {strides = array<i32>} : memref<80x128xf32, #tpu.memory_space<vmem>>, vector<16xf32>,
        tpu.vector_store %arg17[%swap3A_369, %swap3A_370], %add3A_326 {strides = array<i32>} : memref<80x128xf32, #tpu.memory_space<vmem>>, vector<16xf32>,
        tpu.vector_store_idx %arg17[%broadcast_in_dim3A_212, %add3A_15], %add3A_350 : memref<80x128xf32, #tpu.memory_space<vmem>>[vector<16xi32>, vector<16xi32>], vector<16xf32>,
        %add3A_372 = arith.constant 1 : i32
        %add3A_373 = vector.broadcast %add3A_372 : i32 to vector<16xi32>
        %add3A_374 = arith.addi %add3A_15, %add3A_373 : vector<16xi32>
        tpu.vector_store_idx %arg17[%broadcast_in_dim3A_212, %add3A_374], %add3A_355 : memref<80x128xf32, #tpu.memory_space<vmem>>[vector<16xi32>, vector<16xi32>], vector<16xf32>,
        %add3A_375 = arith.constant 2 : i32
        %add3A_376 = vector.broadcast %add3A_375 : i32 to vector<16xi32>
        %add3A_377 = arith.addi %add3A_15, %add3A_376 : vector<16xi32>
        tpu.vector_store_idx %arg17[%broadcast_in_dim3A_212, %add3A_377], %add3A_360 : memref<80x128xf32, #tpu.memory_space<vmem>>[vector<16xi32>, vector<16xi32>], vector<16xf32>,
      }
      %scan3A_159 = arith.constant 40 : i32
      %add3A_160 = arith.constant 1 : i32
      %add3A_161 = arith.addi %mul3A_93, %add3A_160 : i32
      %lt3A_162 = arith.constant 125 : i32
      %lt3A_163 = arith.cmpi slt, %add3A_161, %lt3A_162 : i32
      %convert_element_type3A_164 = arith.extui %lt3A_163 : i1 to i32
      %cond3A_165 = arith.constant 0 : i32
      %cond3A_166 = arith.cmpi ne, %convert_element_type3A_164, %cond3A_165 : i32
      scf.if %cond3A_166 {
        %add3A_201 = arith.constant 1 : i32
        %add3A_202 = arith.addi %mul3A_93, %add3A_201 : i32
        %mul3A_203 = arith.constant 80 : i32
        %mul3A_204 = arith.muli %add3A_202, %mul3A_203 : i32
        %add3A_205 = arith.addi %mul3A_2, %mul3A_204 : i32
        %dma_start3A_206 = arith.constant 0 : i32
        %dma_start3A_207 = tpu.memref_slice %arg4[%add3A_205, %dma_start3A_206] : memref<320000x160xf32, #tpu.memory_space<hbm>> -> memref<40x160xf32, #tpu.memory_space<hbm>>
        %dma_start3A_208 = arith.constant 0 : i32
        %dma_start3A_209 = tpu.memref_slice %arg4[%add3A_205, %dma_start3A_208] : memref<320000x160xf32, #tpu.memory_space<hbm>> -> memref<40x160xf32, #tpu.memory_space<hbm>>
        tpu.enqueue_dma source(%dma_start3A_209 : memref<40x160xf32, #tpu.memory_space<hbm>>) target(%arg12 : memref<40x160xf32, #tpu.memory_space<vmem>>) target_semaphore(%arg30 : memref<!tpu.dma_semaphore, #tpu.memory_space<semaphore_mem>>)
      } else {
      }
      %mul3A_167 = arith.constant 80 : i32
      %mul3A_168 = arith.muli %mul3A_93, %mul3A_167 : i32
      %add3A_169 = arith.addi %mul3A_2, %mul3A_168 : i32
      %add3A_170 = arith.constant 40 : i32
      %add3A_171 = arith.addi %add3A_169, %add3A_170 : i32
      %dma_wait3A_172 = arith.constant 0 : i32
      %dma_wait3A_173 = tpu.memref_slice %arg4[%add3A_171, %dma_wait3A_172] : memref<320000x160xf32, #tpu.memory_space<hbm>> -> memref<40x160xf32, #tpu.memory_space<hbm>>
      %dma_wait3A_174 = arith.constant 0 : i32
      %dma_wait3A_175 = tpu.memref_slice %arg4[%add3A_171, %dma_wait3A_174] : memref<320000x160xf32, #tpu.memory_space<hbm>> -> memref<40x160xf32, #tpu.memory_space<hbm>>
      tpu.wait_dma2 semaphore(%arg31 : memref<!tpu.dma_semaphore, #tpu.memory_space<semaphore_mem>>) src(%dma_wait3A_175 : memref<40x160xf32, #tpu.memory_space<hbm>>) dst(%arg13 : memref<40x160xf32, #tpu.memory_space<vmem>>)
      %scan3A_176 = arith.constant 0 : i32
      %scan3A_177 = arith.constant 0 : i32
      %scan3A_178 = arith.constant 40 : i32
      %scan3A_179 = arith.addi %scan3A_177, %scan3A_178 : i32
      %scan3A_180 = arith.constant 1 : i32
      scf.for %scan3A_201 = %scan3A_177 to %scan3A_179 step %scan3A_180  : i32 {
        %add3A_202 = arith.constant 40 : i32
        %add3A_203 = arith.addi %add3A_202, %scan3A_201 : i32
        %broadcast_in_dim3A = vector.broadcast %add3A_203 : i32 to vector<16xi32>
        %gather3A = tpu.vector_load_idx %arg11[%broadcast_in_dim3A] : memref<240xf32, #tpu.memory_space<vmem>>[vector<16xi32>], vector<16xf32>,
        %add3A_204 = arith.constant 80 : i32
        %add3A_205 = arith.addi %add3A_204, %add3A_203 : i32
        %broadcast_in_dim3A_206 = vector.broadcast %add3A_205 : i32 to vector<16xi32>
        %gather3A_207 = tpu.vector_load_idx %arg11[%broadcast_in_dim3A_206] : memref<240xf32, #tpu.memory_space<vmem>>[vector<16xi32>], vector<16xf32>,
        %add3A_208 = arith.constant 160 : i32
        %add3A_209 = arith.addi %add3A_208, %add3A_203 : i32
        %broadcast_in_dim3A_210 = vector.broadcast %add3A_209 : i32 to vector<16xi32>
        %gather3A_211 = tpu.vector_load_idx %arg11[%broadcast_in_dim3A_210] : memref<240xf32, #tpu.memory_space<vmem>>[vector<16xi32>], vector<16xf32>,
        %broadcast_in_dim3A_212 = vector.broadcast %add3A_203 : i32 to vector<16xi32>
        %get3A = arith.index_cast %add3A_203 : i32 to index
        %get3A_213 = arith.constant 0 : index
        %get3A_214 = tpu.vector_load %arg17[%get3A, %get3A_213] {strides = array<i32>} : memref<80x128xf32, #tpu.memory_space<vmem>>, vector<16xf32>,
        %gather3A_215 = tpu.vector_load_idx %arg17[%broadcast_in_dim3A_212, %add3A_12] : memref<80x128xf32, #tpu.memory_space<vmem>>[vector<16xi32>, vector<16xi32>], vector<16xf32>,
        %add3A_216 = arith.constant 1 : i32
        %add3A_217 = vector.broadcast %add3A_216 : i32 to vector<16xi32>
        %add3A_218 = arith.addi %add3A_12, %add3A_217 : vector<16xi32>
        %gather3A_219 = tpu.vector_load_idx %arg17[%broadcast_in_dim3A_212, %add3A_218] : memref<80x128xf32, #tpu.memory_space<vmem>>[vector<16xi32>, vector<16xi32>], vector<16xf32>,
        %add3A_220 = arith.constant 2 : i32
        %add3A_221 = vector.broadcast %add3A_220 : i32 to vector<16xi32>
        %add3A_222 = arith.addi %add3A_12, %add3A_221 : vector<16xi32>
        %gather3A_223 = tpu.vector_load_idx %arg17[%broadcast_in_dim3A_212, %add3A_222] : memref<80x128xf32, #tpu.memory_space<vmem>>[vector<16xi32>, vector<16xi32>], vector<16xf32>,
        %get3A_224 = arith.index_cast %scan3A_201 : i32 to index
        %get3A_225 = arith.constant 0 : index
        %get3A_226 = tpu.vector_load %arg13[%get3A_224, %get3A_225] {strides = array<i32>} : memref<40x160xf32, #tpu.memory_space<vmem>>, vector<16xf32>,
        %get3A_227 = arith.index_cast %scan3A_201 : i32 to index
        %get3A_228 = arith.constant 32 : index
        %get3A_229 = tpu.vector_load %arg13[%get3A_227, %get3A_228] {strides = array<i32>} : memref<40x160xf32, #tpu.memory_space<vmem>>, vector<16xf32>,
        %get3A_230 = arith.index_cast %scan3A_201 : i32 to index
        %get3A_231 = arith.constant 64 : index
        %get3A_232 = tpu.vector_load %arg13[%get3A_230, %get3A_231] {strides = array<i32>} : memref<40x160xf32, #tpu.memory_space<vmem>>, vector<16xf32>,
        %get3A_233 = arith.index_cast %scan3A_201 : i32 to index
        %get3A_234 = arith.constant 96 : index
        %get3A_235 = tpu.vector_load %arg13[%get3A_233, %get3A_234] {strides = array<i32>} : memref<40x160xf32, #tpu.memory_space<vmem>>, vector<16xf32>,
        %get3A_236 = arith.index_cast %scan3A_201 : i32 to index
        %get3A_237 = arith.constant 128 : index
        %get3A_238 = tpu.vector_load %arg13[%get3A_236, %get3A_237] {strides = array<i32>} : memref<40x160xf32, #tpu.memory_space<vmem>>, vector<16xf32>,
        %get3A_239 = arith.index_cast %add3A_203 : i32 to index
        %get3A_240 = arith.constant 16 : index
        %get3A_241 = tpu.vector_load %arg17[%get3A_239, %get3A_240] {strides = array<i32>} : memref<80x128xf32, #tpu.memory_space<vmem>>, vector<16xf32>,
        %gather3A_242 = tpu.vector_load_idx %arg17[%broadcast_in_dim3A_212, %add3A_15] : memref<80x128xf32, #tpu.memory_space<vmem>>[vector<16xi32>, vector<16xi32>], vector<16xf32>,
        %add3A_243 = arith.constant 1 : i32
        %add3A_244 = vector.broadcast %add3A_243 : i32 to vector<16xi32>
        %add3A_245 = arith.addi %add3A_15, %add3A_244 : vector<16xi32>
        %gather3A_246 = tpu.vector_load_idx %arg17[%broadcast_in_dim3A_212, %add3A_245] : memref<80x128xf32, #tpu.memory_space<vmem>>[vector<16xi32>, vector<16xi32>], vector<16xf32>,
        %add3A_247 = arith.constant 2 : i32
        %add3A_248 = vector.broadcast %add3A_247 : i32 to vector<16xi32>
        %add3A_249 = arith.addi %add3A_15, %add3A_248 : vector<16xi32>
        %gather3A_250 = tpu.vector_load_idx %arg17[%broadcast_in_dim3A_212, %add3A_249] : memref<80x128xf32, #tpu.memory_space<vmem>>[vector<16xi32>, vector<16xi32>], vector<16xf32>,
        %get3A_251 = arith.index_cast %scan3A_201 : i32 to index
        %get3A_252 = arith.constant 16 : index
        %get3A_253 = tpu.vector_load %arg13[%get3A_251, %get3A_252] {strides = array<i32>} : memref<40x160xf32, #tpu.memory_space<vmem>>, vector<16xf32>,
        %get3A_254 = arith.index_cast %scan3A_201 : i32 to index
        %get3A_255 = arith.constant 48 : index
        %get3A_256 = tpu.vector_load %arg13[%get3A_254, %get3A_255] {strides = array<i32>} : memref<40x160xf32, #tpu.memory_space<vmem>>, vector<16xf32>,
        %get3A_257 = arith.index_cast %scan3A_201 : i32 to index
        %get3A_258 = arith.constant 80 : index
        %get3A_259 = tpu.vector_load %arg13[%get3A_257, %get3A_258] {strides = array<i32>} : memref<40x160xf32, #tpu.memory_space<vmem>>, vector<16xf32>,
        %get3A_260 = arith.index_cast %scan3A_201 : i32 to index
        %get3A_261 = arith.constant 112 : index
        %get3A_262 = tpu.vector_load %arg13[%get3A_260, %get3A_261] {strides = array<i32>} : memref<40x160xf32, #tpu.memory_space<vmem>>, vector<16xf32>,
        %get3A_263 = arith.index_cast %scan3A_201 : i32 to index
        %get3A_264 = arith.constant 144 : index
        %get3A_265 = tpu.vector_load %arg13[%get3A_263, %get3A_264] {strides = array<i32>} : memref<40x160xf32, #tpu.memory_space<vmem>>, vector<16xf32>,
        %mul3A_266 = arith.mulf %gather3A_215, %gather3A : vector<16xf32>
        %mul3A_267 = arith.mulf %gather3A_219, %gather3A_207 : vector<16xf32>
        %add3A_268 = arith.addf %mul3A_266, %mul3A_267 : vector<16xf32>
        %mul3A_269 = arith.mulf %gather3A_223, %gather3A_211 : vector<16xf32>
        %add3A_270 = arith.addf %add3A_268, %mul3A_269 : vector<16xf32>
        %mul3A_271 = arith.mulf %get3A_226, %get3A_214 : vector<16xf32>
        %mul3A_272 = arith.constant 0.707106769 : f32
        %mul3A_273 = vector.broadcast %mul3A_272 : f32 to vector<16xf32>
        %mul3A_274 = arith.mulf %mul3A_273, %mul3A_271 : vector<16xf32>
        %mul3A_275 = arith.mulf %get3A_235, %add3A_270 : vector<16xf32>
        %mul3A_276 = arith.constant 0.408248305 : f32
        %mul3A_277 = vector.broadcast %mul3A_276 : f32 to vector<16xf32>
        %mul3A_278 = arith.mulf %mul3A_277, %mul3A_275 : vector<16xf32>
        %add3A_279 = arith.addf %mul3A_274, %mul3A_278 : vector<16xf32>
        %mul3A_280 = arith.mulf %gather3A_219, %gather3A_211 : vector<16xf32>
        %mul3A_281 = arith.mulf %gather3A_223, %gather3A_207 : vector<16xf32>
        %sub3A = arith.subf %mul3A_280, %mul3A_281 : vector<16xf32>
        %mul3A_282 = arith.mulf %gather3A_223, %gather3A : vector<16xf32>
        %mul3A_283 = arith.mulf %gather3A_215, %gather3A_211 : vector<16xf32>
        %sub3A_284 = arith.subf %mul3A_282, %mul3A_283 : vector<16xf32>
        %mul3A_285 = arith.mulf %gather3A_215, %gather3A_207 : vector<16xf32>
        %mul3A_286 = arith.mulf %gather3A_219, %gather3A : vector<16xf32>
        %sub3A_287 = arith.subf %mul3A_285, %mul3A_286 : vector<16xf32>
        %mul3A_288 = arith.mulf %get3A_229, %get3A_214 : vector<16xf32>
        %mul3A_289 = arith.constant 0.577350259 : f32
        %mul3A_290 = vector.broadcast %mul3A_289 : f32 to vector<16xf32>
        %mul3A_291 = arith.mulf %mul3A_290, %mul3A_288 : vector<16xf32>
        %mul3A_292 = arith.constant 0.577350259 : f32
        %mul3A_293 = vector.broadcast %mul3A_292 : f32 to vector<16xf32>
        %mul3A_294 = arith.mulf %mul3A_293, %get3A_232 : vector<16xf32>
        %mul3A_295 = arith.constant 0.408248305 : f32
        %mul3A_296 = vector.broadcast %mul3A_295 : f32 to vector<16xf32>
        %mul3A_297 = arith.mulf %mul3A_296, %get3A_238 : vector<16xf32>
        %mul3A_298 = arith.mulf %mul3A_291, %gather3A : vector<16xf32>
        %mul3A_299 = arith.mulf %mul3A_294, %gather3A_215 : vector<16xf32>
        %add3A_300 = arith.addf %mul3A_298, %mul3A_299 : vector<16xf32>
        %mul3A_301 = arith.mulf %mul3A_297, %sub3A : vector<16xf32>
        %add3A_302 = arith.addf %add3A_300, %mul3A_301 : vector<16xf32>
        %mul3A_303 = arith.mulf %mul3A_291, %gather3A_207 : vector<16xf32>
        %mul3A_304 = arith.mulf %mul3A_294, %gather3A_219 : vector<16xf32>
        %add3A_305 = arith.addf %mul3A_303, %mul3A_304 : vector<16xf32>
        %mul3A_306 = arith.mulf %mul3A_297, %sub3A_284 : vector<16xf32>
        %add3A_307 = arith.addf %add3A_305, %mul3A_306 : vector<16xf32>
        %mul3A_308 = arith.mulf %mul3A_291, %gather3A_211 : vector<16xf32>
        %mul3A_309 = arith.mulf %mul3A_294, %gather3A_223 : vector<16xf32>
        %add3A_310 = arith.addf %mul3A_308, %mul3A_309 : vector<16xf32>
        %mul3A_311 = arith.mulf %mul3A_297, %sub3A_287 : vector<16xf32>
        %add3A_312 = arith.addf %add3A_310, %mul3A_311 : vector<16xf32>
        %mul3A_313 = arith.mulf %gather3A_242, %gather3A : vector<16xf32>
        %mul3A_314 = arith.mulf %gather3A_246, %gather3A_207 : vector<16xf32>
        %add3A_315 = arith.addf %mul3A_313, %mul3A_314 : vector<16xf32>
        %mul3A_316 = arith.mulf %gather3A_250, %gather3A_211 : vector<16xf32>
        %add3A_317 = arith.addf %add3A_315, %mul3A_316 : vector<16xf32>
        %mul3A_318 = arith.mulf %get3A_253, %get3A_241 : vector<16xf32>
        %mul3A_319 = arith.constant 0.707106769 : f32
        %mul3A_320 = vector.broadcast %mul3A_319 : f32 to vector<16xf32>
        %mul3A_321 = arith.mulf %mul3A_320, %mul3A_318 : vector<16xf32>
        %mul3A_322 = arith.mulf %get3A_262, %add3A_317 : vector<16xf32>
        %mul3A_323 = arith.constant 0.408248305 : f32
        %mul3A_324 = vector.broadcast %mul3A_323 : f32 to vector<16xf32>
        %mul3A_325 = arith.mulf %mul3A_324, %mul3A_322 : vector<16xf32>
        %add3A_326 = arith.addf %mul3A_321, %mul3A_325 : vector<16xf32>
        %mul3A_327 = arith.mulf %gather3A_246, %gather3A_211 : vector<16xf32>
        %mul3A_328 = arith.mulf %gather3A_250, %gather3A_207 : vector<16xf32>
        %sub3A_329 = arith.subf %mul3A_327, %mul3A_328 : vector<16xf32>
        %mul3A_330 = arith.mulf %gather3A_250, %gather3A : vector<16xf32>
        %mul3A_331 = arith.mulf %gather3A_242, %gather3A_211 : vector<16xf32>
        %sub3A_332 = arith.subf %mul3A_330, %mul3A_331 : vector<16xf32>
        %mul3A_333 = arith.mulf %gather3A_242, %gather3A_207 : vector<16xf32>
        %mul3A_334 = arith.mulf %gather3A_246, %gather3A : vector<16xf32>
        %sub3A_335 = arith.subf %mul3A_333, %mul3A_334 : vector<16xf32>
        %mul3A_336 = arith.mulf %get3A_256, %get3A_241 : vector<16xf32>
        %mul3A_337 = arith.constant 0.577350259 : f32
        %mul3A_338 = vector.broadcast %mul3A_337 : f32 to vector<16xf32>
        %mul3A_339 = arith.mulf %mul3A_338, %mul3A_336 : vector<16xf32>
        %mul3A_340 = arith.constant 0.577350259 : f32
        %mul3A_341 = vector.broadcast %mul3A_340 : f32 to vector<16xf32>
        %mul3A_342 = arith.mulf %mul3A_341, %get3A_259 : vector<16xf32>
        %mul3A_343 = arith.constant 0.408248305 : f32
        %mul3A_344 = vector.broadcast %mul3A_343 : f32 to vector<16xf32>
        %mul3A_345 = arith.mulf %mul3A_344, %get3A_265 : vector<16xf32>
        %mul3A_346 = arith.mulf %mul3A_339, %gather3A : vector<16xf32>
        %mul3A_347 = arith.mulf %mul3A_342, %gather3A_242 : vector<16xf32>
        %add3A_348 = arith.addf %mul3A_346, %mul3A_347 : vector<16xf32>
        %mul3A_349 = arith.mulf %mul3A_345, %sub3A_329 : vector<16xf32>
        %add3A_350 = arith.addf %add3A_348, %mul3A_349 : vector<16xf32>
        %mul3A_351 = arith.mulf %mul3A_339, %gather3A_207 : vector<16xf32>
        %mul3A_352 = arith.mulf %mul3A_342, %gather3A_246 : vector<16xf32>
        %add3A_353 = arith.addf %mul3A_351, %mul3A_352 : vector<16xf32>
        %mul3A_354 = arith.mulf %mul3A_345, %sub3A_332 : vector<16xf32>
        %add3A_355 = arith.addf %add3A_353, %mul3A_354 : vector<16xf32>
        %mul3A_356 = arith.mulf %mul3A_339, %gather3A_211 : vector<16xf32>
        %mul3A_357 = arith.mulf %mul3A_342, %gather3A_250 : vector<16xf32>
        %add3A_358 = arith.addf %mul3A_356, %mul3A_357 : vector<16xf32>
        %mul3A_359 = arith.mulf %mul3A_345, %sub3A_335 : vector<16xf32>
        %add3A_360 = arith.addf %add3A_358, %mul3A_359 : vector<16xf32>
        %swap3A = arith.index_cast %add3A_203 : i32 to index
        %swap3A_361 = arith.constant 0 : index
        %swap3A_362 = tpu.vector_load %arg17[%swap3A, %swap3A_361] {strides = array<i32>} : memref<80x128xf32, #tpu.memory_space<vmem>>, vector<16xf32>,
        tpu.vector_store %arg17[%swap3A, %swap3A_361], %add3A_279 {strides = array<i32>} : memref<80x128xf32, #tpu.memory_space<vmem>>, vector<16xf32>,
        tpu.vector_store_idx %arg17[%broadcast_in_dim3A_212, %add3A_12], %add3A_302 : memref<80x128xf32, #tpu.memory_space<vmem>>[vector<16xi32>, vector<16xi32>], vector<16xf32>,
        %add3A_363 = arith.constant 1 : i32
        %add3A_364 = vector.broadcast %add3A_363 : i32 to vector<16xi32>
        %add3A_365 = arith.addi %add3A_12, %add3A_364 : vector<16xi32>
        tpu.vector_store_idx %arg17[%broadcast_in_dim3A_212, %add3A_365], %add3A_307 : memref<80x128xf32, #tpu.memory_space<vmem>>[vector<16xi32>, vector<16xi32>], vector<16xf32>,
        %add3A_366 = arith.constant 2 : i32
        %add3A_367 = vector.broadcast %add3A_366 : i32 to vector<16xi32>
        %add3A_368 = arith.addi %add3A_12, %add3A_367 : vector<16xi32>
        tpu.vector_store_idx %arg17[%broadcast_in_dim3A_212, %add3A_368], %add3A_312 : memref<80x128xf32, #tpu.memory_space<vmem>>[vector<16xi32>, vector<16xi32>], vector<16xf32>,
        %swap3A_369 = arith.index_cast %add3A_203 : i32 to index
        %swap3A_370 = arith.constant 16 : index
        %swap3A_371 = tpu.vector_load %arg17[%swap3A_369, %swap3A_370] {strides = array<i32>} : memref<80x128xf32, #tpu.memory_space<vmem>>, vector<16xf32>,
        tpu.vector_store %arg17[%swap3A_369, %swap3A_370], %add3A_326 {strides = array<i32>} : memref<80x128xf32, #tpu.memory_space<vmem>>, vector<16xf32>,
        tpu.vector_store_idx %arg17[%broadcast_in_dim3A_212, %add3A_15], %add3A_350 : memref<80x128xf32, #tpu.memory_space<vmem>>[vector<16xi32>, vector<16xi32>], vector<16xf32>,
        %add3A_372 = arith.constant 1 : i32
        %add3A_373 = vector.broadcast %add3A_372 : i32 to vector<16xi32>
        %add3A_374 = arith.addi %add3A_15, %add3A_373 : vector<16xi32>
        tpu.vector_store_idx %arg17[%broadcast_in_dim3A_212, %add3A_374], %add3A_355 : memref<80x128xf32, #tpu.memory_space<vmem>>[vector<16xi32>, vector<16xi32>], vector<16xf32>,
        %add3A_375 = arith.constant 2 : i32
        %add3A_376 = vector.broadcast %add3A_375 : i32 to vector<16xi32>
        %add3A_377 = arith.addi %add3A_15, %add3A_376 : vector<16xi32>
        tpu.vector_store_idx %arg17[%broadcast_in_dim3A_212, %add3A_377], %add3A_360 : memref<80x128xf32, #tpu.memory_space<vmem>>[vector<16xi32>, vector<16xi32>], vector<16xf32>,
      }
      %scan3A_181 = arith.constant 40 : i32
      %add3A_182 = arith.constant 1 : i32
      %add3A_183 = arith.addi %mul3A_93, %add3A_182 : i32
      %lt3A_184 = arith.constant 125 : i32
      %lt3A_185 = arith.cmpi slt, %add3A_183, %lt3A_184 : i32
      %convert_element_type3A_186 = arith.extui %lt3A_185 : i1 to i32
      %cond3A_187 = arith.constant 0 : i32
      %cond3A_188 = arith.cmpi ne, %convert_element_type3A_186, %cond3A_187 : i32
      scf.if %cond3A_188 {
        %add3A_201 = arith.constant 1 : i32
        %add3A_202 = arith.addi %mul3A_93, %add3A_201 : i32
        %mul3A_203 = arith.constant 80 : i32
        %mul3A_204 = arith.muli %add3A_202, %mul3A_203 : i32
        %add3A_205 = arith.addi %mul3A_2, %mul3A_204 : i32
        %add3A_206 = arith.constant 40 : i32
        %add3A_207 = arith.addi %add3A_205, %add3A_206 : i32
        %dma_start3A_208 = arith.constant 0 : i32
        %dma_start3A_209 = tpu.memref_slice %arg4[%add3A_207, %dma_start3A_208] : memref<320000x160xf32, #tpu.memory_space<hbm>> -> memref<40x160xf32, #tpu.memory_space<hbm>>
        %dma_start3A_210 = arith.constant 0 : i32
        %dma_start3A_211 = tpu.memref_slice %arg4[%add3A_207, %dma_start3A_210] : memref<320000x160xf32, #tpu.memory_space<hbm>> -> memref<40x160xf32, #tpu.memory_space<hbm>>
        tpu.enqueue_dma source(%dma_start3A_211 : memref<40x160xf32, #tpu.memory_space<hbm>>) target(%arg13 : memref<40x160xf32, #tpu.memory_space<vmem>>) target_semaphore(%arg31 : memref<!tpu.dma_semaphore, #tpu.memory_space<semaphore_mem>>)
      } else {
      }
      %dma_start3A_189 = arith.constant 0 : i32
      %dma_start3A_190 = arith.constant 0 : i32
      %dma_start3A_191 = tpu.memref_slice %arg10[%dma_start3A_189, %dma_start3A_190] : memref<10000x128xf32, #tpu.memory_space<vmem_shared>> -> memref<10000x128xf32, #tpu.memory_space<vmem_shared>>
      tpu.enqueue_indirect_dma source(%arg17 : memref<80x128xf32, #tpu.memory_space<vmem>>) target(%dma_start3A_191 : memref<10000x128xf32, #tpu.memory_space<vmem_shared>>) offsets(%arg15 : memref<80xi32, #tpu.memory_space<vmem>>) semaphore(%arg25 : memref<!tpu.dma_semaphore, #tpu.memory_space<semaphore_mem>>) {add = true}
      %mul3A_192 = arith.constant 2 : i32
      %mul3A_193 = arith.muli %mul3A_192, %scan3A_91 : i32
      %add3A_194 = arith.constant 1 : i32
      %add3A_195 = arith.addi %mul3A_193, %add3A_194 : i32
      %lt3A_196 = arith.constant 125 : i32
      %lt3A_197 = arith.cmpi slt, %add3A_195, %lt3A_196 : i32
      %convert_element_type3A_198 = arith.extui %lt3A_197 : i1 to i32
      %cond3A_199 = arith.constant 0 : i32
      %cond3A_200 = arith.cmpi ne, %convert_element_type3A_198, %cond3A_199 : i32
      scf.if %cond3A_200 {
        %mul3A_201 = arith.constant 2 : i32
        %mul3A_202 = arith.muli %mul3A_201, %scan3A_91 : i32
        %add3A_203 = arith.constant 1 : i32
        %add3A_204 = arith.addi %mul3A_202, %add3A_203 : i32
        %dma_wait3A_205 = arith.constant 0 : i32
        %dma_wait3A_206 = arith.constant 0 : i32
        %dma_wait3A_207 = tpu.memref_slice %arg2[%dma_wait3A_205, %dma_wait3A_206] : memref<10000x128xf32, #tpu.memory_space<hbm>> -> memref<10000x128xf32, #tpu.memory_space<hbm>>
        tpu.wait_indirect_dma semaphore(%arg28 : memref<!tpu.dma_semaphore, #tpu.memory_space<semaphore_mem>>) src(%dma_wait3A_207 : memref<10000x128xf32, #tpu.memory_space<hbm>>) dst(%arg21 : memref<80x128xf32, #tpu.memory_space<vmem>>)
        %mul3A_208 = arith.constant 80 : i32
        %mul3A_209 = arith.muli %add3A_204, %mul3A_208 : i32
        %add3A_210 = arith.addi %mul3A_2, %mul3A_209 : i32
        %add3A_211 = arith.constant 320000 : i32
        %add3A_212 = arith.addi %add3A_211, %add3A_210 : i32
        %add3A_213 = arith.constant 640000 : i32
        %add3A_214 = arith.addi %add3A_213, %add3A_210 : i32
        %dma_wait3A_215 = tpu.memref_slice %arg6[%add3A_210] : memref<320000xi32, #tpu.memory_space<hbm>> -> memref<80xi32, #tpu.memory_space<hbm>>
        %dma_wait3A_216 = tpu.memref_slice %arg6[%add3A_210] : memref<320000xi32, #tpu.memory_space<hbm>> -> memref<80xi32, #tpu.memory_space<hbm>>
        tpu.wait_dma2 semaphore(%arg27 : memref<!tpu.dma_semaphore, #tpu.memory_space<semaphore_mem>>) src(%dma_wait3A_216 : memref<80xi32, #tpu.memory_space<hbm>>) dst(%arg19 : memref<80xi32, #tpu.memory_space<vmem>>)
        %dma_wait3A_217 = arith.constant 0 : i32
        %dma_wait3A_218 = tpu.memref_slice %arg20[%dma_wait3A_217] : memref<240xf32, #tpu.memory_space<vmem>> -> memref<80xf32, #tpu.memory_space<vmem>>
        %dma_wait3A_219 = tpu.memref_slice %arg3[%add3A_210] : memref<960000xf32, #tpu.memory_space<hbm>> -> memref<80xf32, #tpu.memory_space<hbm>>
        %dma_wait3A_220 = arith.constant 0 : i32
        %dma_wait3A_221 = tpu.memref_slice %arg20[%dma_wait3A_220] : memref<240xf32, #tpu.memory_space<vmem>> -> memref<80xf32, #tpu.memory_space<vmem>>
        %dma_wait3A_222 = tpu.memref_slice %arg3[%add3A_210] : memref<960000xf32, #tpu.memory_space<hbm>> -> memref<80xf32, #tpu.memory_space<hbm>>
        tpu.wait_dma2 semaphore(%arg27 : memref<!tpu.dma_semaphore, #tpu.memory_space<semaphore_mem>>) src(%dma_wait3A_222 : memref<80xf32, #tpu.memory_space<hbm>>) dst(%dma_wait3A_221 : memref<80xf32, #tpu.memory_space<vmem>>)
        %dma_wait3A_223 = arith.constant 80 : i32
        %dma_wait3A_224 = tpu.memref_slice %arg20[%dma_wait3A_223] : memref<240xf32, #tpu.memory_space<vmem>> -> memref<80xf32, #tpu.memory_space<vmem>>
        %dma_wait3A_225 = tpu.memref_slice %arg3[%add3A_212] : memref<960000xf32, #tpu.memory_space<hbm>> -> memref<80xf32, #tpu.memory_space<hbm>>
        %dma_wait3A_226 = arith.constant 80 : i32
        %dma_wait3A_227 = tpu.memref_slice %arg20[%dma_wait3A_226] : memref<240xf32, #tpu.memory_space<vmem>> -> memref<80xf32, #tpu.memory_space<vmem>>
        %dma_wait3A_228 = tpu.memref_slice %arg3[%add3A_212] : memref<960000xf32, #tpu.memory_space<hbm>> -> memref<80xf32, #tpu.memory_space<hbm>>
        tpu.wait_dma2 semaphore(%arg27 : memref<!tpu.dma_semaphore, #tpu.memory_space<semaphore_mem>>) src(%dma_wait3A_228 : memref<80xf32, #tpu.memory_space<hbm>>) dst(%dma_wait3A_227 : memref<80xf32, #tpu.memory_space<vmem>>)
        %dma_wait3A_229 = arith.constant 160 : i32
        %dma_wait3A_230 = tpu.memref_slice %arg20[%dma_wait3A_229] : memref<240xf32, #tpu.memory_space<vmem>> -> memref<80xf32, #tpu.memory_space<vmem>>
        %dma_wait3A_231 = tpu.memref_slice %arg3[%add3A_214] : memref<960000xf32, #tpu.memory_space<hbm>> -> memref<80xf32, #tpu.memory_space<hbm>>
        %dma_wait3A_232 = arith.constant 160 : i32
        %dma_wait3A_233 = tpu.memref_slice %arg20[%dma_wait3A_232] : memref<240xf32, #tpu.memory_space<vmem>> -> memref<80xf32, #tpu.memory_space<vmem>>
        %dma_wait3A_234 = tpu.memref_slice %arg3[%add3A_214] : memref<960000xf32, #tpu.memory_space<hbm>> -> memref<80xf32, #tpu.memory_space<hbm>>
        tpu.wait_dma2 semaphore(%arg27 : memref<!tpu.dma_semaphore, #tpu.memory_space<semaphore_mem>>) src(%dma_wait3A_234 : memref<80xf32, #tpu.memory_space<hbm>>) dst(%dma_wait3A_233 : memref<80xf32, #tpu.memory_space<vmem>>)
        %add3A_235 = arith.constant 2 : i32
        %add3A_236 = arith.addi %add3A_204, %add3A_235 : i32
        %lt3A_237 = arith.constant 125 : i32
        %lt3A_238 = arith.cmpi slt, %add3A_236, %lt3A_237 : i32
        %convert_element_type3A_239 = arith.extui %lt3A_238 : i1 to i32
        %cond3A_240 = arith.constant 0 : i32
        %cond3A_241 = arith.cmpi ne, %convert_element_type3A_239, %cond3A_240 : i32
        scf.if %cond3A_241 {
          %add3A_305 = arith.constant 2 : i32
          %add3A_306 = arith.addi %add3A_204, %add3A_305 : i32
          %mul3A_307 = arith.constant 80 : i32
          %mul3A_308 = arith.muli %add3A_306, %mul3A_307 : i32
          %add3A_309 = arith.addi %mul3A_2, %mul3A_308 : i32
          %dma_start3A_310 = tpu.memref_slice %arg5[%add3A_309] : memref<320000xi32, #tpu.memory_space<hbm>> -> memref<80xi32, #tpu.memory_space<hbm>>
          %dma_start3A_311 = tpu.memref_slice %arg5[%add3A_309] : memref<320000xi32, #tpu.memory_space<hbm>> -> memref<80xi32, #tpu.memory_space<hbm>>
          tpu.enqueue_dma source(%dma_start3A_311 : memref<80xi32, #tpu.memory_space<hbm>>) target(%arg18 : memref<80xi32, #tpu.memory_space<vmem>>) target_semaphore(%arg26 : memref<!tpu.dma_semaphore, #tpu.memory_space<semaphore_mem>>)
        } else {
        }
        %ge3A_242 = arith.constant 1 : i32
        %ge3A_243 = arith.cmpi sge, %add3A_204, %ge3A_242 : i32
        %convert_element_type3A_244 = arith.extui %ge3A_243 : i1 to i32
        %cond3A_245 = arith.constant 0 : i32
        %cond3A_246 = arith.cmpi ne, %convert_element_type3A_244, %cond3A_245 : i32
        scf.if %cond3A_246 {
          %dma_wait3A_305 = arith.constant 0 : i32
          %dma_wait3A_306 = arith.constant 0 : i32
          %dma_wait3A_307 = tpu.memref_slice %arg10[%dma_wait3A_305, %dma_wait3A_306] : memref<10000x128xf32, #tpu.memory_space<vmem_shared>> -> memref<10000x128xf32, #tpu.memory_space<vmem_shared>>
          tpu.wait_indirect_dma semaphore(%arg25 : memref<!tpu.dma_semaphore, #tpu.memory_space<semaphore_mem>>) src(%arg17 : memref<80x128xf32, #tpu.memory_space<vmem>>) dst(%dma_wait3A_307 : memref<10000x128xf32, #tpu.memory_space<vmem_shared>>)
        } else {
        }
        %add3A_247 = arith.constant 1 : i32
        %add3A_248 = arith.addi %add3A_204, %add3A_247 : i32
        %lt3A_249 = arith.constant 125 : i32
        %lt3A_250 = arith.cmpi slt, %add3A_248, %lt3A_249 : i32
        %convert_element_type3A_251 = arith.extui %lt3A_250 : i1 to i32
        %cond3A_252 = arith.constant 0 : i32
        %cond3A_253 = arith.cmpi ne, %convert_element_type3A_251, %cond3A_252 : i32
        scf.if %cond3A_253 {
          %add3A_305 = arith.constant 1 : i32
          %add3A_306 = arith.addi %add3A_204, %add3A_305 : i32
          %mul3A_307 = arith.constant 80 : i32
          %mul3A_308 = arith.muli %add3A_306, %mul3A_307 : i32
          %add3A_309 = arith.addi %mul3A_2, %mul3A_308 : i32
          %add3A_310 = arith.constant 320000 : i32
          %add3A_311 = arith.addi %add3A_310, %add3A_309 : i32
          %add3A_312 = arith.constant 640000 : i32
          %add3A_313 = arith.addi %add3A_312, %add3A_309 : i32
          %dma_start3A_314 = tpu.memref_slice %arg6[%add3A_309] : memref<320000xi32, #tpu.memory_space<hbm>> -> memref<80xi32, #tpu.memory_space<hbm>>
          %dma_start3A_315 = tpu.memref_slice %arg6[%add3A_309] : memref<320000xi32, #tpu.memory_space<hbm>> -> memref<80xi32, #tpu.memory_space<hbm>>
          tpu.enqueue_dma source(%dma_start3A_315 : memref<80xi32, #tpu.memory_space<hbm>>) target(%arg15 : memref<80xi32, #tpu.memory_space<vmem>>) target_semaphore(%arg23 : memref<!tpu.dma_semaphore, #tpu.memory_space<semaphore_mem>>)
          %dma_start3A_316 = arith.constant 0 : i32
          %dma_start3A_317 = tpu.memref_slice %arg16[%dma_start3A_316] : memref<240xf32, #tpu.memory_space<vmem>> -> memref<80xf32, #tpu.memory_space<vmem>>
          %dma_start3A_318 = tpu.memref_slice %arg3[%add3A_309] : memref<960000xf32, #tpu.memory_space<hbm>> -> memref<80xf32, #tpu.memory_space<hbm>>
          %dma_start3A_319 = arith.constant 0 : i32
          %dma_start3A_320 = tpu.memref_slice %arg16[%dma_start3A_319] : memref<240xf32, #tpu.memory_space<vmem>> -> memref<80xf32, #tpu.memory_space<vmem>>
          %dma_start3A_321 = tpu.memref_slice %arg3[%add3A_309] : memref<960000xf32, #tpu.memory_space<hbm>> -> memref<80xf32, #tpu.memory_space<hbm>>
          tpu.enqueue_dma source(%dma_start3A_321 : memref<80xf32, #tpu.memory_space<hbm>>) target(%dma_start3A_320 : memref<80xf32, #tpu.memory_space<vmem>>) target_semaphore(%arg23 : memref<!tpu.dma_semaphore, #tpu.memory_space<semaphore_mem>>)
          %dma_start3A_322 = arith.constant 80 : i32
          %dma_start3A_323 = tpu.memref_slice %arg16[%dma_start3A_322] : memref<240xf32, #tpu.memory_space<vmem>> -> memref<80xf32, #tpu.memory_space<vmem>>
          %dma_start3A_324 = tpu.memref_slice %arg3[%add3A_311] : memref<960000xf32, #tpu.memory_space<hbm>> -> memref<80xf32, #tpu.memory_space<hbm>>
          %dma_start3A_325 = arith.constant 80 : i32
          %dma_start3A_326 = tpu.memref_slice %arg16[%dma_start3A_325] : memref<240xf32, #tpu.memory_space<vmem>> -> memref<80xf32, #tpu.memory_space<vmem>>
          %dma_start3A_327 = tpu.memref_slice %arg3[%add3A_311] : memref<960000xf32, #tpu.memory_space<hbm>> -> memref<80xf32, #tpu.memory_space<hbm>>
          tpu.enqueue_dma source(%dma_start3A_327 : memref<80xf32, #tpu.memory_space<hbm>>) target(%dma_start3A_326 : memref<80xf32, #tpu.memory_space<vmem>>) target_semaphore(%arg23 : memref<!tpu.dma_semaphore, #tpu.memory_space<semaphore_mem>>)
          %dma_start3A_328 = arith.constant 160 : i32
          %dma_start3A_329 = tpu.memref_slice %arg16[%dma_start3A_328] : memref<240xf32, #tpu.memory_space<vmem>> -> memref<80xf32, #tpu.memory_space<vmem>>
          %dma_start3A_330 = tpu.memref_slice %arg3[%add3A_313] : memref<960000xf32, #tpu.memory_space<hbm>> -> memref<80xf32, #tpu.memory_space<hbm>>
          %dma_start3A_331 = arith.constant 160 : i32
          %dma_start3A_332 = tpu.memref_slice %arg16[%dma_start3A_331] : memref<240xf32, #tpu.memory_space<vmem>> -> memref<80xf32, #tpu.memory_space<vmem>>
          %dma_start3A_333 = tpu.memref_slice %arg3[%add3A_313] : memref<960000xf32, #tpu.memory_space<hbm>> -> memref<80xf32, #tpu.memory_space<hbm>>
          tpu.enqueue_dma source(%dma_start3A_333 : memref<80xf32, #tpu.memory_space<hbm>>) target(%dma_start3A_332 : memref<80xf32, #tpu.memory_space<vmem>>) target_semaphore(%arg23 : memref<!tpu.dma_semaphore, #tpu.memory_space<semaphore_mem>>)
          %add3A_334 = arith.constant 1 : i32
          %add3A_335 = arith.addi %add3A_204, %add3A_334 : i32
          %mul3A_336 = arith.constant 80 : i32
          %mul3A_337 = arith.muli %add3A_335, %mul3A_336 : i32
          %add3A_338 = arith.addi %mul3A_2, %mul3A_337 : i32
          %dma_wait3A_339 = tpu.memref_slice %arg5[%add3A_338] : memref<320000xi32, #tpu.memory_space<hbm>> -> memref<80xi32, #tpu.memory_space<hbm>>
          %dma_wait3A_340 = tpu.memref_slice %arg5[%add3A_338] : memref<320000xi32, #tpu.memory_space<hbm>> -> memref<80xi32, #tpu.memory_space<hbm>>
          tpu.wait_dma2 semaphore(%arg22 : memref<!tpu.dma_semaphore, #tpu.memory_space<semaphore_mem>>) src(%dma_wait3A_340 : memref<80xi32, #tpu.memory_space<hbm>>) dst(%arg14 : memref<80xi32, #tpu.memory_space<vmem>>)
          %dma_start3A_341 = arith.constant 0 : i32
          %dma_start3A_342 = arith.constant 0 : i32
          %dma_start3A_343 = tpu.memref_slice %arg2[%dma_start3A_341, %dma_start3A_342] : memref<10000x128xf32, #tpu.memory_space<hbm>> -> memref<10000x128xf32, #tpu.memory_space<hbm>>
          tpu.enqueue_indirect_dma source(%dma_start3A_343 : memref<10000x128xf32, #tpu.memory_space<hbm>>) target(%arg17 : memref<80x128xf32, #tpu.memory_space<vmem>>) offsets(%arg14 : memref<80xi32, #tpu.memory_space<vmem>>) semaphore(%arg24 : memref<!tpu.dma_semaphore, #tpu.memory_space<semaphore_mem>>)
        } else {
        }
        %scan3A_254 = arith.constant 0 : i32
        %scan3A_255 = arith.constant 0 : i32
        %scan3A_256 = arith.constant 5 : i32
        %scan3A_257 = arith.addi %scan3A_255, %scan3A_256 : i32
        %scan3A_258 = arith.constant 1 : i32
        scf.for %scan3A_305 = %scan3A_255 to %scan3A_257 step %scan3A_258  : i32 {
          %mul3A_306 = arith.constant 16 : i32
          %mul3A_307 = arith.muli %scan3A_305, %mul3A_306 : i32
          %get3A = arith.index_cast %mul3A_307 : i32 to index
          %get3A_308 = tpu.vector_load %arg20[%get3A] {strides = array<i32>} : memref<240xf32, #tpu.memory_space<vmem>>, vector<16xf32>,
          %add3A_309 = arith.constant 80 : i32
          %add3A_310 = arith.addi %add3A_309, %mul3A_307 : i32
          %get3A_311 = arith.index_cast %add3A_310 : i32 to index
          %get3A_312 = tpu.vector_load %arg20[%get3A_311] {strides = array<i32>} : memref<240xf32, #tpu.memory_space<vmem>>, vector<16xf32>,
          %add3A_313 = arith.constant 160 : i32
          %add3A_314 = arith.addi %add3A_313, %mul3A_307 : i32
          %get3A_315 = arith.index_cast %add3A_314 : i32 to index
          %get3A_316 = tpu.vector_load %arg20[%get3A_315] {strides = array<i32>} : memref<240xf32, #tpu.memory_space<vmem>>, vector<16xf32>,
          %mul3A_317 = arith.mulf %get3A_308, %get3A_308 : vector<16xf32>
          %mul3A_318 = arith.mulf %get3A_312, %get3A_312 : vector<16xf32>
          %add3A_319 = arith.addf %mul3A_317, %mul3A_318 : vector<16xf32>
          %mul3A_320 = arith.mulf %get3A_316, %get3A_316 : vector<16xf32>
          %add3A_321 = arith.addf %add3A_319, %mul3A_320 : vector<16xf32>
          %bitcast3A = vector.bitcast %add3A_321 : vector<16xf32> to vector<16xi32>
          %broadcast_in_dim3A = arith.constant 1597463007 : i32
          %broadcast_in_dim3A_322 = vector.broadcast %broadcast_in_dim3A : i32 to vector<16xi32>
          %shift_right_arithmetic3A = arith.constant 1 : i32
          %shift_right_arithmetic3A_323 = vector.broadcast %shift_right_arithmetic3A : i32 to vector<16xi32>
          %shift_right_arithmetic3A_324 = arith.shrsi %bitcast3A, %shift_right_arithmetic3A_323 : vector<16xi32>
          %sub3A = arith.subi %broadcast_in_dim3A_322, %shift_right_arithmetic3A_324 : vector<16xi32>
          %bitcast3A_325 = vector.bitcast %sub3A : vector<16xi32> to vector<16xf32>
          %mul3A_326 = arith.constant 5.000000e-01 : f32
          %mul3A_327 = vector.broadcast %mul3A_326 : f32 to vector<16xf32>
          %mul3A_328 = arith.mulf %mul3A_327, %add3A_321 : vector<16xf32>
          %mul3A_329 = arith.mulf %mul3A_328, %bitcast3A_325 : vector<16xf32>
          %mul3A_330 = arith.mulf %mul3A_329, %bitcast3A_325 : vector<16xf32>
          %sub3A_331 = arith.constant 1.500000e+00 : f32
          %sub3A_332 = vector.broadcast %sub3A_331 : f32 to vector<16xf32>
          %sub3A_333 = arith.subf %sub3A_332, %mul3A_330 : vector<16xf32>
          %mul3A_334 = arith.mulf %bitcast3A_325, %sub3A_333 : vector<16xf32>
          %mul3A_335 = arith.constant 5.000000e-01 : f32
          %mul3A_336 = vector.broadcast %mul3A_335 : f32 to vector<16xf32>
          %mul3A_337 = arith.mulf %mul3A_336, %add3A_321 : vector<16xf32>
          %mul3A_338 = arith.mulf %mul3A_337, %mul3A_334 : vector<16xf32>
          %mul3A_339 = arith.mulf %mul3A_338, %mul3A_334 : vector<16xf32>
          %sub3A_340 = arith.constant 1.500000e+00 : f32
          %sub3A_341 = vector.broadcast %sub3A_340 : f32 to vector<16xf32>
          %sub3A_342 = arith.subf %sub3A_341, %mul3A_339 : vector<16xf32>
          %mul3A_343 = arith.mulf %mul3A_334, %sub3A_342 : vector<16xf32>
          %mul3A_344 = arith.constant 5.000000e-01 : f32
          %mul3A_345 = vector.broadcast %mul3A_344 : f32 to vector<16xf32>
          %mul3A_346 = arith.mulf %mul3A_345, %add3A_321 : vector<16xf32>
          %mul3A_347 = arith.mulf %mul3A_346, %mul3A_343 : vector<16xf32>
          %mul3A_348 = arith.mulf %mul3A_347, %mul3A_343 : vector<16xf32>
          %sub3A_349 = arith.constant 1.500000e+00 : f32
          %sub3A_350 = vector.broadcast %sub3A_349 : f32 to vector<16xf32>
          %sub3A_351 = arith.subf %sub3A_350, %mul3A_348 : vector<16xf32>
          %mul3A_352 = arith.mulf %mul3A_343, %sub3A_351 : vector<16xf32>
          %mul3A_353 = arith.constant 1.73205078 : f32
          %mul3A_354 = vector.broadcast %mul3A_353 : f32 to vector<16xf32>
          %mul3A_355 = arith.mulf %mul3A_354, %mul3A_352 : vector<16xf32>
          %mul3A_356 = arith.mulf %get3A_308, %mul3A_355 : vector<16xf32>
          %swap3A = arith.index_cast %mul3A_307 : i32 to index
          %swap3A_357 = tpu.vector_load %arg11[%swap3A] {strides = array<i32>} : memref<240xf32, #tpu.memory_space<vmem>>, vector<16xf32>,
          tpu.vector_store %arg11[%swap3A], %mul3A_356 {strides = array<i32>} : memref<240xf32, #tpu.memory_space<vmem>>, vector<16xf32>,
          %mul3A_358 = arith.mulf %get3A_312, %mul3A_355 : vector<16xf32>
          %add3A_359 = arith.constant 80 : i32
          %add3A_360 = arith.addi %add3A_359, %mul3A_307 : i32
          %swap3A_361 = arith.index_cast %add3A_360 : i32 to index
          %swap3A_362 = tpu.vector_load %arg11[%swap3A_361] {strides = array<i32>} : memref<240xf32, #tpu.memory_space<vmem>>, vector<16xf32>,
          tpu.vector_store %arg11[%swap3A_361], %mul3A_358 {strides = array<i32>} : memref<240xf32, #tpu.memory_space<vmem>>, vector<16xf32>,
          %mul3A_363 = arith.mulf %get3A_316, %mul3A_355 : vector<16xf32>
          %add3A_364 = arith.constant 160 : i32
          %add3A_365 = arith.addi %add3A_364, %mul3A_307 : i32
          %swap3A_366 = arith.index_cast %add3A_365 : i32 to index
          %swap3A_367 = tpu.vector_load %arg11[%swap3A_366] {strides = array<i32>} : memref<240xf32, #tpu.memory_space<vmem>>, vector<16xf32>,
          tpu.vector_store %arg11[%swap3A_366], %mul3A_363 {strides = array<i32>} : memref<240xf32, #tpu.memory_space<vmem>>, vector<16xf32>,
        }
        %scan3A_259 = arith.constant 5 : i32
        %mul3A_260 = arith.constant 80 : i32
        %mul3A_261 = arith.muli %add3A_204, %mul3A_260 : i32
        %add3A_262 = arith.addi %mul3A_2, %mul3A_261 : i32
        %dma_wait3A_263 = arith.constant 0 : i32
        %dma_wait3A_264 = tpu.memref_slice %arg4[%add3A_262, %dma_wait3A_263] : memref<320000x160xf32, #tpu.memory_space<hbm>> -> memref<40x160xf32, #tpu.memory_space<hbm>>
        %dma_wait3A_265 = arith.constant 0 : i32
        %dma_wait3A_266 = tpu.memref_slice %arg4[%add3A_262, %dma_wait3A_265] : memref<320000x160xf32, #tpu.memory_space<hbm>> -> memref<40x160xf32, #tpu.memory_space<hbm>>
        tpu.wait_dma2 semaphore(%arg30 : memref<!tpu.dma_semaphore, #tpu.memory_space<semaphore_mem>>) src(%dma_wait3A_266 : memref<40x160xf32, #tpu.memory_space<hbm>>) dst(%arg12 : memref<40x160xf32, #tpu.memory_space<vmem>>)
        %scan3A_267 = arith.constant 0 : i32
        %scan3A_268 = arith.constant 0 : i32
        %scan3A_269 = arith.constant 40 : i32
        %scan3A_270 = arith.addi %scan3A_268, %scan3A_269 : i32
        %scan3A_271 = arith.constant 1 : i32
        scf.for %scan3A_305 = %scan3A_268 to %scan3A_270 step %scan3A_271  : i32 {
          %add3A_306 = arith.constant 0 : i32
          %add3A_307 = arith.addi %add3A_306, %scan3A_305 : i32
          %broadcast_in_dim3A = vector.broadcast %add3A_307 : i32 to vector<16xi32>
          %gather3A = tpu.vector_load_idx %arg11[%broadcast_in_dim3A] : memref<240xf32, #tpu.memory_space<vmem>>[vector<16xi32>], vector<16xf32>,
          %add3A_308 = arith.constant 80 : i32
          %add3A_309 = arith.addi %add3A_308, %add3A_307 : i32
          %broadcast_in_dim3A_310 = vector.broadcast %add3A_309 : i32 to vector<16xi32>
          %gather3A_311 = tpu.vector_load_idx %arg11[%broadcast_in_dim3A_310] : memref<240xf32, #tpu.memory_space<vmem>>[vector<16xi32>], vector<16xf32>,
          %add3A_312 = arith.constant 160 : i32
          %add3A_313 = arith.addi %add3A_312, %add3A_307 : i32
          %broadcast_in_dim3A_314 = vector.broadcast %add3A_313 : i32 to vector<16xi32>
          %gather3A_315 = tpu.vector_load_idx %arg11[%broadcast_in_dim3A_314] : memref<240xf32, #tpu.memory_space<vmem>>[vector<16xi32>], vector<16xf32>,
          %broadcast_in_dim3A_316 = vector.broadcast %add3A_307 : i32 to vector<16xi32>
          %get3A = arith.index_cast %add3A_307 : i32 to index
          %get3A_317 = arith.constant 0 : index
          %get3A_318 = tpu.vector_load %arg21[%get3A, %get3A_317] {strides = array<i32>} : memref<80x128xf32, #tpu.memory_space<vmem>>, vector<16xf32>,
          %gather3A_319 = tpu.vector_load_idx %arg21[%broadcast_in_dim3A_316, %add3A_12] : memref<80x128xf32, #tpu.memory_space<vmem>>[vector<16xi32>, vector<16xi32>], vector<16xf32>,
          %add3A_320 = arith.constant 1 : i32
          %add3A_321 = vector.broadcast %add3A_320 : i32 to vector<16xi32>
          %add3A_322 = arith.addi %add3A_12, %add3A_321 : vector<16xi32>
          %gather3A_323 = tpu.vector_load_idx %arg21[%broadcast_in_dim3A_316, %add3A_322] : memref<80x128xf32, #tpu.memory_space<vmem>>[vector<16xi32>, vector<16xi32>], vector<16xf32>,
          %add3A_324 = arith.constant 2 : i32
          %add3A_325 = vector.broadcast %add3A_324 : i32 to vector<16xi32>
          %add3A_326 = arith.addi %add3A_12, %add3A_325 : vector<16xi32>
          %gather3A_327 = tpu.vector_load_idx %arg21[%broadcast_in_dim3A_316, %add3A_326] : memref<80x128xf32, #tpu.memory_space<vmem>>[vector<16xi32>, vector<16xi32>], vector<16xf32>,
          %get3A_328 = arith.index_cast %scan3A_305 : i32 to index
          %get3A_329 = arith.constant 0 : index
          %get3A_330 = tpu.vector_load %arg12[%get3A_328, %get3A_329] {strides = array<i32>} : memref<40x160xf32, #tpu.memory_space<vmem>>, vector<16xf32>,
          %get3A_331 = arith.index_cast %scan3A_305 : i32 to index
          %get3A_332 = arith.constant 32 : index
          %get3A_333 = tpu.vector_load %arg12[%get3A_331, %get3A_332] {strides = array<i32>} : memref<40x160xf32, #tpu.memory_space<vmem>>, vector<16xf32>,
          %get3A_334 = arith.index_cast %scan3A_305 : i32 to index
          %get3A_335 = arith.constant 64 : index
          %get3A_336 = tpu.vector_load %arg12[%get3A_334, %get3A_335] {strides = array<i32>} : memref<40x160xf32, #tpu.memory_space<vmem>>, vector<16xf32>,
          %get3A_337 = arith.index_cast %scan3A_305 : i32 to index
          %get3A_338 = arith.constant 96 : index
          %get3A_339 = tpu.vector_load %arg12[%get3A_337, %get3A_338] {strides = array<i32>} : memref<40x160xf32, #tpu.memory_space<vmem>>, vector<16xf32>,
          %get3A_340 = arith.index_cast %scan3A_305 : i32 to index
          %get3A_341 = arith.constant 128 : index
          %get3A_342 = tpu.vector_load %arg12[%get3A_340, %get3A_341] {strides = array<i32>} : memref<40x160xf32, #tpu.memory_space<vmem>>, vector<16xf32>,
          %get3A_343 = arith.index_cast %add3A_307 : i32 to index
          %get3A_344 = arith.constant 16 : index
          %get3A_345 = tpu.vector_load %arg21[%get3A_343, %get3A_344] {strides = array<i32>} : memref<80x128xf32, #tpu.memory_space<vmem>>, vector<16xf32>,
          %gather3A_346 = tpu.vector_load_idx %arg21[%broadcast_in_dim3A_316, %add3A_15] : memref<80x128xf32, #tpu.memory_space<vmem>>[vector<16xi32>, vector<16xi32>], vector<16xf32>,
          %add3A_347 = arith.constant 1 : i32
          %add3A_348 = vector.broadcast %add3A_347 : i32 to vector<16xi32>
          %add3A_349 = arith.addi %add3A_15, %add3A_348 : vector<16xi32>
          %gather3A_350 = tpu.vector_load_idx %arg21[%broadcast_in_dim3A_316, %add3A_349] : memref<80x128xf32, #tpu.memory_space<vmem>>[vector<16xi32>, vector<16xi32>], vector<16xf32>,
          %add3A_351 = arith.constant 2 : i32
          %add3A_352 = vector.broadcast %add3A_351 : i32 to vector<16xi32>
          %add3A_353 = arith.addi %add3A_15, %add3A_352 : vector<16xi32>
          %gather3A_354 = tpu.vector_load_idx %arg21[%broadcast_in_dim3A_316, %add3A_353] : memref<80x128xf32, #tpu.memory_space<vmem>>[vector<16xi32>, vector<16xi32>], vector<16xf32>,
          %get3A_355 = arith.index_cast %scan3A_305 : i32 to index
          %get3A_356 = arith.constant 16 : index
          %get3A_357 = tpu.vector_load %arg12[%get3A_355, %get3A_356] {strides = array<i32>} : memref<40x160xf32, #tpu.memory_space<vmem>>, vector<16xf32>,
          %get3A_358 = arith.index_cast %scan3A_305 : i32 to index
          %get3A_359 = arith.constant 48 : index
          %get3A_360 = tpu.vector_load %arg12[%get3A_358, %get3A_359] {strides = array<i32>} : memref<40x160xf32, #tpu.memory_space<vmem>>, vector<16xf32>,
          %get3A_361 = arith.index_cast %scan3A_305 : i32 to index
          %get3A_362 = arith.constant 80 : index
          %get3A_363 = tpu.vector_load %arg12[%get3A_361, %get3A_362] {strides = array<i32>} : memref<40x160xf32, #tpu.memory_space<vmem>>, vector<16xf32>,
          %get3A_364 = arith.index_cast %scan3A_305 : i32 to index
          %get3A_365 = arith.constant 112 : index
          %get3A_366 = tpu.vector_load %arg12[%get3A_364, %get3A_365] {strides = array<i32>} : memref<40x160xf32, #tpu.memory_space<vmem>>, vector<16xf32>,
          %get3A_367 = arith.index_cast %scan3A_305 : i32 to index
          %get3A_368 = arith.constant 144 : index
          %get3A_369 = tpu.vector_load %arg12[%get3A_367, %get3A_368] {strides = array<i32>} : memref<40x160xf32, #tpu.memory_space<vmem>>, vector<16xf32>,
          %mul3A_370 = arith.mulf %gather3A_319, %gather3A : vector<16xf32>
          %mul3A_371 = arith.mulf %gather3A_323, %gather3A_311 : vector<16xf32>
          %add3A_372 = arith.addf %mul3A_370, %mul3A_371 : vector<16xf32>
          %mul3A_373 = arith.mulf %gather3A_327, %gather3A_315 : vector<16xf32>
          %add3A_374 = arith.addf %add3A_372, %mul3A_373 : vector<16xf32>
          %mul3A_375 = arith.mulf %get3A_330, %get3A_318 : vector<16xf32>
          %mul3A_376 = arith.constant 0.707106769 : f32
          %mul3A_377 = vector.broadcast %mul3A_376 : f32 to vector<16xf32>
          %mul3A_378 = arith.mulf %mul3A_377, %mul3A_375 : vector<16xf32>
          %mul3A_379 = arith.mulf %get3A_339, %add3A_374 : vector<16xf32>
          %mul3A_380 = arith.constant 0.408248305 : f32
          %mul3A_381 = vector.broadcast %mul3A_380 : f32 to vector<16xf32>
          %mul3A_382 = arith.mulf %mul3A_381, %mul3A_379 : vector<16xf32>
          %add3A_383 = arith.addf %mul3A_378, %mul3A_382 : vector<16xf32>
          %mul3A_384 = arith.mulf %gather3A_323, %gather3A_315 : vector<16xf32>
          %mul3A_385 = arith.mulf %gather3A_327, %gather3A_311 : vector<16xf32>
          %sub3A = arith.subf %mul3A_384, %mul3A_385 : vector<16xf32>
          %mul3A_386 = arith.mulf %gather3A_327, %gather3A : vector<16xf32>
          %mul3A_387 = arith.mulf %gather3A_319, %gather3A_315 : vector<16xf32>
          %sub3A_388 = arith.subf %mul3A_386, %mul3A_387 : vector<16xf32>
          %mul3A_389 = arith.mulf %gather3A_319, %gather3A_311 : vector<16xf32>
          %mul3A_390 = arith.mulf %gather3A_323, %gather3A : vector<16xf32>
          %sub3A_391 = arith.subf %mul3A_389, %mul3A_390 : vector<16xf32>
          %mul3A_392 = arith.mulf %get3A_333, %get3A_318 : vector<16xf32>
          %mul3A_393 = arith.constant 0.577350259 : f32
          %mul3A_394 = vector.broadcast %mul3A_393 : f32 to vector<16xf32>
          %mul3A_395 = arith.mulf %mul3A_394, %mul3A_392 : vector<16xf32>
          %mul3A_396 = arith.constant 0.577350259 : f32
          %mul3A_397 = vector.broadcast %mul3A_396 : f32 to vector<16xf32>
          %mul3A_398 = arith.mulf %mul3A_397, %get3A_336 : vector<16xf32>
          %mul3A_399 = arith.constant 0.408248305 : f32
          %mul3A_400 = vector.broadcast %mul3A_399 : f32 to vector<16xf32>
          %mul3A_401 = arith.mulf %mul3A_400, %get3A_342 : vector<16xf32>
          %mul3A_402 = arith.mulf %mul3A_395, %gather3A : vector<16xf32>
          %mul3A_403 = arith.mulf %mul3A_398, %gather3A_319 : vector<16xf32>
          %add3A_404 = arith.addf %mul3A_402, %mul3A_403 : vector<16xf32>
          %mul3A_405 = arith.mulf %mul3A_401, %sub3A : vector<16xf32>
          %add3A_406 = arith.addf %add3A_404, %mul3A_405 : vector<16xf32>
          %mul3A_407 = arith.mulf %mul3A_395, %gather3A_311 : vector<16xf32>
          %mul3A_408 = arith.mulf %mul3A_398, %gather3A_323 : vector<16xf32>
          %add3A_409 = arith.addf %mul3A_407, %mul3A_408 : vector<16xf32>
          %mul3A_410 = arith.mulf %mul3A_401, %sub3A_388 : vector<16xf32>
          %add3A_411 = arith.addf %add3A_409, %mul3A_410 : vector<16xf32>
          %mul3A_412 = arith.mulf %mul3A_395, %gather3A_315 : vector<16xf32>
          %mul3A_413 = arith.mulf %mul3A_398, %gather3A_327 : vector<16xf32>
          %add3A_414 = arith.addf %mul3A_412, %mul3A_413 : vector<16xf32>
          %mul3A_415 = arith.mulf %mul3A_401, %sub3A_391 : vector<16xf32>
          %add3A_416 = arith.addf %add3A_414, %mul3A_415 : vector<16xf32>
          %mul3A_417 = arith.mulf %gather3A_346, %gather3A : vector<16xf32>
          %mul3A_418 = arith.mulf %gather3A_350, %gather3A_311 : vector<16xf32>
          %add3A_419 = arith.addf %mul3A_417, %mul3A_418 : vector<16xf32>
          %mul3A_420 = arith.mulf %gather3A_354, %gather3A_315 : vector<16xf32>
          %add3A_421 = arith.addf %add3A_419, %mul3A_420 : vector<16xf32>
          %mul3A_422 = arith.mulf %get3A_357, %get3A_345 : vector<16xf32>
          %mul3A_423 = arith.constant 0.707106769 : f32
          %mul3A_424 = vector.broadcast %mul3A_423 : f32 to vector<16xf32>
          %mul3A_425 = arith.mulf %mul3A_424, %mul3A_422 : vector<16xf32>
          %mul3A_426 = arith.mulf %get3A_366, %add3A_421 : vector<16xf32>
          %mul3A_427 = arith.constant 0.408248305 : f32
          %mul3A_428 = vector.broadcast %mul3A_427 : f32 to vector<16xf32>
          %mul3A_429 = arith.mulf %mul3A_428, %mul3A_426 : vector<16xf32>
          %add3A_430 = arith.addf %mul3A_425, %mul3A_429 : vector<16xf32>
          %mul3A_431 = arith.mulf %gather3A_350, %gather3A_315 : vector<16xf32>
          %mul3A_432 = arith.mulf %gather3A_354, %gather3A_311 : vector<16xf32>
          %sub3A_433 = arith.subf %mul3A_431, %mul3A_432 : vector<16xf32>
          %mul3A_434 = arith.mulf %gather3A_354, %gather3A : vector<16xf32>
          %mul3A_435 = arith.mulf %gather3A_346, %gather3A_315 : vector<16xf32>
          %sub3A_436 = arith.subf %mul3A_434, %mul3A_435 : vector<16xf32>
          %mul3A_437 = arith.mulf %gather3A_346, %gather3A_311 : vector<16xf32>
          %mul3A_438 = arith.mulf %gather3A_350, %gather3A : vector<16xf32>
          %sub3A_439 = arith.subf %mul3A_437, %mul3A_438 : vector<16xf32>
          %mul3A_440 = arith.mulf %get3A_360, %get3A_345 : vector<16xf32>
          %mul3A_441 = arith.constant 0.577350259 : f32
          %mul3A_442 = vector.broadcast %mul3A_441 : f32 to vector<16xf32>
          %mul3A_443 = arith.mulf %mul3A_442, %mul3A_440 : vector<16xf32>
          %mul3A_444 = arith.constant 0.577350259 : f32
          %mul3A_445 = vector.broadcast %mul3A_444 : f32 to vector<16xf32>
          %mul3A_446 = arith.mulf %mul3A_445, %get3A_363 : vector<16xf32>
          %mul3A_447 = arith.constant 0.408248305 : f32
          %mul3A_448 = vector.broadcast %mul3A_447 : f32 to vector<16xf32>
          %mul3A_449 = arith.mulf %mul3A_448, %get3A_369 : vector<16xf32>
          %mul3A_450 = arith.mulf %mul3A_443, %gather3A : vector<16xf32>
          %mul3A_451 = arith.mulf %mul3A_446, %gather3A_346 : vector<16xf32>
          %add3A_452 = arith.addf %mul3A_450, %mul3A_451 : vector<16xf32>
          %mul3A_453 = arith.mulf %mul3A_449, %sub3A_433 : vector<16xf32>
          %add3A_454 = arith.addf %add3A_452, %mul3A_453 : vector<16xf32>
          %mul3A_455 = arith.mulf %mul3A_443, %gather3A_311 : vector<16xf32>
          %mul3A_456 = arith.mulf %mul3A_446, %gather3A_350 : vector<16xf32>
          %add3A_457 = arith.addf %mul3A_455, %mul3A_456 : vector<16xf32>
          %mul3A_458 = arith.mulf %mul3A_449, %sub3A_436 : vector<16xf32>
          %add3A_459 = arith.addf %add3A_457, %mul3A_458 : vector<16xf32>
          %mul3A_460 = arith.mulf %mul3A_443, %gather3A_315 : vector<16xf32>
          %mul3A_461 = arith.mulf %mul3A_446, %gather3A_354 : vector<16xf32>
          %add3A_462 = arith.addf %mul3A_460, %mul3A_461 : vector<16xf32>
          %mul3A_463 = arith.mulf %mul3A_449, %sub3A_439 : vector<16xf32>
          %add3A_464 = arith.addf %add3A_462, %mul3A_463 : vector<16xf32>
          %swap3A = arith.index_cast %add3A_307 : i32 to index
          %swap3A_465 = arith.constant 0 : index
          %swap3A_466 = tpu.vector_load %arg21[%swap3A, %swap3A_465] {strides = array<i32>} : memref<80x128xf32, #tpu.memory_space<vmem>>, vector<16xf32>,
          tpu.vector_store %arg21[%swap3A, %swap3A_465], %add3A_383 {strides = array<i32>} : memref<80x128xf32, #tpu.memory_space<vmem>>, vector<16xf32>,
          tpu.vector_store_idx %arg21[%broadcast_in_dim3A_316, %add3A_12], %add3A_406 : memref<80x128xf32, #tpu.memory_space<vmem>>[vector<16xi32>, vector<16xi32>], vector<16xf32>,
          %add3A_467 = arith.constant 1 : i32
          %add3A_468 = vector.broadcast %add3A_467 : i32 to vector<16xi32>
          %add3A_469 = arith.addi %add3A_12, %add3A_468 : vector<16xi32>
          tpu.vector_store_idx %arg21[%broadcast_in_dim3A_316, %add3A_469], %add3A_411 : memref<80x128xf32, #tpu.memory_space<vmem>>[vector<16xi32>, vector<16xi32>], vector<16xf32>,
          %add3A_470 = arith.constant 2 : i32
          %add3A_471 = vector.broadcast %add3A_470 : i32 to vector<16xi32>
          %add3A_472 = arith.addi %add3A_12, %add3A_471 : vector<16xi32>
          tpu.vector_store_idx %arg21[%broadcast_in_dim3A_316, %add3A_472], %add3A_416 : memref<80x128xf32, #tpu.memory_space<vmem>>[vector<16xi32>, vector<16xi32>], vector<16xf32>,
          %swap3A_473 = arith.index_cast %add3A_307 : i32 to index
          %swap3A_474 = arith.constant 16 : index
          %swap3A_475 = tpu.vector_load %arg21[%swap3A_473, %swap3A_474] {strides = array<i32>} : memref<80x128xf32, #tpu.memory_space<vmem>>, vector<16xf32>,
          tpu.vector_store %arg21[%swap3A_473, %swap3A_474], %add3A_430 {strides = array<i32>} : memref<80x128xf32, #tpu.memory_space<vmem>>, vector<16xf32>,
          tpu.vector_store_idx %arg21[%broadcast_in_dim3A_316, %add3A_15], %add3A_454 : memref<80x128xf32, #tpu.memory_space<vmem>>[vector<16xi32>, vector<16xi32>], vector<16xf32>,
          %add3A_476 = arith.constant 1 : i32
          %add3A_477 = vector.broadcast %add3A_476 : i32 to vector<16xi32>
          %add3A_478 = arith.addi %add3A_15, %add3A_477 : vector<16xi32>
          tpu.vector_store_idx %arg21[%broadcast_in_dim3A_316, %add3A_478], %add3A_459 : memref<80x128xf32, #tpu.memory_space<vmem>>[vector<16xi32>, vector<16xi32>], vector<16xf32>,
          %add3A_479 = arith.constant 2 : i32
          %add3A_480 = vector.broadcast %add3A_479 : i32 to vector<16xi32>
          %add3A_481 = arith.addi %add3A_15, %add3A_480 : vector<16xi32>
          tpu.vector_store_idx %arg21[%broadcast_in_dim3A_316, %add3A_481], %add3A_464 : memref<80x128xf32, #tpu.memory_space<vmem>>[vector<16xi32>, vector<16xi32>], vector<16xf32>,
        }
        %scan3A_272 = arith.constant 40 : i32
        %add3A_273 = arith.constant 1 : i32
        %add3A_274 = arith.addi %add3A_204, %add3A_273 : i32
        %lt3A_275 = arith.constant 125 : i32
        %lt3A_276 = arith.cmpi slt, %add3A_274, %lt3A_275 : i32
        %convert_element_type3A_277 = arith.extui %lt3A_276 : i1 to i32
        %cond3A_278 = arith.constant 0 : i32
        %cond3A_279 = arith.cmpi ne, %convert_element_type3A_277, %cond3A_278 : i32
        scf.if %cond3A_279 {
          %add3A_305 = arith.constant 1 : i32
          %add3A_306 = arith.addi %add3A_204, %add3A_305 : i32
          %mul3A_307 = arith.constant 80 : i32
          %mul3A_308 = arith.muli %add3A_306, %mul3A_307 : i32
          %add3A_309 = arith.addi %mul3A_2, %mul3A_308 : i32
          %dma_start3A_310 = arith.constant 0 : i32
          %dma_start3A_311 = tpu.memref_slice %arg4[%add3A_309, %dma_start3A_310] : memref<320000x160xf32, #tpu.memory_space<hbm>> -> memref<40x160xf32, #tpu.memory_space<hbm>>
          %dma_start3A_312 = arith.constant 0 : i32
          %dma_start3A_313 = tpu.memref_slice %arg4[%add3A_309, %dma_start3A_312] : memref<320000x160xf32, #tpu.memory_space<hbm>> -> memref<40x160xf32, #tpu.memory_space<hbm>>
          tpu.enqueue_dma source(%dma_start3A_313 : memref<40x160xf32, #tpu.memory_space<hbm>>) target(%arg12 : memref<40x160xf32, #tpu.memory_space<vmem>>) target_semaphore(%arg30 : memref<!tpu.dma_semaphore, #tpu.memory_space<semaphore_mem>>)
        } else {
        }
        %mul3A_280 = arith.constant 80 : i32
        %mul3A_281 = arith.muli %add3A_204, %mul3A_280 : i32
        %add3A_282 = arith.addi %mul3A_2, %mul3A_281 : i32
        %add3A_283 = arith.constant 40 : i32
        %add3A_284 = arith.addi %add3A_282, %add3A_283 : i32
        %dma_wait3A_285 = arith.constant 0 : i32
        %dma_wait3A_286 = tpu.memref_slice %arg4[%add3A_284, %dma_wait3A_285] : memref<320000x160xf32, #tpu.memory_space<hbm>> -> memref<40x160xf32, #tpu.memory_space<hbm>>
        %dma_wait3A_287 = arith.constant 0 : i32
        %dma_wait3A_288 = tpu.memref_slice %arg4[%add3A_284, %dma_wait3A_287] : memref<320000x160xf32, #tpu.memory_space<hbm>> -> memref<40x160xf32, #tpu.memory_space<hbm>>
        tpu.wait_dma2 semaphore(%arg31 : memref<!tpu.dma_semaphore, #tpu.memory_space<semaphore_mem>>) src(%dma_wait3A_288 : memref<40x160xf32, #tpu.memory_space<hbm>>) dst(%arg13 : memref<40x160xf32, #tpu.memory_space<vmem>>)
        %scan3A_289 = arith.constant 0 : i32
        %scan3A_290 = arith.constant 0 : i32
        %scan3A_291 = arith.constant 40 : i32
        %scan3A_292 = arith.addi %scan3A_290, %scan3A_291 : i32
        %scan3A_293 = arith.constant 1 : i32
        scf.for %scan3A_305 = %scan3A_290 to %scan3A_292 step %scan3A_293  : i32 {
          %add3A_306 = arith.constant 40 : i32
          %add3A_307 = arith.addi %add3A_306, %scan3A_305 : i32
          %broadcast_in_dim3A = vector.broadcast %add3A_307 : i32 to vector<16xi32>
          %gather3A = tpu.vector_load_idx %arg11[%broadcast_in_dim3A] : memref<240xf32, #tpu.memory_space<vmem>>[vector<16xi32>], vector<16xf32>,
          %add3A_308 = arith.constant 80 : i32
          %add3A_309 = arith.addi %add3A_308, %add3A_307 : i32
          %broadcast_in_dim3A_310 = vector.broadcast %add3A_309 : i32 to vector<16xi32>
          %gather3A_311 = tpu.vector_load_idx %arg11[%broadcast_in_dim3A_310] : memref<240xf32, #tpu.memory_space<vmem>>[vector<16xi32>], vector<16xf32>,
          %add3A_312 = arith.constant 160 : i32
          %add3A_313 = arith.addi %add3A_312, %add3A_307 : i32
          %broadcast_in_dim3A_314 = vector.broadcast %add3A_313 : i32 to vector<16xi32>
          %gather3A_315 = tpu.vector_load_idx %arg11[%broadcast_in_dim3A_314] : memref<240xf32, #tpu.memory_space<vmem>>[vector<16xi32>], vector<16xf32>,
          %broadcast_in_dim3A_316 = vector.broadcast %add3A_307 : i32 to vector<16xi32>
          %get3A = arith.index_cast %add3A_307 : i32 to index
          %get3A_317 = arith.constant 0 : index
          %get3A_318 = tpu.vector_load %arg21[%get3A, %get3A_317] {strides = array<i32>} : memref<80x128xf32, #tpu.memory_space<vmem>>, vector<16xf32>,
          %gather3A_319 = tpu.vector_load_idx %arg21[%broadcast_in_dim3A_316, %add3A_12] : memref<80x128xf32, #tpu.memory_space<vmem>>[vector<16xi32>, vector<16xi32>], vector<16xf32>,
          %add3A_320 = arith.constant 1 : i32
          %add3A_321 = vector.broadcast %add3A_320 : i32 to vector<16xi32>
          %add3A_322 = arith.addi %add3A_12, %add3A_321 : vector<16xi32>
          %gather3A_323 = tpu.vector_load_idx %arg21[%broadcast_in_dim3A_316, %add3A_322] : memref<80x128xf32, #tpu.memory_space<vmem>>[vector<16xi32>, vector<16xi32>], vector<16xf32>,
          %add3A_324 = arith.constant 2 : i32
          %add3A_325 = vector.broadcast %add3A_324 : i32 to vector<16xi32>
          %add3A_326 = arith.addi %add3A_12, %add3A_325 : vector<16xi32>
          %gather3A_327 = tpu.vector_load_idx %arg21[%broadcast_in_dim3A_316, %add3A_326] : memref<80x128xf32, #tpu.memory_space<vmem>>[vector<16xi32>, vector<16xi32>], vector<16xf32>,
          %get3A_328 = arith.index_cast %scan3A_305 : i32 to index
          %get3A_329 = arith.constant 0 : index
          %get3A_330 = tpu.vector_load %arg13[%get3A_328, %get3A_329] {strides = array<i32>} : memref<40x160xf32, #tpu.memory_space<vmem>>, vector<16xf32>,
          %get3A_331 = arith.index_cast %scan3A_305 : i32 to index
          %get3A_332 = arith.constant 32 : index
          %get3A_333 = tpu.vector_load %arg13[%get3A_331, %get3A_332] {strides = array<i32>} : memref<40x160xf32, #tpu.memory_space<vmem>>, vector<16xf32>,
          %get3A_334 = arith.index_cast %scan3A_305 : i32 to index
          %get3A_335 = arith.constant 64 : index
          %get3A_336 = tpu.vector_load %arg13[%get3A_334, %get3A_335] {strides = array<i32>} : memref<40x160xf32, #tpu.memory_space<vmem>>, vector<16xf32>,
          %get3A_337 = arith.index_cast %scan3A_305 : i32 to index
          %get3A_338 = arith.constant 96 : index
          %get3A_339 = tpu.vector_load %arg13[%get3A_337, %get3A_338] {strides = array<i32>} : memref<40x160xf32, #tpu.memory_space<vmem>>, vector<16xf32>,
          %get3A_340 = arith.index_cast %scan3A_305 : i32 to index
          %get3A_341 = arith.constant 128 : index
          %get3A_342 = tpu.vector_load %arg13[%get3A_340, %get3A_341] {strides = array<i32>} : memref<40x160xf32, #tpu.memory_space<vmem>>, vector<16xf32>,
          %get3A_343 = arith.index_cast %add3A_307 : i32 to index
          %get3A_344 = arith.constant 16 : index
          %get3A_345 = tpu.vector_load %arg21[%get3A_343, %get3A_344] {strides = array<i32>} : memref<80x128xf32, #tpu.memory_space<vmem>>, vector<16xf32>,
          %gather3A_346 = tpu.vector_load_idx %arg21[%broadcast_in_dim3A_316, %add3A_15] : memref<80x128xf32, #tpu.memory_space<vmem>>[vector<16xi32>, vector<16xi32>], vector<16xf32>,
          %add3A_347 = arith.constant 1 : i32
          %add3A_348 = vector.broadcast %add3A_347 : i32 to vector<16xi32>
          %add3A_349 = arith.addi %add3A_15, %add3A_348 : vector<16xi32>
          %gather3A_350 = tpu.vector_load_idx %arg21[%broadcast_in_dim3A_316, %add3A_349] : memref<80x128xf32, #tpu.memory_space<vmem>>[vector<16xi32>, vector<16xi32>], vector<16xf32>,
          %add3A_351 = arith.constant 2 : i32
          %add3A_352 = vector.broadcast %add3A_351 : i32 to vector<16xi32>
          %add3A_353 = arith.addi %add3A_15, %add3A_352 : vector<16xi32>
          %gather3A_354 = tpu.vector_load_idx %arg21[%broadcast_in_dim3A_316, %add3A_353] : memref<80x128xf32, #tpu.memory_space<vmem>>[vector<16xi32>, vector<16xi32>], vector<16xf32>,
          %get3A_355 = arith.index_cast %scan3A_305 : i32 to index
          %get3A_356 = arith.constant 16 : index
          %get3A_357 = tpu.vector_load %arg13[%get3A_355, %get3A_356] {strides = array<i32>} : memref<40x160xf32, #tpu.memory_space<vmem>>, vector<16xf32>,
          %get3A_358 = arith.index_cast %scan3A_305 : i32 to index
          %get3A_359 = arith.constant 48 : index
          %get3A_360 = tpu.vector_load %arg13[%get3A_358, %get3A_359] {strides = array<i32>} : memref<40x160xf32, #tpu.memory_space<vmem>>, vector<16xf32>,
          %get3A_361 = arith.index_cast %scan3A_305 : i32 to index
          %get3A_362 = arith.constant 80 : index
          %get3A_363 = tpu.vector_load %arg13[%get3A_361, %get3A_362] {strides = array<i32>} : memref<40x160xf32, #tpu.memory_space<vmem>>, vector<16xf32>,
          %get3A_364 = arith.index_cast %scan3A_305 : i32 to index
          %get3A_365 = arith.constant 112 : index
          %get3A_366 = tpu.vector_load %arg13[%get3A_364, %get3A_365] {strides = array<i32>} : memref<40x160xf32, #tpu.memory_space<vmem>>, vector<16xf32>,
          %get3A_367 = arith.index_cast %scan3A_305 : i32 to index
          %get3A_368 = arith.constant 144 : index
          %get3A_369 = tpu.vector_load %arg13[%get3A_367, %get3A_368] {strides = array<i32>} : memref<40x160xf32, #tpu.memory_space<vmem>>, vector<16xf32>,
          %mul3A_370 = arith.mulf %gather3A_319, %gather3A : vector<16xf32>
          %mul3A_371 = arith.mulf %gather3A_323, %gather3A_311 : vector<16xf32>
          %add3A_372 = arith.addf %mul3A_370, %mul3A_371 : vector<16xf32>
          %mul3A_373 = arith.mulf %gather3A_327, %gather3A_315 : vector<16xf32>
          %add3A_374 = arith.addf %add3A_372, %mul3A_373 : vector<16xf32>
          %mul3A_375 = arith.mulf %get3A_330, %get3A_318 : vector<16xf32>
          %mul3A_376 = arith.constant 0.707106769 : f32
          %mul3A_377 = vector.broadcast %mul3A_376 : f32 to vector<16xf32>
          %mul3A_378 = arith.mulf %mul3A_377, %mul3A_375 : vector<16xf32>
          %mul3A_379 = arith.mulf %get3A_339, %add3A_374 : vector<16xf32>
          %mul3A_380 = arith.constant 0.408248305 : f32
          %mul3A_381 = vector.broadcast %mul3A_380 : f32 to vector<16xf32>
          %mul3A_382 = arith.mulf %mul3A_381, %mul3A_379 : vector<16xf32>
          %add3A_383 = arith.addf %mul3A_378, %mul3A_382 : vector<16xf32>
          %mul3A_384 = arith.mulf %gather3A_323, %gather3A_315 : vector<16xf32>
          %mul3A_385 = arith.mulf %gather3A_327, %gather3A_311 : vector<16xf32>
          %sub3A = arith.subf %mul3A_384, %mul3A_385 : vector<16xf32>
          %mul3A_386 = arith.mulf %gather3A_327, %gather3A : vector<16xf32>
          %mul3A_387 = arith.mulf %gather3A_319, %gather3A_315 : vector<16xf32>
          %sub3A_388 = arith.subf %mul3A_386, %mul3A_387 : vector<16xf32>
          %mul3A_389 = arith.mulf %gather3A_319, %gather3A_311 : vector<16xf32>
          %mul3A_390 = arith.mulf %gather3A_323, %gather3A : vector<16xf32>
          %sub3A_391 = arith.subf %mul3A_389, %mul3A_390 : vector<16xf32>
          %mul3A_392 = arith.mulf %get3A_333, %get3A_318 : vector<16xf32>
          %mul3A_393 = arith.constant 0.577350259 : f32
          %mul3A_394 = vector.broadcast %mul3A_393 : f32 to vector<16xf32>
          %mul3A_395 = arith.mulf %mul3A_394, %mul3A_392 : vector<16xf32>
          %mul3A_396 = arith.constant 0.577350259 : f32
          %mul3A_397 = vector.broadcast %mul3A_396 : f32 to vector<16xf32>
          %mul3A_398 = arith.mulf %mul3A_397, %get3A_336 : vector<16xf32>
          %mul3A_399 = arith.constant 0.408248305 : f32
          %mul3A_400 = vector.broadcast %mul3A_399 : f32 to vector<16xf32>
          %mul3A_401 = arith.mulf %mul3A_400, %get3A_342 : vector<16xf32>
          %mul3A_402 = arith.mulf %mul3A_395, %gather3A : vector<16xf32>
          %mul3A_403 = arith.mulf %mul3A_398, %gather3A_319 : vector<16xf32>
          %add3A_404 = arith.addf %mul3A_402, %mul3A_403 : vector<16xf32>
          %mul3A_405 = arith.mulf %mul3A_401, %sub3A : vector<16xf32>
          %add3A_406 = arith.addf %add3A_404, %mul3A_405 : vector<16xf32>
          %mul3A_407 = arith.mulf %mul3A_395, %gather3A_311 : vector<16xf32>
          %mul3A_408 = arith.mulf %mul3A_398, %gather3A_323 : vector<16xf32>
          %add3A_409 = arith.addf %mul3A_407, %mul3A_408 : vector<16xf32>
          %mul3A_410 = arith.mulf %mul3A_401, %sub3A_388 : vector<16xf32>
          %add3A_411 = arith.addf %add3A_409, %mul3A_410 : vector<16xf32>
          %mul3A_412 = arith.mulf %mul3A_395, %gather3A_315 : vector<16xf32>
          %mul3A_413 = arith.mulf %mul3A_398, %gather3A_327 : vector<16xf32>
          %add3A_414 = arith.addf %mul3A_412, %mul3A_413 : vector<16xf32>
          %mul3A_415 = arith.mulf %mul3A_401, %sub3A_391 : vector<16xf32>
          %add3A_416 = arith.addf %add3A_414, %mul3A_415 : vector<16xf32>
          %mul3A_417 = arith.mulf %gather3A_346, %gather3A : vector<16xf32>
          %mul3A_418 = arith.mulf %gather3A_350, %gather3A_311 : vector<16xf32>
          %add3A_419 = arith.addf %mul3A_417, %mul3A_418 : vector<16xf32>
          %mul3A_420 = arith.mulf %gather3A_354, %gather3A_315 : vector<16xf32>
          %add3A_421 = arith.addf %add3A_419, %mul3A_420 : vector<16xf32>
          %mul3A_422 = arith.mulf %get3A_357, %get3A_345 : vector<16xf32>
          %mul3A_423 = arith.constant 0.707106769 : f32
          %mul3A_424 = vector.broadcast %mul3A_423 : f32 to vector<16xf32>
          %mul3A_425 = arith.mulf %mul3A_424, %mul3A_422 : vector<16xf32>
          %mul3A_426 = arith.mulf %get3A_366, %add3A_421 : vector<16xf32>
          %mul3A_427 = arith.constant 0.408248305 : f32
          %mul3A_428 = vector.broadcast %mul3A_427 : f32 to vector<16xf32>
          %mul3A_429 = arith.mulf %mul3A_428, %mul3A_426 : vector<16xf32>
          %add3A_430 = arith.addf %mul3A_425, %mul3A_429 : vector<16xf32>
          %mul3A_431 = arith.mulf %gather3A_350, %gather3A_315 : vector<16xf32>
          %mul3A_432 = arith.mulf %gather3A_354, %gather3A_311 : vector<16xf32>
          %sub3A_433 = arith.subf %mul3A_431, %mul3A_432 : vector<16xf32>
          %mul3A_434 = arith.mulf %gather3A_354, %gather3A : vector<16xf32>
          %mul3A_435 = arith.mulf %gather3A_346, %gather3A_315 : vector<16xf32>
          %sub3A_436 = arith.subf %mul3A_434, %mul3A_435 : vector<16xf32>
          %mul3A_437 = arith.mulf %gather3A_346, %gather3A_311 : vector<16xf32>
          %mul3A_438 = arith.mulf %gather3A_350, %gather3A : vector<16xf32>
          %sub3A_439 = arith.subf %mul3A_437, %mul3A_438 : vector<16xf32>
          %mul3A_440 = arith.mulf %get3A_360, %get3A_345 : vector<16xf32>
          %mul3A_441 = arith.constant 0.577350259 : f32
          %mul3A_442 = vector.broadcast %mul3A_441 : f32 to vector<16xf32>
          %mul3A_443 = arith.mulf %mul3A_442, %mul3A_440 : vector<16xf32>
          %mul3A_444 = arith.constant 0.577350259 : f32
          %mul3A_445 = vector.broadcast %mul3A_444 : f32 to vector<16xf32>
          %mul3A_446 = arith.mulf %mul3A_445, %get3A_363 : vector<16xf32>
          %mul3A_447 = arith.constant 0.408248305 : f32
          %mul3A_448 = vector.broadcast %mul3A_447 : f32 to vector<16xf32>
          %mul3A_449 = arith.mulf %mul3A_448, %get3A_369 : vector<16xf32>
          %mul3A_450 = arith.mulf %mul3A_443, %gather3A : vector<16xf32>
          %mul3A_451 = arith.mulf %mul3A_446, %gather3A_346 : vector<16xf32>
          %add3A_452 = arith.addf %mul3A_450, %mul3A_451 : vector<16xf32>
          %mul3A_453 = arith.mulf %mul3A_449, %sub3A_433 : vector<16xf32>
          %add3A_454 = arith.addf %add3A_452, %mul3A_453 : vector<16xf32>
          %mul3A_455 = arith.mulf %mul3A_443, %gather3A_311 : vector<16xf32>
          %mul3A_456 = arith.mulf %mul3A_446, %gather3A_350 : vector<16xf32>
          %add3A_457 = arith.addf %mul3A_455, %mul3A_456 : vector<16xf32>
          %mul3A_458 = arith.mulf %mul3A_449, %sub3A_436 : vector<16xf32>
          %add3A_459 = arith.addf %add3A_457, %mul3A_458 : vector<16xf32>
          %mul3A_460 = arith.mulf %mul3A_443, %gather3A_315 : vector<16xf32>
          %mul3A_461 = arith.mulf %mul3A_446, %gather3A_354 : vector<16xf32>
          %add3A_462 = arith.addf %mul3A_460, %mul3A_461 : vector<16xf32>
          %mul3A_463 = arith.mulf %mul3A_449, %sub3A_439 : vector<16xf32>
          %add3A_464 = arith.addf %add3A_462, %mul3A_463 : vector<16xf32>
          %swap3A = arith.index_cast %add3A_307 : i32 to index
          %swap3A_465 = arith.constant 0 : index
          %swap3A_466 = tpu.vector_load %arg21[%swap3A, %swap3A_465] {strides = array<i32>} : memref<80x128xf32, #tpu.memory_space<vmem>>, vector<16xf32>,
          tpu.vector_store %arg21[%swap3A, %swap3A_465], %add3A_383 {strides = array<i32>} : memref<80x128xf32, #tpu.memory_space<vmem>>, vector<16xf32>,
          tpu.vector_store_idx %arg21[%broadcast_in_dim3A_316, %add3A_12], %add3A_406 : memref<80x128xf32, #tpu.memory_space<vmem>>[vector<16xi32>, vector<16xi32>], vector<16xf32>,
          %add3A_467 = arith.constant 1 : i32
          %add3A_468 = vector.broadcast %add3A_467 : i32 to vector<16xi32>
          %add3A_469 = arith.addi %add3A_12, %add3A_468 : vector<16xi32>
          tpu.vector_store_idx %arg21[%broadcast_in_dim3A_316, %add3A_469], %add3A_411 : memref<80x128xf32, #tpu.memory_space<vmem>>[vector<16xi32>, vector<16xi32>], vector<16xf32>,
          %add3A_470 = arith.constant 2 : i32
          %add3A_471 = vector.broadcast %add3A_470 : i32 to vector<16xi32>
          %add3A_472 = arith.addi %add3A_12, %add3A_471 : vector<16xi32>
          tpu.vector_store_idx %arg21[%broadcast_in_dim3A_316, %add3A_472], %add3A_416 : memref<80x128xf32, #tpu.memory_space<vmem>>[vector<16xi32>, vector<16xi32>], vector<16xf32>,
          %swap3A_473 = arith.index_cast %add3A_307 : i32 to index
          %swap3A_474 = arith.constant 16 : index
          %swap3A_475 = tpu.vector_load %arg21[%swap3A_473, %swap3A_474] {strides = array<i32>} : memref<80x128xf32, #tpu.memory_space<vmem>>, vector<16xf32>,
          tpu.vector_store %arg21[%swap3A_473, %swap3A_474], %add3A_430 {strides = array<i32>} : memref<80x128xf32, #tpu.memory_space<vmem>>, vector<16xf32>,
          tpu.vector_store_idx %arg21[%broadcast_in_dim3A_316, %add3A_15], %add3A_454 : memref<80x128xf32, #tpu.memory_space<vmem>>[vector<16xi32>, vector<16xi32>], vector<16xf32>,
          %add3A_476 = arith.constant 1 : i32
          %add3A_477 = vector.broadcast %add3A_476 : i32 to vector<16xi32>
          %add3A_478 = arith.addi %add3A_15, %add3A_477 : vector<16xi32>
          tpu.vector_store_idx %arg21[%broadcast_in_dim3A_316, %add3A_478], %add3A_459 : memref<80x128xf32, #tpu.memory_space<vmem>>[vector<16xi32>, vector<16xi32>], vector<16xf32>,
          %add3A_479 = arith.constant 2 : i32
          %add3A_480 = vector.broadcast %add3A_479 : i32 to vector<16xi32>
          %add3A_481 = arith.addi %add3A_15, %add3A_480 : vector<16xi32>
          tpu.vector_store_idx %arg21[%broadcast_in_dim3A_316, %add3A_481], %add3A_464 : memref<80x128xf32, #tpu.memory_space<vmem>>[vector<16xi32>, vector<16xi32>], vector<16xf32>,
        }
        %scan3A_294 = arith.constant 40 : i32
        %add3A_295 = arith.constant 1 : i32
        %add3A_296 = arith.addi %add3A_204, %add3A_295 : i32
        %lt3A_297 = arith.constant 125 : i32
        %lt3A_298 = arith.cmpi slt, %add3A_296, %lt3A_297 : i32
        %convert_element_type3A_299 = arith.extui %lt3A_298 : i1 to i32
        %cond3A_300 = arith.constant 0 : i32
        %cond3A_301 = arith.cmpi ne, %convert_element_type3A_299, %cond3A_300 : i32
        scf.if %cond3A_301 {
          %add3A_305 = arith.constant 1 : i32
          %add3A_306 = arith.addi %add3A_204, %add3A_305 : i32
          %mul3A_307 = arith.constant 80 : i32
          %mul3A_308 = arith.muli %add3A_306, %mul3A_307 : i32
          %add3A_309 = arith.addi %mul3A_2, %mul3A_308 : i32
          %add3A_310 = arith.constant 40 : i32
          %add3A_311 = arith.addi %add3A_309, %add3A_310 : i32
          %dma_start3A_312 = arith.constant 0 : i32
          %dma_start3A_313 = tpu.memref_slice %arg4[%add3A_311, %dma_start3A_312] : memref<320000x160xf32, #tpu.memory_space<hbm>> -> memref<40x160xf32, #tpu.memory_space<hbm>>
          %dma_start3A_314 = arith.constant 0 : i32
          %dma_start3A_315 = tpu.memref_slice %arg4[%add3A_311, %dma_start3A_314] : memref<320000x160xf32, #tpu.memory_space<hbm>> -> memref<40x160xf32, #tpu.memory_space<hbm>>
          tpu.enqueue_dma source(%dma_start3A_315 : memref<40x160xf32, #tpu.memory_space<hbm>>) target(%arg13 : memref<40x160xf32, #tpu.memory_space<vmem>>) target_semaphore(%arg31 : memref<!tpu.dma_semaphore, #tpu.memory_space<semaphore_mem>>)
        } else {
        }
        %dma_start3A_302 = arith.constant 0 : i32
        %dma_start3A_303 = arith.constant 0 : i32
        %dma_start3A_304 = tpu.memref_slice %arg10[%dma_start3A_302, %dma_start3A_303] : memref<10000x128xf32, #tpu.memory_space<vmem_shared>> -> memref<10000x128xf32, #tpu.memory_space<vmem_shared>>
        tpu.enqueue_indirect_dma source(%arg21 : memref<80x128xf32, #tpu.memory_space<vmem>>) target(%dma_start3A_304 : memref<10000x128xf32, #tpu.memory_space<vmem_shared>>) offsets(%arg19 : memref<80xi32, #tpu.memory_space<vmem>>) semaphore(%arg29 : memref<!tpu.dma_semaphore, #tpu.memory_space<semaphore_mem>>) {add = true}
      } else {
      }
    }
    %scan3A_73 = arith.constant 63 : i32
    %dma_wait3A_74 = arith.constant 0 : i32
    %dma_wait3A_75 = arith.constant 0 : i32
    %dma_wait3A_76 = tpu.memref_slice %arg10[%dma_wait3A_74, %dma_wait3A_75] : memref<10000x128xf32, #tpu.memory_space<vmem_shared>> -> memref<10000x128xf32, #tpu.memory_space<vmem_shared>>
    tpu.wait_indirect_dma semaphore(%arg25 : memref<!tpu.dma_semaphore, #tpu.memory_space<semaphore_mem>>) src(%arg17 : memref<80x128xf32, #tpu.memory_space<vmem>>) dst(%dma_wait3A_76 : memref<10000x128xf32, #tpu.memory_space<vmem_shared>>)
    %barrier3A_77 = arith.constant 0 : index
    tpu.barrier barrier_id(%barrier3A_77)
    %mul3A_78 = arith.constant 624 : i32
    %mul3A_79 = arith.muli %arg1, %mul3A_78 : i32
    %multiple_of3A_80 = tpu.assume_multiple %mul3A_79, 8 : i32
    %eq3A_81 = arith.constant 0 : i32
    %eq3A_82 = arith.cmpi eq, %arg0, %eq3A_81 : i32
    %convert_element_type3A_83 = arith.extui %eq3A_82 : i1 to i32
    %cond3A_84 = arith.constant 0 : i32
    %cond3A_85 = arith.cmpi ne, %convert_element_type3A_83, %cond3A_84 : i32
    scf.if %cond3A_85 {
      "tpu.region"() ({
        %run_scoped3A = tpu.sem_alloc : memref<!tpu.dma_semaphore, #tpu.memory_space<semaphore_mem>>
        %dma_start3A_96 = arith.constant 0 : i32
        %dma_start3A_97 = tpu.memref_slice %arg8[%multiple_of3A_80, %dma_start3A_96] : memref<10000x128xf32, #tpu.memory_space<hbm>> -> memref<624x128xf32, #tpu.memory_space<hbm>>
        %dma_start3A_98 = arith.constant 0 : i32
        %dma_start3A_99 = tpu.memref_slice %arg10[%multiple_of3A_80, %dma_start3A_98] : memref<10000x128xf32, #tpu.memory_space<vmem_shared>> -> memref<624x128xf32, #tpu.memory_space<vmem_shared>>
        tpu.enqueue_dma source(%dma_start3A_99 : memref<624x128xf32, #tpu.memory_space<vmem_shared>>) target(%dma_start3A_97 : memref<624x128xf32, #tpu.memory_space<hbm>>) target_semaphore(%run_scoped3A : memref<!tpu.dma_semaphore, #tpu.memory_space<semaphore_mem>>)
        %dma_wait3A_100 = arith.constant 0 : i32
        %dma_wait3A_101 = tpu.memref_slice %arg8[%multiple_of3A_80, %dma_wait3A_100] : memref<10000x128xf32, #tpu.memory_space<hbm>> -> memref<624x128xf32, #tpu.memory_space<hbm>>
        %dma_wait3A_102 = arith.constant 0 : i32
        %dma_wait3A_103 = tpu.memref_slice %arg10[%multiple_of3A_80, %dma_wait3A_102] : memref<10000x128xf32, #tpu.memory_space<vmem_shared>> -> memref<624x128xf32, #tpu.memory_space<vmem_shared>>
        tpu.wait_dma2 semaphore(%run_scoped3A : memref<!tpu.dma_semaphore, #tpu.memory_space<semaphore_mem>>) src(%dma_wait3A_103 : memref<624x128xf32, #tpu.memory_space<vmem_shared>>) dst(%dma_wait3A_101 : memref<624x128xf32, #tpu.memory_space<hbm>>)
        tpu.yield
      }) : () -> ()
      %eq3A_91 = arith.constant 0 : i32
      %eq3A_92 = arith.cmpi eq, %arg1, %eq3A_91 : i32
      %convert_element_type3A_93 = arith.extui %eq3A_92 : i1 to i32
      %cond3A_94 = arith.constant 0 : i32
      %cond3A_95 = arith.cmpi ne, %convert_element_type3A_93, %cond3A_94 : i32
      scf.if %cond3A_95 {
        "tpu.region"() ({
          %run_scoped3A = tpu.sem_alloc : memref<!tpu.dma_semaphore, #tpu.memory_space<semaphore_mem>>
          %dma_start3A_96 = arith.constant 9984 : i32
          %dma_start3A_97 = arith.constant 0 : i32
          %dma_start3A_98 = tpu.memref_slice %arg8[%dma_start3A_96, %dma_start3A_97] : memref<10000x128xf32, #tpu.memory_space<hbm>> -> memref<16x128xf32, #tpu.memory_space<hbm>>
          %dma_start3A_99 = arith.constant 9984 : i32
          %dma_start3A_100 = arith.constant 0 : i32
          %dma_start3A_101 = tpu.memref_slice %arg10[%dma_start3A_99, %dma_start3A_100] : memref<10000x128xf32, #tpu.memory_space<vmem_shared>> -> memref<16x128xf32, #tpu.memory_space<vmem_shared>>
          tpu.enqueue_dma source(%dma_start3A_101 : memref<16x128xf32, #tpu.memory_space<vmem_shared>>) target(%dma_start3A_98 : memref<16x128xf32, #tpu.memory_space<hbm>>) target_semaphore(%run_scoped3A : memref<!tpu.dma_semaphore, #tpu.memory_space<semaphore_mem>>)
          %dma_wait3A_102 = arith.constant 9984 : i32
          %dma_wait3A_103 = arith.constant 0 : i32
          %dma_wait3A_104 = tpu.memref_slice %arg8[%dma_wait3A_102, %dma_wait3A_103] : memref<10000x128xf32, #tpu.memory_space<hbm>> -> memref<16x128xf32, #tpu.memory_space<hbm>>
          %dma_wait3A_105 = arith.constant 9984 : i32
          %dma_wait3A_106 = arith.constant 0 : i32
          %dma_wait3A_107 = tpu.memref_slice %arg10[%dma_wait3A_105, %dma_wait3A_106] : memref<10000x128xf32, #tpu.memory_space<vmem_shared>> -> memref<16x128xf32, #tpu.memory_space<vmem_shared>>
          tpu.wait_dma2 semaphore(%run_scoped3A : memref<!tpu.dma_semaphore, #tpu.memory_space<semaphore_mem>>) src(%dma_wait3A_107 : memref<16x128xf32, #tpu.memory_space<vmem_shared>>) dst(%dma_wait3A_104 : memref<16x128xf32, #tpu.memory_space<hbm>>)
          tpu.yield
        }) : () -> ()
      } else {
      }
    } else {
    }
    %eq3A_86 = arith.constant 1 : i32
    %eq3A_87 = arith.cmpi eq, %arg0, %eq3A_86 : i32
    %convert_element_type3A_88 = arith.extui %eq3A_87 : i1 to i32
    %cond3A_89 = arith.constant 0 : i32
    %cond3A_90 = arith.cmpi ne, %convert_element_type3A_88, %cond3A_89 : i32
    scf.if %cond3A_90 {
      "tpu.region"() ({
        %run_scoped3A = tpu.sem_alloc : memref<!tpu.dma_semaphore, #tpu.memory_space<semaphore_mem>>
        %dma_start3A_96 = arith.constant 0 : i32
        %dma_start3A_97 = tpu.memref_slice %arg9[%multiple_of3A_80, %dma_start3A_96] : memref<10000x128xf32, #tpu.memory_space<hbm>> -> memref<624x128xf32, #tpu.memory_space<hbm>>
        %dma_start3A_98 = arith.constant 0 : i32
        %dma_start3A_99 = tpu.memref_slice %arg10[%multiple_of3A_80, %dma_start3A_98] : memref<10000x128xf32, #tpu.memory_space<vmem_shared>> -> memref<624x128xf32, #tpu.memory_space<vmem_shared>>
        tpu.enqueue_dma source(%dma_start3A_99 : memref<624x128xf32, #tpu.memory_space<vmem_shared>>) target(%dma_start3A_97 : memref<624x128xf32, #tpu.memory_space<hbm>>) target_semaphore(%run_scoped3A : memref<!tpu.dma_semaphore, #tpu.memory_space<semaphore_mem>>)
        %dma_wait3A_100 = arith.constant 0 : i32
        %dma_wait3A_101 = tpu.memref_slice %arg9[%multiple_of3A_80, %dma_wait3A_100] : memref<10000x128xf32, #tpu.memory_space<hbm>> -> memref<624x128xf32, #tpu.memory_space<hbm>>
        %dma_wait3A_102 = arith.constant 0 : i32
        %dma_wait3A_103 = tpu.memref_slice %arg10[%multiple_of3A_80, %dma_wait3A_102] : memref<10000x128xf32, #tpu.memory_space<vmem_shared>> -> memref<624x128xf32, #tpu.memory_space<vmem_shared>>
        tpu.wait_dma2 semaphore(%run_scoped3A : memref<!tpu.dma_semaphore, #tpu.memory_space<semaphore_mem>>) src(%dma_wait3A_103 : memref<624x128xf32, #tpu.memory_space<vmem_shared>>) dst(%dma_wait3A_101 : memref<624x128xf32, #tpu.memory_space<hbm>>)
        tpu.yield
      }) : () -> ()
      %eq3A_91 = arith.constant 0 : i32
      %eq3A_92 = arith.cmpi eq, %arg1, %eq3A_91 : i32
      %convert_element_type3A_93 = arith.extui %eq3A_92 : i1 to i32
      %cond3A_94 = arith.constant 0 : i32
      %cond3A_95 = arith.cmpi ne, %convert_element_type3A_93, %cond3A_94 : i32
      scf.if %cond3A_95 {
        "tpu.region"() ({
          %run_scoped3A = tpu.sem_alloc : memref<!tpu.dma_semaphore, #tpu.memory_space<semaphore_mem>>
          %dma_start3A_96 = arith.constant 9984 : i32
          %dma_start3A_97 = arith.constant 0 : i32
          %dma_start3A_98 = tpu.memref_slice %arg9[%dma_start3A_96, %dma_start3A_97] : memref<10000x128xf32, #tpu.memory_space<hbm>> -> memref<16x128xf32, #tpu.memory_space<hbm>>
          %dma_start3A_99 = arith.constant 9984 : i32
          %dma_start3A_100 = arith.constant 0 : i32
          %dma_start3A_101 = tpu.memref_slice %arg10[%dma_start3A_99, %dma_start3A_100] : memref<10000x128xf32, #tpu.memory_space<vmem_shared>> -> memref<16x128xf32, #tpu.memory_space<vmem_shared>>
          tpu.enqueue_dma source(%dma_start3A_101 : memref<16x128xf32, #tpu.memory_space<vmem_shared>>) target(%dma_start3A_98 : memref<16x128xf32, #tpu.memory_space<hbm>>) target_semaphore(%run_scoped3A : memref<!tpu.dma_semaphore, #tpu.memory_space<semaphore_mem>>)
          %dma_wait3A_102 = arith.constant 9984 : i32
          %dma_wait3A_103 = arith.constant 0 : i32
          %dma_wait3A_104 = tpu.memref_slice %arg9[%dma_wait3A_102, %dma_wait3A_103] : memref<10000x128xf32, #tpu.memory_space<hbm>> -> memref<16x128xf32, #tpu.memory_space<hbm>>
          %dma_wait3A_105 = arith.constant 9984 : i32
          %dma_wait3A_106 = arith.constant 0 : i32
          %dma_wait3A_107 = tpu.memref_slice %arg10[%dma_wait3A_105, %dma_wait3A_106] : memref<10000x128xf32, #tpu.memory_space<vmem_shared>> -> memref<16x128xf32, #tpu.memory_space<vmem_shared>>
          tpu.wait_dma2 semaphore(%run_scoped3A : memref<!tpu.dma_semaphore, #tpu.memory_space<semaphore_mem>>) src(%dma_wait3A_107 : memref<16x128xf32, #tpu.memory_space<vmem_shared>>) dst(%dma_wait3A_104 : memref<16x128xf32, #tpu.memory_space<hbm>>)
          tpu.yield
        }) : () -> ()
      } else {
      }
    } else {
    }
    return
  }
}

module attributes {stable_mosaic.version = 14 : i64} {
  func.func @body(%arg0: i32, %arg1: memref<1000x128xf32, #tpu.memory_space<vmem>>, %arg2: memref<1000x128xf32, #tpu.memory_space<vmem>>, %arg3: memref<1000x128xf32, #tpu.memory_space<vmem>>) attributes {dimension_semantics = [#tpu.dimension_semantics<arbitrary>], iteration_bounds = array<i64: 10>, scalar_prefetch = 0 : i64, scratch_operands = 0 : i64, tpu.core_type = #tpu.core_type<tc>, window_params = [{transform_indices = @transform_0, window_bounds = array<i64: 1000, 128>}, {transform_indices = @transform_1, window_bounds = array<i64: 1000, 128>}, {transform_indices = @transform_2, window_bounds = array<i64: 1000, 128>}]} {
    %get3A = arith.constant 0 : index
    %get3A_0 = arith.constant 0 : index
    %get3A_1 = vector.load %arg1[%get3A, %get3A_0] : memref<1000x128xf32, #tpu.memory_space<vmem>>, vector<1000x128xf32>
    %get3A_2 = arith.constant 0 : index
    %get3A_3 = arith.constant 0 : index
    %get3A_4 = vector.load %arg2[%get3A_2, %get3A_3] : memref<1000x128xf32, #tpu.memory_space<vmem>>, vector<1000x128xf32>
    %add3A = arith.addf %get3A_1, %get3A_4 : vector<1000x128xf32>
    %swap3A = arith.constant 0 : index
    %swap3A_5 = arith.constant 0 : index
    %swap3A_6 = vector.load %arg3[%swap3A, %swap3A_5] : memref<1000x128xf32, #tpu.memory_space<vmem>>, vector<1000x128xf32>
    tpu.vector_store %arg3[%swap3A, %swap3A_5], %add3A {strides = array<i32>} : memref<1000x128xf32, #tpu.memory_space<vmem>>, vector<1000x128xf32>,
    return
  }
  func.func @transform_0(%arg0: i32) -> (i32, i32) {
    %c0_i32 = arith.constant 0 : i32
    %c0_i32_0 = arith.constant 0 : i32
    return %arg0, %c0_i32 : i32, i32
  }
  func.func @transform_1(%arg0: i32) -> (i32, i32) {
    %c0_i32 = arith.constant 0 : i32
    %c0_i32_0 = arith.constant 0 : i32
    return %arg0, %c0_i32 : i32, i32
  }
  func.func @transform_2(%arg0: i32) -> (i32, i32) {
    %c0_i32 = arith.constant 0 : i32
    %c0_i32_0 = arith.constant 0 : i32
    return %arg0, %c0_i32 : i32, i32
  }
}

</mosaic_0001>

<sc_bundles>
// kernel: kernel.4.cloned.1.call-start
scs
__scs_entry_jumppad:
0x0: {  	(pc) =	sbr.rel $0x88, $3  }
0x1: {  	(tag) =	ssettag $0x0;
	lr =	simm.s32 $0x1  }
0x2: {  	[smem:$0x3F9C] =	sst lr;
	_ =	strace $0xD0000000  }
0x3: {  	_ = 	snop  }
0x4: {  	_ = 	snop  }
0x5: {  	_ = 	snop  }
0x6: {  	_ = 	snop  }
0x7: {  	_ = 	snop  }
__scs_overlays_trampoline_lowered:
0x8: {  	[smem:$0x3FAB] =	sst s0  }
0x9: {  	[smem:$0x3FAC] =	sst s1  }
0xa: {  	[smem:$0x3FAD] =	sst s2  }
0xb: {  	[smem:$0x3FAE] =	sst s3  }
0xc: {  	[smem:$0x3FAF] =	sst s4  }
0xd: {  	[smem:$0x3FB0] =	sst s5  }
0xe: {  	[smem:$0x3FB1] =	sst s6  }
0xf: {  	[smem:$0x3FB2] =	sst s7  }
0x10: {  	[smem:$0x3FB3] =	sst s8  }
0x11: {  	[smem:$0x3FB4] =	sst s9;
	s0 =	simm.s32 @!p0 $0x0  }
0x12: {  	s1 =	sld [smem:$0x3F9A];
	s0 =	simm.s32 @p0 $0x1  }
0x13: {  	[smem:$0x3FB5] =	sst s0;
	s0 =	simm.s32 @!p1 $0x0  }
0x14: {  	s2 =	sld [smem:$0x3F99];
	s0 =	simm.s32 @p1 $0x1  }
0x15: {  	[smem:$0x3FB6] =	sst s0;
	s0 =	simm.s32 @!p2 $0x0  }
0x16: {  	s3 =	sld [smem:$0x3FDB];
	s0 =	simm.s32 @p2 $0x1  }
0x17: {  	s4 =	simm.s32 $0x1BF5;
	[smem:$0x3FB8] =	sst s0  }
0x18: {  	s0 =	sld [smem:$0x3F9B];
	_ =	swait.ge [sflag:s4], $0x0  }
0x19: {  	s7 =	sld [smem:$0x3F9C]  }
0x1a: {  	s8 =	sadd.s32 $0xFFFFE003, lr  }
0x1b: {  	s9 =	sadd.s32 $0xFFFFFEF7, lr;
	s5 =	simm.s32 $0xFFFFFFFF;
	p2 =	slt.u32 s8, $0xFFFFF086  }
0x1c: {  	p1 =	slt.u32 s9, $0xF7A;
	s5 =	simm.s32 @!p2 $0x0  }
0x1d: {  	s5 =	simm.s32 @p1 $0x1;
	p0 =	seq.s32 s7, s2  }
0x1e: {  	s7 =	smul.u32 @!p0 $0xF7A, s2;
	p2 =	seq.s32 @!p0 s5, $0x0  }
0x1f: {  	s9 =	smul.u32 $0xF7A, s1;
	s8 =	simm.s32 @!p0 $0x1BF5;
	p2 =	por !p2, p0  }
0x20: {  	[sflag:s8] =	ssyncset.s32 @!p0 $0xFFFFF086;
	s6 =	sadd.s32 @!p0 s3, s7;
	s7 =	simm.s32 @!p0 $0x108  }
0x21: {  	s3 =	sadd.s32 s3, s9;
	s6 =	sadd.s32 @!p0 $0x88, s6;
	s7 =	simm.s32 @p2 $0x1082  }
0x22: {  	[simem:s7], [sflag:s8] =	dma.local @!p0 [hbm:s6], $0xF7A  }
0x23: {  	s9 =	sor.u32 $0xD0000000, s2;
	s6 =	simm.s32 $0x108;
	_ =	swait.ge @!p0 [sflag:s8], $0x0  }
0x24: {  	s3 =	sadd.s32 $0x88, s3;
	s6 =	simm.s32 @!p1 $0x1082;
	[sflag:s4] =	ssyncset.s32 $0xFFFFF086  }
0x25: {  	[simem:s6], [sflag:s4] =	dma.local [hbm:s3], $0xF7A  }
0x26: {  	[smem:$0x3F9C] =	sst s1;
	(tag) =	ssettag s2;
	_ =	strace s9  }
0x27: {  	s1 =	sld [smem:$0x3FAC]  }
0x28: {  	s2 =	sld [smem:$0x3FAD]  }
0x29: {  	s4 =	sld [smem:$0x3FAF]  }
0x2a: {  	p0 =	seq.s32 s5, $0x0;
	s5 =	sld [smem:$0x3FB0]  }
0x2b: {  	s6 =	sld [smem:$0x3FB1]  }
0x2c: {  	s7 =	sld [smem:$0x3FB2]  }
0x2d: {  	s3 =	simm.s32 $0x108;
	s8 =	sld [smem:$0x3FB3]  }
0x2e: {  	s3 =	simm.s32 @!p0 $0x1082;
	s9 =	sld [smem:$0x3FB4]  }
0x2f: {  	lr =	sadd.s32 s0, s3;
	s0 =	sld [smem:$0x3FAB]  }
0x30: {  	s3 =	sld [smem:$0x3FAE]  }
0x31: {  	[smem:$0x3FB7] =	sst s10  }
0x32: {  	s10 =	sld [smem:$0x3FB5];
	_ =	sdelay $0x3  }
0x33: {  	p0 =	seq.s32 s10, $0x1;
	s10 =	sld [smem:$0x3FB7];
	_ =	sdelay $0x3  }
0x34: {  	[smem:$0x3FB7] =	sst s10  }
0x35: {  	s10 =	sld [smem:$0x3FB6];
	_ =	sdelay $0x3  }
0x36: {  	p1 =	seq.s32 s10, $0x1;
	s10 =	sld [smem:$0x3FB7];
	_ =	sdelay $0x3  }
0x37: {  	[smem:$0x3FB7] =	sst s10  }
0x38: {  	s10 =	sld [smem:$0x3FB8]  }
0x39: {  	_ = 	snop;
	(pc) =	sbr.ind lr, $3  }
0x3a: {  	_ = 	snop  }
0x3b: {  	_ = 	snop  }
0x3c: {  	p2 =	seq.s32 s10, $0x1;
	s10 =	sld [smem:$0x3FB7]  }
0x3d: {  	_ =	shalt  }
0x3e: {  	_ =	shalt  }
0x3f: {  	_ =	shalt  }
0x40: {  	_ =	shalt  }
0x41: {  	_ =	shalt  }
0x42: {  	_ =	shalt  }
0x43: {  	_ =	shalt  }
0x44: {  	_ =	shalt  }
0x45: {  	_ =	shalt  }
0x46: {  	_ =	shalt  }
0x47: {  	_ =	shalt  }
0x48: {  	_ =	shalt  }
0x49: {  	_ =	shalt  }
0x4a: {  	_ =	shalt  }
0x4b: {  	_ =	shalt  }
0x4c: {  	_ =	shalt  }
0x4d: {  	_ =	shalt  }
0x4e: {  	_ =	shalt  }
0x4f: {  	_ =	shalt  }
0x50: {  	_ =	shalt  }
0x51: {  	_ =	shalt  }
0x52: {  	_ =	shalt  }
0x53: {  	_ =	shalt  }
0x54: {  	_ =	shalt  }
0x55: {  	_ =	shalt  }
0x56: {  	_ =	shalt  }
0x57: {  	_ =	shalt  }
0x58: {  	_ =	shalt  }
0x59: {  	_ =	shalt  }
0x5a: {  	_ =	shalt  }
0x5b: {  	_ =	shalt  }
0x5c: {  	_ =	shalt  }
0x5d: {  	_ =	shalt  }
0x5e: {  	_ =	shalt  }
0x5f: {  	_ =	shalt  }
0x60: {  	_ =	shalt  }
0x61: {  	_ =	shalt  }
0x62: {  	_ =	shalt  }
0x63: {  	_ =	shalt  }
0x64: {  	_ =	shalt  }
0x65: {  	_ =	shalt  }
0x66: {  	_ =	shalt  }
0x67: {  	_ =	shalt  }
0x68: {  	_ =	shalt  }
0x69: {  	_ =	shalt  }
0x6a: {  	_ =	shalt  }
0x6b: {  	_ =	shalt  }
0x6c: {  	_ =	shalt  }
0x6d: {  	_ =	shalt  }
0x6e: {  	_ =	shalt  }
0x6f: {  	_ =	shalt  }
0x70: {  	_ =	shalt  }
0x71: {  	_ =	shalt  }
0x72: {  	_ =	shalt  }
0x73: {  	_ =	shalt  }
0x74: {  	_ =	shalt  }
0x75: {  	_ =	shalt  }
0x76: {  	_ =	shalt  }
0x77: {  	_ =	shalt  }
0x78: {  	_ =	shalt  }
0x79: {  	_ =	shalt  }
0x7a: {  	_ =	shalt  }
0x7b: {  	_ =	shalt  }
0x7c: {  	_ =	shalt  }
0x7d: {  	_ =	shalt  }
0x7e: {  	_ =	shalt  }
0x7f: {  	_ =	shalt  }
0x80: {  	_ =	shalt  }
0x81: {  	_ =	shalt  }
0x82: {  	_ =	shalt  }
0x83: {  	_ =	shalt  }
0x84: {  	_ =	shalt  }
0x85: {  	_ =	shalt  }
0x86: {  	_ =	shalt  }
0x87: {  	_ =	shalt  }
.Lfunc_end0:
.L_simem_size_0:
called_computation_lowered:
.L_overlay_start_0:
0x88: {  	s2 =	sld [smem:$0x3FD9]  }
0x89: {  	s3 =	sld [smem:$0x3FFE];
	_ =	sdelay $0x1  }
0x8a: {  	s1 =	srdreg.scid  }
0x8b: {  	s0 =	sand.u32 $0x1, s1  }
0x8c: {  	s17 =	sshll.u32 s0, $0xA;
	s2 =	sadd.s32 s3, s2  }
0x8d: {  	s2 =	sadd.s32 s2, s17  }
0x8e: {  	[smem:$0x3FC3] =	sst s2  }
0x8f: {  	_ = 	snop  }
0x90: {  	s2 =	sld [smem:$0x3FC9]  }
0x91: {  	s18 =	sld [smem:$0x3FC6]  }
0x92: {  	s4 =	sld [smem:$0x3FC5]  }
0x93: {  	s5 =	sld [smem:$0x3FD0];
	(tm) =	ssettm $0x1  }
0x94: {  	s6 =	sld [smem:$0x3FFB];
	_ =	sdelay $0x3  }
0x95: {  	_ =	strace s6  }
0x96: {  	s6 =	sld [smem:$0x3FFC];
	_ =	sdelay $0x3  }
0x97: {  	_ =	strace s6  }
0x98: {  	s6 =	sld [smem:$0x3FFD];
	_ =	sdelay $0x3  }
0x99: {  	_ =	strace s6  }
0x9a: {  	_ =	strace $0x8FFFFFFF  }
0x9b: {  	s19 =	sld [smem:$0x3FDB];
	_ =	sdelay $0x1  }
0x9c: {  	s7 =	simm.s32 $_scs_section_size  }
0x9d: {  	s8 =	simm.s32 $_size__tile_overlayer_lowered;
	s9 =	simm.s32 $_tile_overlayer_lowered  }
0x9e: {  	s22 =	simm.s32 $0x1BFF;
	s21 =	sshll.u32 s9, $0x1;
	s6 =	sadd.s32 s7, s19  }
0x9f: {  	s10 =	simm.s32 $0x0;
	s20 =	sshll.u32 s8, $0x1;
	s8 =	sadd.s32 s21, s6  }
0xa0: {  	[timem:s10], [sflag:s22] =	dma.local [hbm:s8], s20  }
0xa1: {  	_ =	swait.ge [sflag:s22], s20  }
0xa2: {  	s7 =	ssub.s32 $0x0, s20;
	[sflag:s22] =	ssyncset.done $0x0  }
0xa3: {  	[sflag:s22] =	ssyncadd.s32 s7;
	_ =	sdelay $0x1  }
0xa4: {  	s23 =	simm.s32 $0x1B8B  }
0xa5: {  	_ =	swait.ge [sflag:s23], $0x1  }
0xa6: {  	[sflag:s23] =	ssyncset.done $0x0  }
0xa7: {  	s25 =	simm.s32 $0x1B8E;
	s24 =	sld [smem:$0x3FFE];
	[sflag:s23] =	ssyncadd.s32 $0xFFFFFFFF  }
0xa8: {  	s26 =	simm.s32 $execute0_lowered;
	[smem:$0x3FD2] =	sst s25  }
0xa9: {  	s8 =	sshll.u32 s26, $0x1;
	_ =	strace $0x80000046;
	[dreg:$0x1] =	wrdreg $0xFFFFFFFF  }
0xaa: {  	s28 =	simm.s32 $_size_execute0_lowered;
	s6 =	sadd.s32 s6, s8;
	[dreg:$0x0] =	wrdreg $0x0  }
0xab: {  	s8 =	sshll.u32 s28, $0x1;
	[dreg:$0x2] =	wrdreg s6  }
0xac: {  	[dreg:$0x3] =	wrdreg s8  }
0xad: {  	[dreg:$0x4] =	wrdreg $0xC0  }
0xae: {  	_ =	task [dreg:s10], $0x5FFFF  }
0xaf: {  	[dreg:$0x1] =	wrdreg $0xFFFFFFFF  }
0xb0: {  	[dreg:$0x0] =	wrdreg $0x60  }
0xb1: {  	[dreg:$0x2] =	wrdreg s2  }
0xb2: {  	[dreg:$0x3] =	wrdreg s24  }
0xb3: {  	[dreg:$0x4] =	wrdreg s18  }
0xb4: {  	[dreg:$0x5] =	wrdreg s4  }
0xb5: {  	[dreg:$0x6] =	wrdreg s5  }
0xb6: {  	[dreg:$0x7] =	wrdreg $0x0  }
0xb7: {  	[dreg:$0x8] =	wrdreg $0x9  }
0xb8: {  	_ =	task.clear_ibuf [dreg:s10], $0x9FFFF;
	_ =	strace $0x90000046  }
0xb9: {  	s29 =	simm.s32 $0x9;
	_ =	strace $0x80000048  }
0xba: {  	_ =	swait.ge [sflag:s29], $0x1  }
0xbb: {  	[sflag:s29] =	ssyncadd.s32 $0xFFFFFFFF  }
0xbc: {  	_ =	strace $0x90000048  }
0xbd: {  	_ =	sfence  }
0xbe: {  	s30 =	sld [smem:$0x0];
	_ =	sdelay $0x2  }
0xbf: {  	s31 =	sshll.u32 s1, $0xD;
	s1 =	sshrl.u32 s1, $0x2  }
0xc0: {  	s3 =	sand.u32 $0x4000, s31;
	s1 =	sadd.s32 s1, s30  }
0xc1: {  	s0 =	sor.u32 s3, s0;
	s1 =	sshll.u32 s1, $0x11  }
0xc2: {  	s0 =	sor.u32 s1, s0  }
0xc3: {  	s0 =	sadd.s32 $0x8F2B, s0  }
0xc4: {  	[sflag:s0] =	ssyncadd.remote.s32 $0x1  }
0xc5: {  	_ =	sfence.sel $0xFFFF  }
0xc6: {  	[dreg:$0x0] =	wrdreg $0xFFFFFFFF;
	(pc) =	sbr.abs _section_cstart, $3  }
0xc7: {  	[dreg:$0x1] =	wrdreg $0xFFFFFFFF  }
0xc8: {  	_ =	task.clear_ibuf [dreg:s10], $0x2FFFF;
	_ =	strace $0x9FFFFFFF  }
0xc9: {  	(tm) =	ssettm $0x7FFFFFFF  }
tec
execute0_lowered:
.L_overlay_start_1:
0x0: {  	(tag) =	ssettag $0x1  }
0x1: {  	s0 =	rddreg [dreg:$0x1]  }
0x2: {  	s2 =	rddreg [dreg:$0x2]  }
0x3: {  	s4 =	rddreg [dreg:$0x3]  }
0x4: {  	s1 =	rddreg [dreg:$0x4]  }
0x5: {  	s15 =	rddreg [dreg:$0x5];
	s5 =	simm.s32 $0x0;
	s3 =	srdreg.scid  }
0x6: {  	s8 =	stileid.u32;
	s30 =	simm.s32 $0xA;
	[smem:$0x7FF] =	sst s5  }
0x7: {  	s6 =	sadd.s32 $0xC00, s0;
	s7 =	sadd.s32 $0x1E200, s0;
	s16 =	sadd.s32 $0x9E2200, s0  }
0x8: {  	s17 =	sadd.s32 $0xA09400, s0;
	s3 =	sand.u32 $0x1, s3;
	s11 =	smul.u32 $0x4E000, s8  }
0x9: {  	s14 =	smul.u32 $0x2700, s8;
	s28 =	sshll.u32 s8, $0x6;
	p0 =	sne.s32 s8, $0x0  }
0xa: {  	p2 =	seq.s32 s8, $0x0;
	_ =	strace $0x80000047;
	s9 =	ssub.s32 $0x2, s3  }
0xb: {  	s10 =	sshll.u32 s3, $0x4;
	s21 =	sor.u32 $0x1C0B, s28;
	[dreg:$0x7] =	wrdreg s16  }
0xc: {  	p1 =	seq.s32 s3, $0x1;
	[dreg:$0x8] =	wrdreg s17;
	s3 =	simm.s32 $0x0  }
0xd: {  	s12 =	sshrl.u32 s9, $0x1;
	s13 =	sor.u32 s8, s10;
	s11 =	sshrl.u32 s11, $0x2  }
0xe: {  	s26 =	sadd.s32 s1, s14;
	s1 =	sadd.s32 $0x27000, s1;
	s24 =	sadd.s32 s16, s14  }
0xf: {  	s25 =	sadd.s32 s17, s14;
	s17 =	simm.s32 $0x18B80;
	[dreg:$0xb] =	wrdreg s21  }
0x10: {  	s16 =	simm.s32 $0x5;
	s14 =	simm.s32 $0x9;
	[dreg:$0xa] =	wrdreg s26  }
0x11: {  	s8 =	simm.s32 $0x4;
	s9 =	ssub.s32 s9, s12;
	[dreg:$0xd] =	wrdreg s1  }
0x12: {  	s10 =	smul.u32 $0x2710, s13;
	s11 =	sadd.s32 s11, s15;
	[dreg:$0x14] =	wrdreg s24  }
0x13: {  	s31 =	smul.u32 $0x271000, s13;
	s15 =	sadd.s32 $0x138000, s15;
	[dreg:$0x15] =	wrdreg s25  }
0x14: {  	s18 =	smul.u32 $0x4E200, s13;
	s13 =	simm.s32 $0x13880;
	[dreg:$0x9] =	wrdreg s11  }
0x15: {  	s24 =	simm.s32 $0x6;
	[dreg:$0xc] =	wrdreg s15;
	s26 =	smax.u32 s9, $0x1  }
0x16: {  	s29 =	sshrl.u32 s10, $0x3;
	s1 =	sadd.s32 s7, s18;
	[dreg:$0x16] =	wrdreg s26  }
0x17: {  	s12 =	sshrl.u32 s31, $0x3;
	s31 =	sadd.s32 $0xF0, s10;
	[dreg:$0x12] =	wrdreg s1  }
0x18: {  	s18 =	simm.s32 $0x1B580;
	s15 =	sadd.s32 s4, s29;
	[dreg:$0x19] =	wrdreg s31  }
0x19: {  	s2 =	sadd.s32 s2, s29;
	s19 =	sadd.s32 s6, s29;
	[dreg:$0xf] =	wrdreg s15  }
0x1a: {  	s20 =	sadd.s32 s7, s12;
	s22 =	sadd.s32 $0x9C40, s19;
	[dreg:$0x10] =	wrdreg s19  }
.Ltmp0:
0x1b: {  	v0 =	vlaneseq.u32;
	s23 =	sadd.s32 $0x500, s20;
	[dreg:$0xe] =	wrdreg s2;
	(pc) =	sbr.rel .LBB2_1-.Ltmp0, $4  }
0x1c: {  	v5 =	vmul.u32 $0x3, v0;
	s28 =	sadd.s32 $0x13880, s19;
	s29 =	sadd.s32 $0xA, s2;
	[dreg:$0x11] =	wrdreg s22  }
0x1d: {  	s2 =	simm.s32 $0xB;
	s15 =	simm.s32 $0x50;
	[dreg:$0x13] =	wrdreg s23  }
0x1e: {  	v0 =	vadd.s32 $0x20, v5;
	v1 =	vadd.s32 $0x21, v5;
	v2 =	vadd.s32 $0x22, v5;
	s19 =	simm.s32 $0x3;
	s20 =	simm.s32 $0x2;
	[dreg:$0x17] =	wrdreg s28  }
0x1f: {  	v3 =	vadd.s32 $0x50, v5;
	v4 =	vadd.s32 $0x51, v5;
	v5 =	vadd.s32 $0x52, v5;
	s22 =	sadd.s32 $0x1E700, s0;
	[dreg:$0x18] =	wrdreg s29;
	s23 =	simm.s32 $0x7  }
.LBB2_24:
0x20: {  	s1 =	rddreg [dreg:$0xc]  }
0x21: {  	s0 =	sadd.s32 $0x27000, s0;
	s1 =	sshrl.u32 s1, $0x3  }
0x22: {  	[hbm:s0], [sflag:s21] =	dma.local [spmem:s1], $0x100  }
0x23: {  	_ =	swait.ge [sflag:s2], $0x100  }
0x24: {  	[sflag:s2] =	ssyncset.done $0x0  }
0x25: {  	[sflag:s2] =	ssyncadd.s32 $0xFFFFFF00  }
.LBB2_25:
0x26: {  	s3 =	sadd.s32 $0x1, s3;
	s0 =	rddreg [dreg:$0x16]  }
0x27: {  	p3 =	sne.s32 s3, s0  }
.Ltmp1:
0x28: {  	_ = 	snop;
	(pc) =	sbr.rel @!p3 .LBB2_26-.Ltmp1, $1  }
0x29: {  	_ =	sdelay $0x3  }
.LBB2_1:
0x2a: {  	[dreg:$0x1a] =	wrdreg s3  }
0x2b: {  	s0 =	rddreg [dreg:$0x9]  }
0x2c: {  	s12 =	rddreg [dreg:$0xa];
	s1 =	sshrl.u32 s0, $0x3  }
0x2d: {  	[dreg:$0x1b] =	wrdreg s1  }
0x2e: {  	[spmem:s1], [sflag:s21] =	dma.local [hbm:s12], $0x2700  }
0x2f: {  	_ =	swait.ge [sflag:s2], $0x2700  }
0x30: {  	[sflag:s2] =	ssyncset.done $0x0;
	s0 =	rddreg [dreg:$0xc]  }
0x31: {  	s1 =	rddreg [dreg:$0xd];
	[sflag:s2] =	ssyncadd.s32 $0xFFFFD900;
	s0 =	sshrl.u32 @!p0 s0, $0x3  }
0x32: {  	[spmem:s0], [sflag:s21] =	dma.local @!p0 [hbm:s1], $0x100  }
0x33: {  	s0 =	simm.s32 @!p0 $0xB  }
0x34: {  	_ =	swait.ge @!p0 [sflag:s0], $0x100  }
0x35: {  	[sflag:s0] =	ssyncset.done @!p0 $0x0  }
0x36: {  	[sflag:s0] =	ssyncadd.s32 @!p0 $0xFFFFFF00  }
0x37: {  	[bflag:$0x0] =	sbarrier.arrive $0xFFFF  }
0x38: {  	s1 =	simm.s32 $0x18980;
	s21 =	rddreg [dreg:$0xe]  }
0x39: {  	[tilespmem:s1], [sflag:$0x1] =	stream.linear.gather [hbm4b:s21+s5], $0x50, $0x38;
	[tilespmem:$0x1DD80] =	vst v63  }
0x3a: {  	s26 =	simm.s32 $0x18A00;
	s25 =	rddreg [dreg:$0xf]  }
0x3b: {  	[tilespmem:s26], [sflag:$0x2] =	stream.linear.gather [hbm4b:s25+s5], $0x50, $0x38;
	[tilespmem:$0x1DD80] =	vst v63  }
0x3c: {  	s29 =	simm.s32 $0x18A80;
	s28 =	rddreg [dreg:$0x10]  }
0x3d: {  	[tilespmem:s29], [sflag:$0x2] =	stream.linear.gather [hbm4b:s28+s5], $0x50, $0x38;
	[tilespmem:$0x1DD80] =	vst v63  }
0x3e: {  	s3 =	simm.s32 $0x18AD0;
	s2 =	rddreg [dreg:$0x11]  }
0x3f: {  	[tilespmem:s3], [sflag:$0x2] =	stream.linear.gather [hbm4b:s2+s5], $0x50, $0x38;
	[tilespmem:$0x1DD80] =	vst v63  }
0x40: {  	s9 =	simm.s32 $0x18B20;
	s4 =	rddreg [dreg:$0x17]  }
0x41: {  	[tilespmem:s9], [sflag:$0x2] =	stream.linear.gather [hbm4b:s4+s5], $0x50, $0x38;
	[tilespmem:$0x1DD80] =	vst v63  }
0x42: {  	s12 =	simm.s32 $0x13980;
	s11 =	rddreg [dreg:$0x12]  }
0x43: {  	[tilespmem:s12], [sflag:$0x9] =	stream.linear.gather [hbm4b:s11+s5], $0x2800, $0x38;
	[tilespmem:$0x1DD80] =	vst v63  }
0x44: {  	s21 =	rddreg [dreg:$0x13];
	s25 =	simm.s32 $0x16180  }
0x45: {  	[tilespmem:s25], [sflag:$0xA] =	stream.linear.gather [hbm4b:s21+s5], $0x2800, $0x38;
	[tilespmem:$0x1DD80] =	vst v63  }
0x46: {  	s26 =	rddreg [dreg:$0x18];
	s28 =	simm.s32 $0x1B380;
	s29 =	simm.s32 $0x1  }
0x47: {  	[tilespmem:s28], [sflag:$0x5] =	stream.linear.gather [hbm4b:s26+s5], $0x50, $0x38;
	[tilespmem:$0x1DD80] =	vst v63  }
.Ltmp2:
0x48: {  	_ =	swait.ge [sflag:s29], $0x50;
	(pc) =	sbr.rel .LBB2_2-.Ltmp2, $4  }
0x49: {  	[sflag:s29] =	ssyncset.done $0x0  }
0x4a: {  	[sflag:s29] =	ssyncadd.s32 $0xFFFFFFB0  }
0x4b: {  	s31 =	simm.s32 $0x0;
	s0 =	rddreg [dreg:$0x0]  }
0x4c: {  	[tilespmem:s17], [sflag:$0x3] =	stream.indirect.gather [hbm4b:s0+s15], $0x80, s1, s15, $0xb8;
	[tilespmem:$0x1DD80] =	vst v63  }
.LBB2_19:
0x4d: {  	s0 =	rddreg [dreg:$0x5];
	s1 =	simm.s32 $0x18A00  }
0x4e: {  	[spmem:s0] =	stream.indirect.scatter.add.f32 [tilespmem:s17], [sflag:$0x4], $0x80, s1, s15, $0xb8;
	[tilespmem:$0x1DD80] =	vst v63  }
.LBB2_20:
0x4f: {  	s31 =	sadd.s32 $0x1, s31  }
0x50: {  	p3 =	sne.s32 s31, $0x3F  }
.Ltmp3:
0x51: {  	_ = 	snop;
	(pc) =	sbr.rel @!p3 .LBB2_21-.Ltmp3, $1  }
0x52: {  	_ =	sdelay $0x3  }
.LBB2_2:
0x53: {  	_ =	swait.ge [sflag:s19], $0x2800  }
0x54: {  	[sflag:s19] =	ssyncset.done $0x0  }
0x55: {  	[sflag:s19] =	ssyncadd.s32 $0xFFFFD800  }
0x56: {  	_ =	swait.ge [sflag:s20], $0x50  }
0x57: {  	[sflag:s20] =	ssyncset.done $0x0  }
0x58: {  	[sflag:s20] =	ssyncadd.s32 $0xFFFFFFB0  }
0x59: {  	_ =	swait.ge [sflag:s20], $0x50  }
0x5a: {  	[sflag:s20] =	ssyncset.done $0x0  }
0x5b: {  	[sflag:s20] =	ssyncadd.s32 $0xFFFFFFB0  }
0x5c: {  	_ =	swait.ge [sflag:s20], $0x50  }
0x5d: {  	s0 =	sshll.u32 s31, $0x1;
	[sflag:s20] =	ssyncset.done $0x0  }
0x5e: {  	p3 =	seq.s32 s31, $0x3E;
	s25 =	sadd.s32 $0x2, s0;
	[sflag:s20] =	ssyncadd.s32 $0xFFFFFFB0  }
0x5f: {  	p4 =	seq.s32 @!p3 s31, $0x0;
	s3 =	smul.u32 @!p3 $0x50, s25;
	_ =	swait.ge [sflag:s20], $0x50  }
0x60: {  	s9 =	simm.s32 @!p3 $0x0;
	p4 =	por p3, !p4;
	[sflag:s20] =	ssyncset.done $0x0  }
0x61: {  	s0 =	sor.u32 @p4 $0x1, s0;
	s29 =	sadd.s32 @!p3 s10, s3;
	[sflag:s20] =	ssyncadd.s32 $0xFFFFFFB0  }
0x62: {  	p5 =	sgt.u32 @p4 s0, $0x7C;
	s3 =	sshrl.u32 @!p3 s29, $0x3;
	s1 =	rddreg [dreg:$0x2]  }
0x63: {  	s11 =	simm.s32 @!p3 $0x18980;
	p5 =	por !p4, !p5;
	s3 =	sadd.s32 @!p3 s1, s3  }
0x64: {  	[tilespmem:s11], [sflag:$0x1] =	stream.linear.gather @!p3 [hbm4b:s3+s9], $0x50, $0x38;
	[tilespmem:$0x1DD80] =	vst v63  }
.Ltmp4:
0x65: {  	_ = 	snop;
	(pc) =	sbr.rel @!p5 .LBB2_3-.Ltmp4, $4  }
0x66: {  	s3 =	simm.s32 @p4 $0x8  }
0x67: {  	_ =	swait.ge @p4 [sflag:s3], $0x2800  }
0x68: {  	[sflag:s3] =	ssyncset.done @p4 $0x0  }
0x69: {  	[sflag:s3] =	ssyncadd.s32 @p4 $0xFFFFD800  }
0x6a: {  	s0 =	simm.s32 @!p4 $0x1  }
0x6b: {  	s26 =	smul.u32 $0x50, s0;
	_ =	sdelay $0x1  }
0x6c: {  	s0 =	sadd.s32 s10, s26  }
0x6d: {  	s1 =	rddreg [dreg:$0x3];
	s0 =	sshrl.u32 s0, $0x3  }
0x6e: {  	s2 =	simm.s32 $0x1B400;
	s3 =	sadd.s32 s1, s0  }
0x6f: {  	[tilespmem:s2], [sflag:$0x6] =	stream.linear.gather [hbm4b:s3+s5], $0x50, $0x38;
	[tilespmem:$0x1DD80] =	vst v63  }
0x70: {  	s4 =	simm.s32 $0x1B480;
	s0 =	sadd.s32 s6, s0  }
0x71: {  	[tilespmem:s4], [sflag:$0x6] =	stream.linear.gather [hbm4b:s0+s5], $0x50, $0x38;
	[tilespmem:$0x1DD80] =	vst v63  }
0x72: {  	s11 =	simm.s32 $0x1B4D0;
	s9 =	sadd.s32 $0x9C40, s0  }
0x73: {  	[tilespmem:s11], [sflag:$0x6] =	stream.linear.gather [hbm4b:s9+s5], $0x50, $0x38;
	[tilespmem:$0x1DD80] =	vst v63  }
0x74: {  	s12 =	simm.s32 $0x1B520;
	s0 =	sadd.s32 $0x13880, s0  }
0x75: {  	[tilespmem:s12], [sflag:$0x6] =	stream.linear.gather [hbm4b:s0+s5], $0x50, $0x38;
	[tilespmem:$0x1DD80] =	vst v63  }
.Ltmp5:
0x76: {  	_ =	swait.ge [sflag:s16], $0x50;
	(pc) =	sbr.rel .LBB2_5-.Ltmp5, $4  }
0x77: {  	[sflag:s16] =	ssyncset.done $0x0  }
0x78: {  	[sflag:s16] =	ssyncadd.s32 $0xFFFFFFB0  }
0x79: {  	s28 =	simm.s32 $0x1B380;
	p4 =	por $0x1, $0x1;
	s21 =	rddreg [dreg:$0x0]  }
0x7a: {  	[tilespmem:s18], [sflag:$0x7] =	stream.indirect.gather [hbm4b:s21+s15], $0x80, s28, s15, $0xb8;
	[tilespmem:$0x1DD80] =	vst v63  }
.LBB2_3:
0x7b: {  	s26 =	simm.s32 @p4 $0x2710;
	p4 =	por @p4 $0x0, $0x0  }
.LBB2_5:
0x7c: {  	v6 =	vld [tilespmem:$0x18A80]  }
0x7d: {  	v7 =	vld [tilespmem:$0x18AD0];
	_ =	sdelay $0x1  }
0x7e: {  	v8 =	vld [tilespmem:$0x18B20];
	_ =	sdelay $0x2  }
0x7f: {  	v9 =	vmul.f32 v6, v6;
	v10 =	vmul.f32 v7, v7;
	_ =	sdelay $0x1  }
0x80: {  	v9 =	vadd.f32 v10, v9;
	v10 =	vmul.f32 v8, v8;
	_ =	sdelay $0x1  }
0x81: {  	v9 =	vadd.f32 v10, v9;
	_ =	sdelay $0x1  }
0x82: {  	v10 =	vshra.s32 v9, $0x1;
	v9 =	vmul.f32 $5.000000000e-01, v9  }
0x83: {  	v10 =	vsub.s32 $0x5F3759DF, v10  }
0x84: {  	v11 =	vmul.f32 v10, v9  }
0x85: {  	v12 =	vld [tilespmem:$0x18A90]  }
0x86: {  	v13 =	vld [tilespmem:$0x18AE0];
	v11 =	vmul.f32 v10, v11  }
0x87: {  	v14 =	vld [tilespmem:$0x18B30]  }
0x88: {  	v15 =	vld [tilespmem:$0x18AA0];
	v11 =	vsub.f32 $1.500000000e+00, v11  }
0x89: {  	v24 =	vld [tilespmem:$0x18AC0]  }
0x8a: {  	v10 =	vmul.f32 v10, v11;
	v11 =	vld [tilespmem:$0x18AF0]  }
0x8b: {  	v26 =	vld [tilespmem:$0x18B10];
	v16 =	vmul.f32 v12, v12;
	v17 =	vmul.f32 v13, v13  }
0x8c: {  	v19 =	vld [tilespmem:$0x18B40];
	v18 =	vmul.f32 v10, v9  }
0x8d: {  	v20 =	vld [tilespmem:$0x18AB0];
	v16 =	vadd.f32 v17, v16;
	v17 =	vmul.f32 v14, v14  }
0x8e: {  	v21 =	vld [tilespmem:$0x18B00];
	v18 =	vmul.f32 v18, v10  }
0x8f: {  	v16 =	vadd.f32 v17, v16;
	v17 =	vmul.f32 v15, v15;
	v22 =	vmul.f32 v11, v11  }
0x90: {  	v23 =	vld [tilespmem:$0x18B50];
	v30 =	vmul.f32 v24, v24;
	v31 =	vmul.f32 v26, v26;
	v18 =	vsub.f32 $1.500000000e+00, v18  }
0x91: {  	v27 =	vld [tilespmem:$0x18B60];
	v25 =	vshra.s32 v16, $0x1;
	v17 =	vadd.f32 v22, v17;
	v22 =	vmul.f32 v19, v19  }
0x92: {  	v16 =	vmul.f32 $5.000000000e-01, v16;
	v10 =	vmul.f32 v18, v10;
	v18 =	vsub.s32 $0x5F3759DF, v25  }
0x93: {  	v25 =	vmul.f32 v21, v21;
	v17 =	vadd.f32 v22, v17;
	v22 =	vmul.f32 v20, v20  }
0x94: {  	v30 =	vadd.f32 v31, v30  }
0x95: {  	v28 =	vmul.f32 v18, v16;
	v22 =	vadd.f32 v25, v22;
	v25 =	vmul.f32 v23, v23  }
0x96: {  	v31 =	vmul.f32 v27, v27;
	v29 =	vmul.f32 $5.000000000e-01, v17;
	v17 =	vshra.s32 v17, $0x1  }
0x97: {  	v28 =	vmul.f32 v18, v28;
	v17 =	vsub.s32 $0x5F3759DF, v17;
	v22 =	vadd.f32 v25, v22  }
0x98: {  	v30 =	vadd.f32 v31, v30;
	v25 =	vmul.f32 v17, v29  }
0x99: {  	v28 =	vsub.f32 $1.500000000e+00, v28;
	v32 =	vshra.s32 v22, $0x1;
	v22 =	vmul.f32 $5.000000000e-01, v22  }
0x9a: {  	v25 =	vmul.f32 v17, v25;
	v32 =	vsub.s32 $0x5F3759DF, v32  }
0x9b: {  	v31 =	vshra.s32 v30, $0x1;
	v18 =	vmul.f32 v18, v28;
	v28 =	vmul.f32 v32, v22  }
0x9c: {  	v30 =	vmul.f32 $5.000000000e-01, v30;
	v9 =	vmul.f32 v10, v9;
	v25 =	vsub.f32 $1.500000000e+00, v25  }
0x9d: {  	v31 =	vsub.s32 $0x5F3759DF, v31;
	v33 =	vmul.f32 v18, v16;
	v28 =	vmul.f32 v32, v28  }
0x9e: {  	v17 =	vmul.f32 v17, v25;
	v25 =	vmul.f32 v31, v30  }
0x9f: {  	v9 =	vmul.f32 v9, v10;
	v33 =	vmul.f32 v33, v18;
	v28 =	vsub.f32 $1.500000000e+00, v28  }
0xa0: {  	v34 =	vmul.f32 v17, v29;
	v25 =	vmul.f32 v31, v25  }
0xa1: {  	v33 =	vsub.f32 $1.500000000e+00, v33;
	v28 =	vmul.f32 v32, v28  }
0xa2: {  	v9 =	vsub.f32 $1.500000000e+00, v9;
	v56 =	vmul.f32 v34, v17;
	v25 =	vsub.f32 $1.500000000e+00, v25  }
0xa3: {  	v18 =	vmul.f32 v33, v18;
	v57 =	vmul.f32 v28, v22  }
0xa4: {  	v9 =	vmul.f32 v9, v10;
	v10 =	vsub.f32 $1.500000000e+00, v56;
	v25 =	vmul.f32 v31, v25  }
0xa5: {  	v16 =	vmul.f32 v18, v16;
	v31 =	vmul.f32 v57, v28  }
0xa6: {  	v10 =	vmul.f32 v10, v17;
	v17 =	vmul.f32 v25, v30  }
0xa7: {  	v9 =	vmul.f32 $1.732050780e+00, v9;
	v16 =	vmul.f32 v16, v18;
	v31 =	vsub.f32 $1.500000000e+00, v31  }
0xa8: {  	v29 =	vmul.f32 v10, v29;
	v17 =	vmul.f32 v17, v25  }
0xa9: {  	v6 =	vmul.f32 v9, v6;
	v16 =	vsub.f32 $1.500000000e+00, v16;
	v28 =	vmul.f32 v31, v28  }
0xaa: {  	v7 =	vmul.f32 v9, v7;
	v29 =	vmul.f32 v29, v10;
	v17 =	vsub.f32 $1.500000000e+00, v17  }
0xab: {  	v16 =	vmul.f32 v16, v18;
	v18 =	vmul.f32 v28, v22  }
0xac: {  	v8 =	vmul.f32 v9, v8;
	v9 =	vsub.f32 $1.500000000e+00, v29;
	v17 =	vmul.f32 v17, v25  }
0xad: {  	v16 =	vmul.f32 $1.732050780e+00, v16;
	v18 =	vmul.f32 v18, v28  }
0xae: {  	[tilespmem:$0x13880] =	vst v6;
	v6 =	vmul.f32 v9, v10;
	v9 =	vmul.f32 v17, v30  }
0xaf: {  	[tilespmem:$0x138D0] =	vst v7;
	v7 =	vmul.f32 v16, v12;
	v10 =	vmul.f32 v16, v13;
	v12 =	vsub.f32 $1.500000000e+00, v18  }
0xb0: {  	[tilespmem:$0x13920] =	vst v8;
	v6 =	vmul.f32 $1.732050780e+00, v6;
	v8 =	vmul.f32 v9, v17  }
0xb1: {  	[tilespmem:$0x13890] =	vst v7;
	v7 =	vmul.f32 v16, v14;
	v9 =	vmul.f32 v12, v28  }
0xb2: {  	[tilespmem:$0x138E0] =	vst v10;
	v10 =	vmul.f32 v6, v15;
	v8 =	vsub.f32 $1.500000000e+00, v8  }
0xb3: {  	[tilespmem:$0x13930] =	vst v7;
	v7 =	vmul.f32 v6, v11;
	v9 =	vmul.f32 $1.732050780e+00, v9  }
0xb4: {  	v6 =	vmul.f32 v6, v19;
	[tilespmem:$0x138A0] =	vst v10;
	v8 =	vmul.f32 v8, v17  }
0xb5: {  	[tilespmem:$0x138F0] =	vst v7;
	v7 =	vmul.f32 v9, v20  }
0xb6: {  	[tilespmem:$0x13940] =	vst v6;
	v6 =	vmul.f32 v9, v21;
	v8 =	vmul.f32 $1.732050780e+00, v8  }
0xb7: {  	[tilespmem:$0x138B0] =	vst v7;
	v7 =	vmul.f32 v9, v23  }
0xb8: {  	[tilespmem:$0x13900] =	vst v6;
	v6 =	vmul.f32 v8, v24  }
0xb9: {  	[tilespmem:$0x13950] =	vst v7;
	v7 =	vmul.f32 v8, v26  }
0xba: {  	[tilespmem:$0x138C0] =	vst v6;
	v6 =	vmul.f32 v8, v27  }
0xbb: {  	[tilespmem:$0x13910] =	vst v7  }
0xbc: {  	s9 =	simm.s32 $0x0;
	s11 =	simm.s32 $0xA0;
	[tilespmem:$0x13960] =	vst v6  }
0xbd: {  	s21 =	sand.u32 $0x3800, s9;
	s3 =	sand.u32 $0x380, s9;
	v13 =	vmov s11;
	_ =	swait.ge [sflag:s14], $0x2800  }
0xbe: {  	s0 =	simm.s32 $0x50;
	s3 =	sor.u32 s3, s21;
	[sflag:s14] =	ssyncset.done $0x0  }
0xbf: {  	v6 =	vmov s0;
	s0 =	sadd.s32 $0x13980, s3;
	[sflag:s14] =	ssyncadd.s32 $0xFFFFD800  }
0xc0: {  	v16 =	vld [tilespmem:s0+$0x50]  }
0xc1: {  	v7 =	vmov s9;
	v17 =	vld [tilespmem:s0+$0x40]  }
0xc2: {  	v15 =	vshll.u32 v7, $0x7;
	v13 =	vld.idx.msk [tilespmem:v13+s13+$0x0], $0xffff  }
0xc3: {  	s28 =	simm.s32 $0x18B90;
	v11 =	vor.u32 v0, v15;
	v60 =	vld [tilespmem:s3+$0x13980]  }
0xc4: {  	v9 =	vor.u32 v2, v15;
	v37 =	vld [tilespmem:s28+$0xFFFFFFF0]  }
0xc5: {  	v10 =	vor.u32 v1, v15;
	v39 =	vld [tilespmem:s0+$0x20]  }
0xc6: {  	v8 =	vor.u32 v3, v15;
	v12 =	vld.idx.msk [tilespmem:v6+s13+$0x0], $0xffff  }
0xc7: {  	v14 =	vld.idx.msk [tilespmem:v7+s13+$0x0], $0xffff  }
0xc8: {  	v7 =	vor.u32 v4, v15;
	v21 =	vld.idx.msk [tilespmem:v11+s17+$0x0], $0xffff  }
0xc9: {  	v30 =	vld.idx.msk [tilespmem:v9+s17+$0x0], $0xffff  }
0xca: {  	v6 =	vor.u32 v5, v15;
	v15 =	vld.idx.msk [tilespmem:v10+s17+$0x0], $0xffff;
	v34 =	vmul.f32 v60, v37  }
0xcb: {  	v23 =	vld.idx.msk [tilespmem:v8+s17+$0x0], $0xffff;
	v38 =	vmul.f32 $5.773502590e-01, v17;
	v62 =	vmul.f32 v39, v37  }
0xcc: {  	v27 =	vmul.f32 $5.773502590e-01, v16;
	v63 =	vmul.f32 $7.071067690e-01, v34  }
0xcd: {  	v29 =	vld.idx.msk [tilespmem:v7+s17+$0x0], $0xffff;
	v33 =	vmul.f32 $5.773502590e-01, v62;
	v18 =	vmul.f32 v21, v14  }
0xce: {  	v24 =	vmul.f32 v30, v13;
	v17 =	vmul.f32 v30, v12  }
0xcf: {  	v22 =	vld.idx.msk [tilespmem:v6+s17+$0x0], $0xffff;
	v20 =	vmul.f32 v15, v12;
	v19 =	vmul.f32 v15, v13  }
0xd0: {  	v16 =	vmul.f32 v38, v15;
	v31 =	vmul.f32 v23, v14  }
0xd1: {  	v26 =	vld [tilespmem:s0+$0x60];
	v61 =	vmul.f32 v23, v12;
	v46 =	vmul.f32 v23, v13  }
0xd2: {  	v58 =	vld [tilespmem:s0+$0x70];
	v25 =	vadd.f32 v20, v18;
	v20 =	vmul.f32 v30, v14;
	v40 =	vmul.f32 v29, v12  }
0xd3: {  	v43 =	vld [tilespmem:s0+$0x400];
	v18 =	vmul.f32 v15, v14;
	v30 =	vmul.f32 v38, v30  }
0xd4: {  	v41 =	vld [tilespmem:s0+$0x410];
	v28 =	vmul.f32 v22, v13;
	v59 =	vmul.f32 v22, v12;
	v31 =	vadd.f32 v40, v31  }
0xd5: {  	v37 =	vld [tilespmem:s28+$0x0];
	v36 =	vmul.f32 v29, v13;
	v15 =	vmul.f32 v27, v22;
	v35 =	vadd.f32 v24, v25  }
0xd6: {  	v42 =	vmul.f32 v29, v14;
	v44 =	vmul.f32 v22, v14;
	v45 =	vadd.f32 v28, v31;
	v31 =	vld [tilespmem:s0+$0x30]  }
0xd7: {  	v22 =	vmul.f32 v27, v29;
	v35 =	vmul.f32 v26, v35;
	v28 =	vsub.f32 v36, v59;
	v36 =	vld [tilespmem:s0+$0x10]  }
0xd8: {  	v29 =	vmul.f32 $4.082483050e-01, v43;
	v24 =	vmul.f32 v21, v13  }
0xd9: {  	v25 =	vmul.f32 v38, v21;
	v34 =	vsub.f32 v44, v46;
	v35 =	vmul.f32 $4.082483050e-01, v35  }
0xda: {  	v26 =	vmul.f32 v21, v12;
	v21 =	vmul.f32 v27, v23;
	v23 =	vsub.f32 v61, v42  }
0xdb: {  	s11 =	simm.s32 $0x18B90;
	s3 =	simm.s32 $0x1;
	v27 =	vmul.f32 $4.082483050e-01, v41;
	s0 =	simm.s32 $0x0;
	v32 =	vmul.f32 v58, v45;
	v35 =	vadd.f32 v35, v63  }
.LBB2_6:
0xdc: {  	v36 =	vmul.f32 v36, v37;
	v31 =	vmul.f32 v31, v37;
	s9 =	sadd.s32 $0x100, s9;
	s0 =	sadd.s32 $0x80, s0;
	s28 =	sadd.s32 $0x80, s28  }
0xdd: {  	p5 =	sne.s32 s3, $0x27;
	v17 =	vsub.f32 v19, v17;
	s21 =	smov.u32 s3;
	s3 =	sadd.s32 $0x1, s3;
	v19 =	vmul.f32 v33, v14;
	v37 =	vmul.f32 v33, v12;
	[tilespmem:s11+$0xFFFFFFF0] =	vst v35  }
0xde: {  	v20 =	vsub.f32 v20, v24;
	v24 =	vmul.f32 v27, v28;
	v28 =	vmul.f32 v27, v34  }
0xdf: {  	v17 =	vmul.f32 v29, v17;
	v19 =	vadd.f32 v25, v19;
	v25 =	vmul.f32 $7.071067690e-01, v36  }
0xe0: {  	v18 =	vsub.f32 v26, v18;
	v26 =	vmul.f32 $4.082483050e-01, v32;
	v16 =	vadd.f32 v16, v37  }
0xe1: {  	v31 =	vmul.f32 $5.773502590e-01, v31;
	v17 =	vadd.f32 v17, v19;
	v19 =	vmul.f32 v33, v13  }
0xe2: {  	s2 =	sadd.s32 $0x50, s21;
	v20 =	vmul.f32 v29, v20;
	v18 =	vmul.f32 v29, v18;
	v25 =	vadd.f32 v26, v25  }
0xe3: {  	v14 =	vmul.f32 v31, v14;
	v26 =	vmov s2;
	v19 =	vadd.f32 v30, v19;
	[tilespmem:v11+s17+$0x0] =	vst.idx.msk $0xffff, v17  }
0xe4: {  	v12 =	vmul.f32 v31, v12;
	v13 =	vmul.f32 v31, v13;
	v11 =	vadd.f32 v20, v16  }
0xe5: {  	v14 =	vadd.f32 v21, v14;
	v17 =	vmul.f32 v27, v23;
	v16 =	vadd.f32 v18, v19  }
0xe6: {  	s2 =	sadd.s32 $0xA0, s21;
	v12 =	vadd.f32 v22, v12;
	v13 =	vadd.f32 v15, v13;
	[tilespmem:v10+s17+$0x0] =	vst.idx.msk $0xffff, v11  }
0xe7: {  	s12 =	sand.u32 $0x380, s0;
	v15 =	vmov s2;
	s2 =	sand.u32 $0x3800, s9;
	v10 =	vadd.f32 v24, v14;
	[tilespmem:v9+s17+$0x0] =	vst.idx.msk $0xffff, v16  }
0xe8: {  	s2 =	sor.u32 s12, s2;
	v14 =	vmov s21;
	v9 =	vadd.f32 v28, v12;
	v12 =	vadd.f32 v17, v13;
	[tilespmem:s11+$0x0] =	vst v25;
	s11 =	smov.u32 s28  }
0xe9: {  	s21 =	sadd.s32 $0x13980, s2;
	v13 =	vshll.u32 v14, $0x7;
	[tilespmem:v8+s17+$0x0] =	vst.idx.msk $0xffff, v10  }
0xea: {  	v11 =	vor.u32 v0, v13;
	v10 =	vor.u32 v1, v13;
	[tilespmem:v7+s17+$0x0] =	vst.idx.msk $0xffff, v9  }
0xeb: {  	[tilespmem:v6+s17+$0x0] =	vst.idx.msk $0xffff, v12  }
0xec: {  	v9 =	vor.u32 v2, v13;
	v16 =	vld [tilespmem:s21+$0x50]  }
0xed: {  	v12 =	vld.idx.msk [tilespmem:v26+s13+$0x0], $0xffff  }
0xee: {  	v8 =	vor.u32 v3, v13;
	v7 =	vor.u32 v4, v13;
	v6 =	vor.u32 v5, v13;
	v17 =	vld [tilespmem:s21+$0x40]  }
0xef: {  	v14 =	vld.idx.msk [tilespmem:v14+s13+$0x0], $0xffff  }
0xf0: {  	v13 =	vld.idx.msk [tilespmem:v15+s13+$0x0], $0xffff  }
0xf1: {  	v21 =	vld.idx.msk [tilespmem:v11+s17+$0x0], $0xffff  }
0xf2: {  	v30 =	vld.idx.msk [tilespmem:v9+s17+$0x0], $0xffff  }
0xf3: {  	v15 =	vld.idx.msk [tilespmem:v10+s17+$0x0], $0xffff;
	v38 =	vmul.f32 $5.773502590e-01, v17  }
0xf4: {  	v22 =	vld.idx.msk [tilespmem:v6+s17+$0x0], $0xffff  }
0xf5: {  	v23 =	vld.idx.msk [tilespmem:v8+s17+$0x0], $0xffff  }
0xf6: {  	v27 =	vld.idx.msk [tilespmem:v7+s17+$0x0], $0xffff  }
0xf7: {  	v29 =	vmul.f32 $5.773502590e-01, v16;
	v18 =	vmul.f32 v21, v14;
	v26 =	vld [tilespmem:s21+$0x60]  }
0xf8: {  	v24 =	vmul.f32 v30, v13;
	v17 =	vmul.f32 v30, v12  }
0xf9: {  	v20 =	vmul.f32 v15, v12;
	v19 =	vmul.f32 v15, v13  }
0xfa: {  	v16 =	vmul.f32 v38, v15;
	v33 =	vmul.f32 v22, v13;
	v32 =	vld [tilespmem:s21+$0x70]  }
0xfb: {  	v25 =	vadd.f32 v20, v18;
	v20 =	vmul.f32 v30, v14;
	v35 =	vmul.f32 v23, v14;
	v34 =	vld [tilespmem:s2+$0x13980]  }
0xfc: {  	v28 =	vmul.f32 v22, v12;
	v18 =	vmul.f32 v15, v14;
	v39 =	vld [tilespmem:s28+$0xFFFFFFF0]  }
0xfd: {  	v37 =	vmul.f32 v27, v13;
	v36 =	vadd.f32 v24, v25;
	v24 =	vmul.f32 v21, v13;
	v40 =	vld [tilespmem:s21+$0x20]  }
0xfe: {  	v15 =	vmul.f32 v29, v22;
	v25 =	vmul.f32 v38, v21;
	v31 =	vld [tilespmem:s21+$0x30]  }
0xff: {  	v42 =	vmul.f32 v27, v12;
	v28 =	vsub.f32 v37, v28;
	v36 =	vmul.f32 v26, v36;
	v41 =	vld [tilespmem:s21+$0x410]  }
0x100: {  	v44 =	vmul.f32 v27, v14;
	v26 =	vmul.f32 v21, v12;
	v43 =	vld [tilespmem:s21+$0x400]  }
0x101: {  	v35 =	vadd.f32 v42, v35;
	v42 =	vmul.f32 v23, v12;
	v45 =	vmul.f32 $4.082483050e-01, v36  }
0x102: {  	v46 =	vmul.f32 v22, v14;
	v21 =	vmul.f32 v29, v23;
	v36 =	vld [tilespmem:s21+$0x10]  }
.Ltmp6:
0x103: {  	v33 =	vadd.f32 v33, v35;
	v35 =	vmul.f32 v23, v13;
	v34 =	vmul.f32 v34, v39;
	v37 =	vld [tilespmem:s28+$0x0];
	(pc) =	sbr.rel @p5 .LBB2_6-.Ltmp6, $4  }
0x104: {  	v22 =	vmul.f32 v29, v27;
	v23 =	vsub.f32 v42, v44;
	v39 =	vmul.f32 v40, v39  }
0x105: {  	v32 =	vmul.f32 v32, v33;
	v40 =	vmul.f32 $7.071067690e-01, v34;
	v34 =	vsub.f32 v46, v35  }
0x106: {  	v27 =	vmul.f32 $4.082483050e-01, v41;
	v29 =	vmul.f32 $4.082483050e-01, v43  }
0x107: {  	v30 =	vmul.f32 v38, v30;
	v33 =	vmul.f32 $5.773502590e-01, v39;
	v35 =	vadd.f32 v45, v40  }
0x108: {  	v36 =	vmul.f32 v36, v37;
	v31 =	vmul.f32 v31, v37;
	v17 =	vsub.f32 v19, v17  }
0x109: {  	v20 =	vsub.f32 v20, v24;
	v24 =	vmul.f32 v27, v28;
	v28 =	vmul.f32 v27, v34  }
0x10a: {  	v18 =	vsub.f32 v26, v18;
	v26 =	vmul.f32 $4.082483050e-01, v32;
	v19 =	vmul.f32 v33, v14  }
0x10b: {  	v45 =	vmul.f32 v33, v12;
	v46 =	vmul.f32 v33, v13  }
0x10c: {  	v17 =	vmul.f32 v29, v17;
	v31 =	vmul.f32 $5.773502590e-01, v31;
	v19 =	vadd.f32 v25, v19  }
0x10d: {  	v18 =	vmul.f32 v29, v18;
	v25 =	vmul.f32 $7.071067690e-01, v36  }
0x10e: {  	v16 =	vadd.f32 v16, v45;
	v17 =	vadd.f32 v17, v19;
	v19 =	vmul.f32 v29, v20  }
0x10f: {  	[tilespmem:s11+$0xFFFFFFF0] =	vst v35;
	v14 =	vmul.f32 v31, v14;
	v20 =	vadd.f32 v26, v25;
	v25 =	vadd.f32 v30, v46  }
0x110: {  	v12 =	vmul.f32 v31, v12;
	[tilespmem:v11+s17+$0x0] =	vst.idx.msk $0xffff, v17;
	v11 =	vadd.f32 v19, v16  }
0x111: {  	v13 =	vmul.f32 v31, v13;
	v14 =	vadd.f32 v21, v14;
	v16 =	vadd.f32 v18, v25  }
0x112: {  	v12 =	vadd.f32 v22, v12;
	v17 =	vmul.f32 v27, v23;
	[tilespmem:v10+s17+$0x0] =	vst.idx.msk $0xffff, v11  }
0x113: {  	v10 =	vadd.f32 v15, v13;
	v11 =	vadd.f32 v24, v14;
	[tilespmem:v9+s17+$0x0] =	vst.idx.msk $0xffff, v16  }
0x114: {  	v9 =	vadd.f32 v28, v12;
	[tilespmem:s11+$0x0] =	vst v20  }
0x115: {  	s0 =	sadd.s32 @p4 s10, s26;
	v10 =	vadd.f32 v17, v10;
	[tilespmem:v8+s17+$0x0] =	vst.idx.msk $0xffff, v11  }
0x116: {  	s0 =	sshll.u32 @p4 s0, $0x5;
	[tilespmem:v7+s17+$0x0] =	vst.idx.msk $0xffff, v9  }
0x117: {  	s2 =	simm.s32 @p4 $0x0;
	s3 =	simm.s32 @p4 $0x13980;
	s0 =	sadd.s32 @p4 s7, s0;
	[tilespmem:v6+s17+$0x0] =	vst.idx.msk $0xffff, v10  }
0x118: {  	[tilespmem:s3], [sflag:$0x9] =	stream.linear.gather @p4 [hbm4b:s0+s2], $0x2800, $0x38;
	[tilespmem:$0x1DD80] =	vst v63  }
0x119: {  	s28 =	simm.s32 $0x0;
	s9 =	simm.s32 $0x78;
	_ =	swait.ge [sflag:s30], $0x2800  }
0x11a: {  	s4 =	sand.u32 $0x3800, s28;
	s11 =	sand.u32 $0x380, s28;
	[sflag:s30] =	ssyncset.done $0x0  }
0x11b: {  	s12 =	simm.s32 $0x28;
	v9 =	vmov s9;
	s2 =	sor.u32 s11, s4;
	[sflag:s30] =	ssyncadd.s32 $0xFFFFD800  }
0x11c: {  	v7 =	vmov s12;
	s21 =	sadd.s32 $0x16180, s2;
	v15 =	vld [tilespmem:s2+$0x16180]  }
0x11d: {  	v17 =	vld [tilespmem:s21+$0x20]  }
0x11e: {  	s9 =	simm.s32 $0x19F90;
	v16 =	vshll.u32 v7, $0x7;
	v18 =	vld [tilespmem:s21+$0x40]  }
0x11f: {  	v10 =	vor.u32 v0, v16;
	v19 =	vld [tilespmem:s9+$0xFFFFFFF0]  }
0x120: {  	v11 =	vor.u32 v2, v16;
	v13 =	vld.idx.msk [tilespmem:v9+s13+$0x0], $0xffff  }
0x121: {  	v8 =	vor.u32 v1, v16;
	v14 =	vld.idx.msk [tilespmem:v7+s13+$0x0], $0xffff  }
0x122: {  	s3 =	simm.s32 $0xC8;
	v40 =	vld [tilespmem:s9+$0x0]  }
0x123: {  	v6 =	vmov s3;
	v56 =	vld [tilespmem:s21+$0x10]  }
0x124: {  	v20 =	vld.idx.msk [tilespmem:v10+s17+$0x0], $0xffff  }
0x125: {  	v24 =	vld.idx.msk [tilespmem:v11+s17+$0x0], $0xffff  }
0x126: {  	v23 =	vld.idx.msk [tilespmem:v8+s17+$0x0], $0xffff  }
0x127: {  	v9 =	vor.u32 v3, v16  }
0x128: {  	v7 =	vor.u32 v5, v16;
	v12 =	vld.idx.msk [tilespmem:v6+s13+$0x0], $0xffff;
	v17 =	vmul.f32 v17, v19;
	v15 =	vmul.f32 v15, v19  }
0x129: {  	v6 =	vor.u32 v4, v16;
	v16 =	vld [tilespmem:s21+$0x50];
	v28 =	vmul.f32 $5.773502590e-01, v18;
	v63 =	vmul.f32 v56, v40  }
0x12a: {  	v48 =	vmul.f32 v24, v14;
	v39 =	vmul.f32 v20, v13  }
0x12b: {  	v55 =	vmul.f32 v23, v14;
	v59 =	vmul.f32 v24, v13  }
0x12c: {  	v17 =	vmul.f32 $5.773502590e-01, v17;
	v26 =	vmul.f32 $7.071067690e-01, v15  }
0x12d: {  	v52 =	vld [tilespmem:s21+$0x410];
	v15 =	vmul.f32 v20, v14;
	v21 =	vmul.f32 v28, v20  }
0x12e: {  	v27 =	vld.idx.msk [tilespmem:v9+s17+$0x0], $0xffff;
	v31 =	vmul.f32 v24, v12;
	v47 =	vmul.f32 $5.773502590e-01, v16  }
0x12f: {  	v25 =	vld.idx.msk [tilespmem:v7+s17+$0x0], $0xffff;
	v49 =	vmul.f32 v28, v23;
	v42 =	vmul.f32 v20, v12  }
0x130: {  	v29 =	vld.idx.msk [tilespmem:v6+s17+$0x0], $0xffff;
	v18 =	vmul.f32 v17, v14;
	v19 =	vmul.f32 v17, v13  }
0x131: {  	v30 =	vmul.f32 v17, v12;
	v17 =	vmul.f32 v23, v13  }
0x132: {  	v22 =	vld [tilespmem:s21+$0x60];
	v20 =	vmul.f32 $4.082483050e-01, v52;
	v58 =	vmul.f32 v23, v12  }
0x133: {  	v62 =	vmul.f32 v28, v24;
	v23 =	vsub.f32 v39, v55;
	v15 =	vadd.f32 v17, v15  }
0x134: {  	v53 =	vld [tilespmem:s21+$0x400];
	v33 =	vsub.f32 v48, v42;
	v50 =	vmul.f32 v27, v14;
	v16 =	vmul.f32 v47, v27  }
0x135: {  	v54 =	vld [tilespmem:s21+$0x30];
	v41 =	vmul.f32 v25, v13;
	v51 =	vmul.f32 v29, v13;
	v31 =	vadd.f32 v31, v15  }
0x136: {  	v43 =	vld [tilespmem:s21+$0x70];
	v32 =	vsub.f32 v58, v59;
	v44 =	vmul.f32 v27, v13;
	v57 =	vmul.f32 v25, v12  }
0x137: {  	v17 =	vmul.f32 v47, v29;
	v35 =	vadd.f32 v51, v50;
	v31 =	vmul.f32 v22, v31  }
0x138: {  	v18 =	vadd.f32 v21, v18;
	v38 =	vmul.f32 v29, v12;
	v61 =	vmul.f32 v29, v14  }
0x139: {  	v15 =	vmul.f32 v47, v25;
	v60 =	vadd.f32 v57, v35;
	v31 =	vmul.f32 $4.082483050e-01, v31  }
0x13a: {  	v21 =	vadd.f32 v49, v19;
	v22 =	vmul.f32 v25, v14;
	v25 =	vmul.f32 $4.082483050e-01, v53  }
0x13b: {  	v34 =	vmul.f32 v43, v60;
	v26 =	vadd.f32 v31, v26;
	v31 =	vmul.f32 v54, v40  }
0x13c: {  	v30 =	vadd.f32 v62, v30;
	v29 =	vmul.f32 v27, v12;
	v23 =	vmul.f32 v25, v23  }
0x13d: {  	v19 =	vsub.f32 v38, v41;
	v24 =	vmul.f32 $4.082483050e-01, v34;
	v28 =	vmul.f32 $5.773502590e-01, v31  }
0x13e: {  	s0 =	simm.s32 $0x0;
	s11 =	simm.s32 $0x19F90;
	s3 =	simm.s32 $0x79;
	v27 =	vsub.f32 v44, v61;
	[tilespmem:s9+$0xFFFFFFF0] =	vst v26;
	v31 =	vmul.f32 v25, v33;
	v26 =	vmul.f32 $7.071067690e-01, v63  }
.LBB2_8:
0x13f: {  	v25 =	vmul.f32 v25, v32;
	v22 =	vsub.f32 v22, v29;
	v14 =	vmul.f32 v28, v14;
	s28 =	sadd.s32 $0x80, s28;
	s0 =	sadd.s32 $0x100, s0;
	s9 =	sadd.s32 $0x80, s9  }
0x140: {  	p5 =	sne.s32 s3, $0x9F;
	v13 =	vmul.f32 v28, v13;
	v27 =	vmul.f32 v20, v27;
	s2 =	smov.u32 s3;
	s3 =	sadd.s32 $0x1, s3;
	v21 =	vadd.f32 v31, v21  }
0x141: {  	v12 =	vmul.f32 v28, v12;
	v23 =	vadd.f32 v23, v30;
	v14 =	vadd.f32 v16, v14  }
0x142: {  	v16 =	vadd.f32 v25, v18;
	v13 =	vadd.f32 v17, v13;
	v17 =	vmul.f32 v20, v22  }
0x143: {  	v18 =	vmul.f32 v20, v19;
	v12 =	vadd.f32 v15, v12  }
0x144: {  	v15 =	vadd.f32 v24, v26;
	[tilespmem:v10+s17+$0x0] =	vst.idx.msk $0xffff, v16  }
0x145: {  	[tilespmem:v8+s17+$0x0] =	vst.idx.msk $0xffff, v21  }
0x146: {  	v8 =	vadd.f32 v18, v14;
	[tilespmem:v11+s17+$0x0] =	vst.idx.msk $0xffff, v23  }
0x147: {  	v10 =	vadd.f32 v17, v13;
	[tilespmem:s11+$0x0] =	vst v15;
	s11 =	smov.u32 s9  }
0x148: {  	v11 =	vadd.f32 v27, v12;
	[tilespmem:v9+s17+$0x0] =	vst.idx.msk $0xffff, v8  }
0x149: {  	s12 =	sadd.s32 $0x50, s2;
	s21 =	sand.u32 $0x3800, s0;
	s1 =	sand.u32 $0x380, s28;
	[tilespmem:v6+s17+$0x0] =	vst.idx.msk $0xffff, v10  }
0x14a: {  	s4 =	sadd.s32 $0xFFFFFFB0, s2;
	s1 =	sor.u32 s1, s21;
	v6 =	vmov s12;
	[tilespmem:v7+s17+$0x0] =	vst.idx.msk $0xffff, v11  }
0x14b: {  	s21 =	sadd.s32 $0x16180, s1;
	v9 =	vmov s2;
	v7 =	vmov s4;
	v15 =	vld [tilespmem:s1+$0x16180]  }
0x14c: {  	v16 =	vshll.u32 v7, $0x7;
	v17 =	vld [tilespmem:s21+$0x20]  }
0x14d: {  	v10 =	vor.u32 v0, v16;
	v8 =	vor.u32 v1, v16;
	v18 =	vld [tilespmem:s21+$0x40]  }
0x14e: {  	v19 =	vld [tilespmem:s9+$0xFFFFFFF0]  }
0x14f: {  	v11 =	vor.u32 v2, v16;
	v12 =	vld.idx.msk [tilespmem:v6+s13+$0x0], $0xffff  }
0x150: {  	v13 =	vld.idx.msk [tilespmem:v9+s13+$0x0], $0xffff  }
0x151: {  	v6 =	vor.u32 v4, v16;
	v9 =	vor.u32 v3, v16;
	v14 =	vld.idx.msk [tilespmem:v7+s13+$0x0], $0xffff  }
0x152: {  	v20 =	vld.idx.msk [tilespmem:v10+s17+$0x0], $0xffff  }
0x153: {  	v7 =	vor.u32 v5, v16;
	v23 =	vld.idx.msk [tilespmem:v8+s17+$0x0], $0xffff;
	v15 =	vmul.f32 v15, v19;
	v16 =	vmul.f32 v17, v19  }
0x154: {  	v24 =	vld.idx.msk [tilespmem:v11+s17+$0x0], $0xffff  }
0x155: {  	v17 =	vld [tilespmem:s21+$0x50];
	v16 =	vmul.f32 $5.773502590e-01, v16  }
0x156: {  	v28 =	vmul.f32 $5.773502590e-01, v18;
	v25 =	vmul.f32 $7.071067690e-01, v15;
	v26 =	vld.idx.msk [tilespmem:v9+s17+$0x0], $0xffff  }
0x157: {  	v27 =	vld.idx.msk [tilespmem:v6+s17+$0x0], $0xffff;
	v15 =	vmul.f32 v16, v14;
	v19 =	vmul.f32 v16, v13  }
0x158: {  	v18 =	vmul.f32 v20, v14;
	v30 =	vmul.f32 v16, v12;
	v29 =	vld.idx.msk [tilespmem:v7+s17+$0x0], $0xffff  }
0x159: {  	v21 =	vmul.f32 v28, v20;
	v16 =	vmul.f32 v23, v13  }
0x15a: {  	v31 =	vmul.f32 v24, v12;
	v22 =	vld [tilespmem:s21+$0x60];
	v32 =	vmul.f32 $5.773502590e-01, v17  }
0x15b: {  	v34 =	vmul.f32 v28, v23;
	v33 =	vmul.f32 v24, v14;
	v17 =	vadd.f32 v16, v18  }
0x15c: {  	v36 =	vmul.f32 v26, v14;
	v35 =	vld [tilespmem:s21+$0x410];
	v16 =	vmul.f32 v32, v26  }
0x15d: {  	v31 =	vadd.f32 v31, v17;
	v38 =	vmul.f32 v27, v13;
	v17 =	vmul.f32 v32, v27;
	v37 =	vld [tilespmem:s21+$0x400]  }
0x15e: {  	v18 =	vadd.f32 v21, v15;
	v39 =	vmul.f32 v27, v12;
	v15 =	vmul.f32 v32, v29  }
0x15f: {  	v40 =	vmul.f32 v20, v13;
	v36 =	vadd.f32 v38, v36;
	v32 =	vld [tilespmem:s21+$0x70];
	v31 =	vmul.f32 v22, v31  }
0x160: {  	v21 =	vadd.f32 v34, v19;
	v19 =	vmul.f32 v29, v13;
	v22 =	vmul.f32 v29, v14;
	v38 =	vld [tilespmem:s9+$0x0]  }
0x161: {  	v41 =	vmul.f32 v20, v12;
	v34 =	vld [tilespmem:s21+$0x30];
	v31 =	vmul.f32 $4.082483050e-01, v31  }
0x162: {  	v43 =	vmul.f32 v23, v14;
	v19 =	vsub.f32 v39, v19;
	v39 =	vmul.f32 v26, v13;
	v42 =	vld [tilespmem:s21+$0x10]  }
0x163: {  	v29 =	vmul.f32 v29, v12;
	v20 =	vmul.f32 $4.082483050e-01, v35;
	v31 =	vadd.f32 v31, v25  }
0x164: {  	v35 =	vmul.f32 v23, v12;
	v23 =	vsub.f32 v40, v43;
	v25 =	vmul.f32 $4.082483050e-01, v37  }
0x165: {  	v27 =	vmul.f32 v27, v14;
	v29 =	vadd.f32 v29, v36;
	v37 =	vmul.f32 v24, v13;
	[tilespmem:s9+$0xFFFFFFF0] =	vst v31  }
.Ltmp7:
0x166: {  	v31 =	vsub.f32 v33, v41;
	v23 =	vmul.f32 v25, v23;
	v33 =	vmul.f32 v34, v38;
	(pc) =	sbr.rel @p5 .LBB2_8-.Ltmp7, $4  }
0x167: {  	v27 =	vsub.f32 v39, v27;
	v34 =	vmul.f32 v32, v29;
	v29 =	vmul.f32 v26, v12  }
0x168: {  	v26 =	vmul.f32 v28, v24;
	v36 =	vmul.f32 v42, v38  }
0x169: {  	v32 =	vsub.f32 v35, v37;
	v24 =	vmul.f32 $4.082483050e-01, v34;
	v28 =	vmul.f32 $5.773502590e-01, v33  }
0x16a: {  	v31 =	vmul.f32 v25, v31;
	v30 =	vadd.f32 v26, v30;
	v26 =	vmul.f32 $7.071067690e-01, v36  }
0x16b: {  	v25 =	vmul.f32 v25, v32  }
0x16c: {  	v22 =	vsub.f32 v22, v29;
	v14 =	vmul.f32 v28, v14;
	v13 =	vmul.f32 v28, v13  }
0x16d: {  	v27 =	vmul.f32 v20, v27;
	v12 =	vmul.f32 v28, v12;
	v18 =	vadd.f32 v25, v18  }
0x16e: {  	v59 =	vmul.f32 v20, v19;
	v21 =	vadd.f32 v31, v21;
	v23 =	vadd.f32 v23, v30  }
0x16f: {  	v61 =	vadd.f32 v24, v26;
	v14 =	vadd.f32 v16, v14;
	[tilespmem:v10+s17+$0x0] =	vst.idx.msk $0xffff, v18  }
0x170: {  	v13 =	vadd.f32 v17, v13;
	v60 =	vmul.f32 v20, v22;
	[tilespmem:v8+s17+$0x0] =	vst.idx.msk $0xffff, v21  }
.Ltmp8:
0x171: {  	v62 =	vadd.f32 v15, v12;
	v63 =	vadd.f32 v59, v14;
	[tilespmem:v11+s17+$0x0] =	vst.idx.msk $0xffff, v23;
	(pc) =	sbr.rel @!p4 .LBB2_19-.Ltmp8, $4  }
0x172: {  	v10 =	vadd.f32 v60, v13;
	[tilespmem:s11+$0x0] =	vst v61  }
0x173: {  	v8 =	vadd.f32 v27, v62;
	[tilespmem:v9+s17+$0x0] =	vst.idx.msk $0xffff, v63  }
0x174: {  	[tilespmem:v6+s17+$0x0] =	vst.idx.msk $0xffff, v10  }
0x175: {  	[tilespmem:v7+s17+$0x0] =	vst.idx.msk $0xffff, v8  }
0x176: {  	s0 =	sadd.s32 s10, s26  }
0x177: {  	s0 =	sshll.u32 s0, $0x5  }
0x178: {  	s1 =	simm.s32 $0x16180;
	s0 =	sadd.s32 s0, s22  }
0x179: {  	[tilespmem:s1], [sflag:$0xA] =	stream.linear.gather [hbm4b:s0+s5], $0x2800, $0x38;
	[tilespmem:$0x1DD80] =	vst v63  }
0x17a: {  	s26 =	rddreg [dreg:$0x5];
	s28 =	simm.s32 $0x18A00  }
0x17b: {  	[spmem:s26] =	stream.indirect.scatter.add.f32 [tilespmem:s17], [sflag:$0x4], $0x80, s28, s15, $0xb8;
	[tilespmem:$0x1DD80] =	vst v63  }
0x17c: {  	_ =	swait.ge [sflag:s23], $0x2800  }
0x17d: {  	[sflag:s23] =	ssyncset.done $0x0  }
0x17e: {  	[sflag:s23] =	ssyncadd.s32 $0xFFFFD800  }
0x17f: {  	_ =	swait.ge [sflag:s24], $0x50  }
0x180: {  	[sflag:s24] =	ssyncset.done $0x0  }
0x181: {  	[sflag:s24] =	ssyncadd.s32 $0xFFFFFFB0  }
0x182: {  	_ =	swait.ge [sflag:s24], $0x50  }
0x183: {  	[sflag:s24] =	ssyncset.done $0x0  }
0x184: {  	[sflag:s24] =	ssyncadd.s32 $0xFFFFFFB0  }
0x185: {  	p4 =	sgt.u32 s31, $0x3C;
	_ =	swait.ge [sflag:s24], $0x50  }
.Ltmp9:
0x186: {  	[sflag:s24] =	ssyncset.done $0x0;
	(pc) =	sbr.rel @p4 .LBB2_12-.Ltmp9, $4  }
0x187: {  	[sflag:s24] =	ssyncadd.s32 $0xFFFFFFB0  }
0x188: {  	_ =	swait.ge [sflag:s24], $0x50  }
0x189: {  	[sflag:s24] =	ssyncset.done $0x0  }
0x18a: {  	[sflag:s24] =	ssyncadd.s32 $0xFFFFFFB0  }
0x18b: {  	s0 =	smul.u32 $0xA0, s31  }
0x18c: {  	s1 =	rddreg [dreg:$0x19]  }
0x18d: {  	s0 =	sadd.s32 s0, s1  }
0x18e: {  	s26 =	rddreg [dreg:$0x2];
	s0 =	sshrl.u32 s0, $0x3  }
.Ltmp10:
0x18f: {  	s28 =	simm.s32 $0x1B380;
	s0 =	sadd.s32 s26, s0;
	(pc) =	sbr.rel .LBB2_13-.Ltmp10, $4  }
0x190: {  	[tilespmem:s28], [sflag:$0x5] =	stream.linear.gather [hbm4b:s0+s5], $0x50, $0x38;
	[tilespmem:$0x1DD80] =	vst v63  }
0x191: {  	_ =	swait.ge [sflag:s8], $0x2800  }
0x192: {  	[sflag:s8] =	ssyncset.done $0x0  }
0x193: {  	[sflag:s8] =	ssyncadd.s32 $0xFFFFD800  }
.LBB2_12:
.Ltmp11:
0x194: {  	(pc) =	sbr.rel @p3 .LBB2_14-.Ltmp11, $4  }
0x195: {  	_ = 	snop  }
0x196: {  	_ =	swait.ge [sflag:s8], $0x2800  }
0x197: {  	[sflag:s8] =	ssyncset.done $0x0  }
0x198: {  	[sflag:s8] =	ssyncadd.s32 $0xFFFFD800  }
.LBB2_13:
0x199: {  	s0 =	smul.u32 $0x50, s25;
	_ =	sdelay $0x1  }
0x19a: {  	s0 =	sadd.s32 s10, s0  }
0x19b: {  	s1 =	rddreg [dreg:$0x3];
	s0 =	sshrl.u32 s0, $0x3  }
0x19c: {  	s2 =	simm.s32 $0x18A00;
	s1 =	sadd.s32 s1, s0  }
0x19d: {  	[tilespmem:s2], [sflag:$0x2] =	stream.linear.gather [hbm4b:s1+s5], $0x50, $0x38;
	[tilespmem:$0x1DD80] =	vst v63  }
0x19e: {  	s11 =	simm.s32 $0x18A80;
	s0 =	sadd.s32 s6, s0  }
0x19f: {  	[tilespmem:s11], [sflag:$0x2] =	stream.linear.gather [hbm4b:s0+s5], $0x50, $0x38;
	[tilespmem:$0x1DD80] =	vst v63  }
0x1a0: {  	s21 =	simm.s32 $0x18AD0;
	s12 =	sadd.s32 $0x9C40, s0  }
0x1a1: {  	[tilespmem:s21], [sflag:$0x2] =	stream.linear.gather [hbm4b:s12+s5], $0x50, $0x38;
	[tilespmem:$0x1DD80] =	vst v63  }
0x1a2: {  	s25 =	simm.s32 $0x18B20;
	s26 =	simm.s32 $0x1;
	s0 =	sadd.s32 $0x13880, s0  }
0x1a3: {  	[tilespmem:s25], [sflag:$0x2] =	stream.linear.gather [hbm4b:s0+s5], $0x50, $0x38;
	[tilespmem:$0x1DD80] =	vst v63  }
0x1a4: {  	_ =	swait.ge [sflag:s26], $0x50  }
0x1a5: {  	[sflag:s26] =	ssyncset.done $0x0  }
0x1a6: {  	[sflag:s26] =	ssyncadd.s32 $0xFFFFFFB0  }
0x1a7: {  	s28 =	simm.s32 $0x18980;
	s0 =	rddreg [dreg:$0x0]  }
0x1a8: {  	[tilespmem:s17], [sflag:$0x3] =	stream.indirect.gather [hbm4b:s0+s15], $0x80, s28, s15, $0xb8;
	[tilespmem:$0x1DD80] =	vst v63  }
.LBB2_14:
0x1a9: {  	v6 =	vld [tilespmem:$0x1B480]  }
0x1aa: {  	v7 =	vld [tilespmem:$0x1B4D0];
	_ =	sdelay $0x1  }
0x1ab: {  	v8 =	vld [tilespmem:$0x1B520];
	_ =	sdelay $0x2  }
0x1ac: {  	v9 =	vmul.f32 v6, v6;
	v10 =	vmul.f32 v7, v7;
	_ =	sdelay $0x1  }
0x1ad: {  	v9 =	vadd.f32 v10, v9;
	v10 =	vmul.f32 v8, v8;
	_ =	sdelay $0x1  }
0x1ae: {  	v9 =	vadd.f32 v10, v9;
	_ =	sdelay $0x1  }
0x1af: {  	v10 =	vshra.s32 v9, $0x1;
	v9 =	vmul.f32 $5.000000000e-01, v9  }
0x1b0: {  	v10 =	vsub.s32 $0x5F3759DF, v10  }
0x1b1: {  	v11 =	vmul.f32 v10, v9  }
0x1b2: {  	v12 =	vld [tilespmem:$0x1B490]  }
0x1b3: {  	v13 =	vld [tilespmem:$0x1B4E0];
	v11 =	vmul.f32 v10, v11  }
0x1b4: {  	v14 =	vld [tilespmem:$0x1B530]  }
0x1b5: {  	v15 =	vld [tilespmem:$0x1B4A0];
	v11 =	vsub.f32 $1.500000000e+00, v11  }
0x1b6: {  	v24 =	vld [tilespmem:$0x1B4C0]  }
0x1b7: {  	v10 =	vmul.f32 v10, v11;
	v11 =	vld [tilespmem:$0x1B4F0]  }
0x1b8: {  	v26 =	vld [tilespmem:$0x1B510];
	v16 =	vmul.f32 v12, v12;
	v17 =	vmul.f32 v13, v13  }
0x1b9: {  	v19 =	vld [tilespmem:$0x1B540];
	v18 =	vmul.f32 v10, v9  }
0x1ba: {  	v20 =	vld [tilespmem:$0x1B4B0];
	v16 =	vadd.f32 v17, v16;
	v17 =	vmul.f32 v14, v14  }
0x1bb: {  	v21 =	vld [tilespmem:$0x1B500];
	v18 =	vmul.f32 v18, v10  }
0x1bc: {  	v16 =	vadd.f32 v17, v16;
	v17 =	vmul.f32 v15, v15;
	v22 =	vmul.f32 v11, v11  }
0x1bd: {  	v23 =	vld [tilespmem:$0x1B550];
	v30 =	vmul.f32 v24, v24;
	v31 =	vmul.f32 v26, v26;
	v18 =	vsub.f32 $1.500000000e+00, v18  }
0x1be: {  	v27 =	vld [tilespmem:$0x1B560];
	v25 =	vshra.s32 v16, $0x1;
	v17 =	vadd.f32 v22, v17;
	v22 =	vmul.f32 v19, v19  }
0x1bf: {  	v16 =	vmul.f32 $5.000000000e-01, v16;
	v10 =	vmul.f32 v18, v10;
	v18 =	vsub.s32 $0x5F3759DF, v25  }
0x1c0: {  	v25 =	vmul.f32 v21, v21;
	v17 =	vadd.f32 v22, v17;
	v22 =	vmul.f32 v20, v20  }
0x1c1: {  	v30 =	vadd.f32 v31, v30  }
0x1c2: {  	v28 =	vmul.f32 v18, v16;
	v22 =	vadd.f32 v25, v22;
	v25 =	vmul.f32 v23, v23  }
0x1c3: {  	v31 =	vmul.f32 v27, v27;
	v29 =	vmul.f32 $5.000000000e-01, v17;
	v17 =	vshra.s32 v17, $0x1  }
0x1c4: {  	v28 =	vmul.f32 v18, v28;
	v17 =	vsub.s32 $0x5F3759DF, v17;
	v22 =	vadd.f32 v25, v22  }
0x1c5: {  	v30 =	vadd.f32 v31, v30;
	v25 =	vmul.f32 v17, v29  }
0x1c6: {  	v28 =	vsub.f32 $1.500000000e+00, v28;
	v32 =	vshra.s32 v22, $0x1;
	v22 =	vmul.f32 $5.000000000e-01, v22  }
0x1c7: {  	v25 =	vmul.f32 v17, v25;
	v32 =	vsub.s32 $0x5F3759DF, v32  }
0x1c8: {  	v31 =	vshra.s32 v30, $0x1;
	v18 =	vmul.f32 v18, v28;
	v28 =	vmul.f32 v32, v22  }
0x1c9: {  	v30 =	vmul.f32 $5.000000000e-01, v30;
	v9 =	vmul.f32 v10, v9;
	v25 =	vsub.f32 $1.500000000e+00, v25  }
0x1ca: {  	v31 =	vsub.s32 $0x5F3759DF, v31;
	v33 =	vmul.f32 v18, v16;
	v28 =	vmul.f32 v32, v28  }
0x1cb: {  	v17 =	vmul.f32 v17, v25;
	v25 =	vmul.f32 v31, v30  }
0x1cc: {  	v9 =	vmul.f32 v9, v10;
	v33 =	vmul.f32 v33, v18;
	v28 =	vsub.f32 $1.500000000e+00, v28  }
0x1cd: {  	v34 =	vmul.f32 v17, v29;
	v25 =	vmul.f32 v31, v25  }
0x1ce: {  	v33 =	vsub.f32 $1.500000000e+00, v33;
	v28 =	vmul.f32 v32, v28  }
0x1cf: {  	v9 =	vsub.f32 $1.500000000e+00, v9;
	v56 =	vmul.f32 v34, v17;
	v25 =	vsub.f32 $1.500000000e+00, v25  }
0x1d0: {  	v18 =	vmul.f32 v33, v18;
	v57 =	vmul.f32 v28, v22  }
0x1d1: {  	v9 =	vmul.f32 v9, v10;
	v10 =	vsub.f32 $1.500000000e+00, v56;
	v25 =	vmul.f32 v31, v25  }
0x1d2: {  	v16 =	vmul.f32 v18, v16;
	v31 =	vmul.f32 v57, v28  }
0x1d3: {  	v10 =	vmul.f32 v10, v17;
	v17 =	vmul.f32 v25, v30  }
0x1d4: {  	v9 =	vmul.f32 $1.732050780e+00, v9;
	v16 =	vmul.f32 v16, v18;
	v31 =	vsub.f32 $1.500000000e+00, v31  }
0x1d5: {  	v29 =	vmul.f32 v10, v29;
	v17 =	vmul.f32 v17, v25  }
0x1d6: {  	v6 =	vmul.f32 v9, v6;
	v16 =	vsub.f32 $1.500000000e+00, v16;
	v28 =	vmul.f32 v31, v28  }
0x1d7: {  	v7 =	vmul.f32 v9, v7;
	v29 =	vmul.f32 v29, v10;
	v17 =	vsub.f32 $1.500000000e+00, v17  }
0x1d8: {  	v16 =	vmul.f32 v16, v18;
	v18 =	vmul.f32 v28, v22  }
0x1d9: {  	v8 =	vmul.f32 v9, v8;
	v9 =	vsub.f32 $1.500000000e+00, v29;
	v17 =	vmul.f32 v17, v25  }
0x1da: {  	v16 =	vmul.f32 $1.732050780e+00, v16;
	v18 =	vmul.f32 v18, v28  }
0x1db: {  	[tilespmem:$0x13880] =	vst v6;
	v6 =	vmul.f32 v9, v10;
	v9 =	vmul.f32 v17, v30  }
0x1dc: {  	[tilespmem:$0x138D0] =	vst v7;
	v7 =	vmul.f32 v16, v12;
	v10 =	vmul.f32 v16, v13;
	v12 =	vsub.f32 $1.500000000e+00, v18  }
0x1dd: {  	[tilespmem:$0x13920] =	vst v8;
	v6 =	vmul.f32 $1.732050780e+00, v6;
	v8 =	vmul.f32 v9, v17  }
0x1de: {  	[tilespmem:$0x13890] =	vst v7;
	v7 =	vmul.f32 v16, v14;
	v9 =	vmul.f32 v12, v28  }
0x1df: {  	[tilespmem:$0x138E0] =	vst v10;
	v10 =	vmul.f32 v6, v15;
	v8 =	vsub.f32 $1.500000000e+00, v8  }
0x1e0: {  	[tilespmem:$0x13930] =	vst v7;
	v7 =	vmul.f32 v6, v11;
	v9 =	vmul.f32 $1.732050780e+00, v9  }
0x1e1: {  	v6 =	vmul.f32 v6, v19;
	[tilespmem:$0x138A0] =	vst v10;
	v8 =	vmul.f32 v8, v17  }
0x1e2: {  	[tilespmem:$0x138F0] =	vst v7;
	v7 =	vmul.f32 v9, v20  }
0x1e3: {  	[tilespmem:$0x13940] =	vst v6;
	v6 =	vmul.f32 v9, v21;
	v8 =	vmul.f32 $1.732050780e+00, v8  }
0x1e4: {  	[tilespmem:$0x138B0] =	vst v7;
	v7 =	vmul.f32 v9, v23  }
0x1e5: {  	[tilespmem:$0x13900] =	vst v6;
	v6 =	vmul.f32 v8, v24  }
0x1e6: {  	[tilespmem:$0x13950] =	vst v7;
	v7 =	vmul.f32 v8, v26  }
0x1e7: {  	[tilespmem:$0x138C0] =	vst v6;
	v6 =	vmul.f32 v8, v27  }
0x1e8: {  	[tilespmem:$0x13910] =	vst v7  }
0x1e9: {  	s9 =	simm.s32 $0x0;
	s2 =	simm.s32 $0xA0;
	[tilespmem:$0x13960] =	vst v6  }
0x1ea: {  	s28 =	sand.u32 $0x3800, s9;
	s1 =	sand.u32 $0x380, s9;
	v13 =	vmov s2;
	_ =	swait.ge [sflag:s14], $0x2800  }
0x1eb: {  	s0 =	simm.s32 $0x50;
	s1 =	sor.u32 s1, s28;
	[sflag:s14] =	ssyncset.done $0x0  }
0x1ec: {  	v6 =	vmov s0;
	s0 =	sadd.s32 $0x13980, s1;
	[sflag:s14] =	ssyncadd.s32 $0xFFFFD800  }
0x1ed: {  	v16 =	vld [tilespmem:s0+$0x50]  }
0x1ee: {  	v7 =	vmov s9;
	v17 =	vld [tilespmem:s0+$0x40]  }
0x1ef: {  	v15 =	vshll.u32 v7, $0x7;
	v13 =	vld.idx.msk [tilespmem:v13+s13+$0x0], $0xffff  }
0x1f0: {  	s25 =	simm.s32 $0x1B590;
	v11 =	vor.u32 v0, v15;
	v60 =	vld [tilespmem:s1+$0x13980]  }
0x1f1: {  	v9 =	vor.u32 v2, v15;
	v37 =	vld [tilespmem:s25+$0xFFFFFFF0]  }
0x1f2: {  	v10 =	vor.u32 v1, v15;
	v39 =	vld [tilespmem:s0+$0x20]  }
0x1f3: {  	v8 =	vor.u32 v3, v15;
	v12 =	vld.idx.msk [tilespmem:v6+s13+$0x0], $0xffff  }
0x1f4: {  	v14 =	vld.idx.msk [tilespmem:v7+s13+$0x0], $0xffff  }
0x1f5: {  	v7 =	vor.u32 v4, v15;
	v21 =	vld.idx.msk [tilespmem:v11+s18+$0x0], $0xffff  }
0x1f6: {  	v30 =	vld.idx.msk [tilespmem:v9+s18+$0x0], $0xffff  }
0x1f7: {  	v6 =	vor.u32 v5, v15;
	v15 =	vld.idx.msk [tilespmem:v10+s18+$0x0], $0xffff;
	v34 =	vmul.f32 v60, v37  }
0x1f8: {  	v23 =	vld.idx.msk [tilespmem:v8+s18+$0x0], $0xffff;
	v38 =	vmul.f32 $5.773502590e-01, v17;
	v62 =	vmul.f32 v39, v37  }
0x1f9: {  	v27 =	vmul.f32 $5.773502590e-01, v16;
	v63 =	vmul.f32 $7.071067690e-01, v34  }
0x1fa: {  	v29 =	vld.idx.msk [tilespmem:v7+s18+$0x0], $0xffff;
	v33 =	vmul.f32 $5.773502590e-01, v62;
	v18 =	vmul.f32 v21, v14  }
0x1fb: {  	v24 =	vmul.f32 v30, v13;
	v17 =	vmul.f32 v30, v12  }
0x1fc: {  	v22 =	vld.idx.msk [tilespmem:v6+s18+$0x0], $0xffff;
	v20 =	vmul.f32 v15, v12;
	v19 =	vmul.f32 v15, v13  }
0x1fd: {  	v16 =	vmul.f32 v38, v15;
	v31 =	vmul.f32 v23, v14  }
0x1fe: {  	v26 =	vld [tilespmem:s0+$0x60];
	v61 =	vmul.f32 v23, v12;
	v46 =	vmul.f32 v23, v13  }
0x1ff: {  	v58 =	vld [tilespmem:s0+$0x70];
	v25 =	vadd.f32 v20, v18;
	v20 =	vmul.f32 v30, v14;
	v40 =	vmul.f32 v29, v12  }
0x200: {  	v43 =	vld [tilespmem:s0+$0x400];
	v18 =	vmul.f32 v15, v14;
	v30 =	vmul.f32 v38, v30  }
0x201: {  	v41 =	vld [tilespmem:s0+$0x410];
	v28 =	vmul.f32 v22, v13;
	v59 =	vmul.f32 v22, v12;
	v31 =	vadd.f32 v40, v31  }
0x202: {  	v37 =	vld [tilespmem:s25+$0x0];
	v36 =	vmul.f32 v29, v13;
	v15 =	vmul.f32 v27, v22;
	v35 =	vadd.f32 v24, v25  }
0x203: {  	v42 =	vmul.f32 v29, v14;
	v44 =	vmul.f32 v22, v14;
	v45 =	vadd.f32 v28, v31;
	v31 =	vld [tilespmem:s0+$0x30]  }
0x204: {  	v22 =	vmul.f32 v27, v29;
	v35 =	vmul.f32 v26, v35;
	v28 =	vsub.f32 v36, v59;
	v36 =	vld [tilespmem:s0+$0x10]  }
0x205: {  	v29 =	vmul.f32 $4.082483050e-01, v43;
	v24 =	vmul.f32 v21, v13  }
0x206: {  	v25 =	vmul.f32 v38, v21;
	v34 =	vsub.f32 v44, v46;
	v35 =	vmul.f32 $4.082483050e-01, v35  }
0x207: {  	v26 =	vmul.f32 v21, v12;
	v21 =	vmul.f32 v27, v23;
	v23 =	vsub.f32 v61, v42  }
0x208: {  	s3 =	simm.s32 $0x1;
	s11 =	simm.s32 $0x1B590;
	v27 =	vmul.f32 $4.082483050e-01, v41;
	s0 =	simm.s32 $0x0;
	v32 =	vmul.f32 v58, v45;
	v35 =	vadd.f32 v35, v63  }
.LBB2_15:
0x209: {  	v36 =	vmul.f32 v36, v37;
	v31 =	vmul.f32 v31, v37;
	s9 =	sadd.s32 $0x100, s9;
	s0 =	sadd.s32 $0x80, s0;
	s25 =	sadd.s32 $0x80, s25  }
0x20a: {  	p4 =	sne.s32 s3, $0x27;
	v17 =	vsub.f32 v19, v17;
	s1 =	smov.u32 s3;
	s3 =	sadd.s32 $0x1, s3;
	v19 =	vmul.f32 v33, v14;
	v37 =	vmul.f32 v33, v12;
	[tilespmem:s11+$0xFFFFFFF0] =	vst v35  }
0x20b: {  	v20 =	vsub.f32 v20, v24;
	v24 =	vmul.f32 v27, v28;
	v28 =	vmul.f32 v27, v34  }
0x20c: {  	v17 =	vmul.f32 v29, v17;
	v19 =	vadd.f32 v25, v19;
	v25 =	vmul.f32 $7.071067690e-01, v36  }
0x20d: {  	v18 =	vsub.f32 v26, v18;
	v26 =	vmul.f32 $4.082483050e-01, v32;
	v16 =	vadd.f32 v16, v37  }
0x20e: {  	v31 =	vmul.f32 $5.773502590e-01, v31;
	v17 =	vadd.f32 v17, v19;
	v19 =	vmul.f32 v33, v13  }
0x20f: {  	s2 =	sadd.s32 $0x50, s1;
	v20 =	vmul.f32 v29, v20;
	v18 =	vmul.f32 v29, v18;
	v25 =	vadd.f32 v26, v25  }
0x210: {  	v14 =	vmul.f32 v31, v14;
	v26 =	vmov s2;
	v19 =	vadd.f32 v30, v19;
	[tilespmem:v11+s18+$0x0] =	vst.idx.msk $0xffff, v17  }
0x211: {  	v12 =	vmul.f32 v31, v12;
	v13 =	vmul.f32 v31, v13;
	v11 =	vadd.f32 v20, v16  }
0x212: {  	v14 =	vadd.f32 v21, v14;
	v17 =	vmul.f32 v27, v23;
	v16 =	vadd.f32 v18, v19  }
0x213: {  	s2 =	sadd.s32 $0xA0, s1;
	v12 =	vadd.f32 v22, v12;
	v13 =	vadd.f32 v15, v13;
	[tilespmem:v10+s18+$0x0] =	vst.idx.msk $0xffff, v11  }
0x214: {  	s4 =	sand.u32 $0x380, s0;
	v15 =	vmov s2;
	s2 =	sand.u32 $0x3800, s9;
	v10 =	vadd.f32 v24, v14;
	[tilespmem:v9+s18+$0x0] =	vst.idx.msk $0xffff, v16  }
0x215: {  	v14 =	vmov s1;
	s1 =	sor.u32 s4, s2;
	v9 =	vadd.f32 v28, v12;
	v12 =	vadd.f32 v17, v13;
	[tilespmem:s11+$0x0] =	vst v25;
	s11 =	smov.u32 s25  }
0x216: {  	v13 =	vshll.u32 v14, $0x7;
	s21 =	sadd.s32 $0x13980, s1;
	[tilespmem:v8+s18+$0x0] =	vst.idx.msk $0xffff, v10  }
0x217: {  	v11 =	vor.u32 v0, v13;
	v10 =	vor.u32 v1, v13;
	[tilespmem:v7+s18+$0x0] =	vst.idx.msk $0xffff, v9  }
0x218: {  	[tilespmem:v6+s18+$0x0] =	vst.idx.msk $0xffff, v12  }
0x219: {  	v9 =	vor.u32 v2, v13;
	v16 =	vld [tilespmem:s21+$0x50]  }
0x21a: {  	v12 =	vld.idx.msk [tilespmem:v26+s13+$0x0], $0xffff  }
0x21b: {  	v8 =	vor.u32 v3, v13;
	v7 =	vor.u32 v4, v13;
	v6 =	vor.u32 v5, v13;
	v17 =	vld [tilespmem:s21+$0x40]  }
0x21c: {  	v14 =	vld.idx.msk [tilespmem:v14+s13+$0x0], $0xffff  }
0x21d: {  	v13 =	vld.idx.msk [tilespmem:v15+s13+$0x0], $0xffff  }
0x21e: {  	v21 =	vld.idx.msk [tilespmem:v11+s18+$0x0], $0xffff  }
0x21f: {  	v30 =	vld.idx.msk [tilespmem:v9+s18+$0x0], $0xffff  }
0x220: {  	v15 =	vld.idx.msk [tilespmem:v10+s18+$0x0], $0xffff;
	v38 =	vmul.f32 $5.773502590e-01, v17  }
0x221: {  	v22 =	vld.idx.msk [tilespmem:v6+s18+$0x0], $0xffff  }
0x222: {  	v23 =	vld.idx.msk [tilespmem:v8+s18+$0x0], $0xffff  }
0x223: {  	v27 =	vld.idx.msk [tilespmem:v7+s18+$0x0], $0xffff  }
0x224: {  	v29 =	vmul.f32 $5.773502590e-01, v16;
	v18 =	vmul.f32 v21, v14;
	v26 =	vld [tilespmem:s21+$0x60]  }
0x225: {  	v24 =	vmul.f32 v30, v13;
	v17 =	vmul.f32 v30, v12  }
0x226: {  	v20 =	vmul.f32 v15, v12;
	v19 =	vmul.f32 v15, v13  }
0x227: {  	v16 =	vmul.f32 v38, v15;
	v33 =	vmul.f32 v22, v13;
	v32 =	vld [tilespmem:s21+$0x70]  }
0x228: {  	v25 =	vadd.f32 v20, v18;
	v20 =	vmul.f32 v30, v14;
	v35 =	vmul.f32 v23, v14;
	v34 =	vld [tilespmem:s1+$0x13980]  }
0x229: {  	v28 =	vmul.f32 v22, v12;
	v18 =	vmul.f32 v15, v14;
	v39 =	vld [tilespmem:s25+$0xFFFFFFF0]  }
0x22a: {  	v37 =	vmul.f32 v27, v13;
	v36 =	vadd.f32 v24, v25;
	v24 =	vmul.f32 v21, v13;
	v40 =	vld [tilespmem:s21+$0x20]  }
0x22b: {  	v15 =	vmul.f32 v29, v22;
	v25 =	vmul.f32 v38, v21;
	v31 =	vld [tilespmem:s21+$0x30]  }
0x22c: {  	v42 =	vmul.f32 v27, v12;
	v28 =	vsub.f32 v37, v28;
	v36 =	vmul.f32 v26, v36;
	v41 =	vld [tilespmem:s21+$0x410]  }
0x22d: {  	v44 =	vmul.f32 v27, v14;
	v26 =	vmul.f32 v21, v12;
	v43 =	vld [tilespmem:s21+$0x400]  }
0x22e: {  	v35 =	vadd.f32 v42, v35;
	v42 =	vmul.f32 v23, v12;
	v45 =	vmul.f32 $4.082483050e-01, v36  }
0x22f: {  	v46 =	vmul.f32 v22, v14;
	v21 =	vmul.f32 v29, v23;
	v36 =	vld [tilespmem:s21+$0x10]  }
.Ltmp12:
0x230: {  	v33 =	vadd.f32 v33, v35;
	v35 =	vmul.f32 v23, v13;
	v34 =	vmul.f32 v34, v39;
	v37 =	vld [tilespmem:s25+$0x0];
	(pc) =	sbr.rel @p4 .LBB2_15-.Ltmp12, $4  }
0x231: {  	v22 =	vmul.f32 v29, v27;
	v23 =	vsub.f32 v42, v44;
	v39 =	vmul.f32 v40, v39  }
0x232: {  	v32 =	vmul.f32 v32, v33;
	v40 =	vmul.f32 $7.071067690e-01, v34;
	v34 =	vsub.f32 v46, v35  }
0x233: {  	v27 =	vmul.f32 $4.082483050e-01, v41;
	v29 =	vmul.f32 $4.082483050e-01, v43  }
0x234: {  	v30 =	vmul.f32 v38, v30;
	v33 =	vmul.f32 $5.773502590e-01, v39;
	v35 =	vadd.f32 v45, v40  }
0x235: {  	v36 =	vmul.f32 v36, v37;
	v31 =	vmul.f32 v31, v37;
	v17 =	vsub.f32 v19, v17  }
0x236: {  	v20 =	vsub.f32 v20, v24;
	v24 =	vmul.f32 v27, v28;
	v28 =	vmul.f32 v27, v34  }
0x237: {  	v18 =	vsub.f32 v26, v18;
	v26 =	vmul.f32 $4.082483050e-01, v32;
	v19 =	vmul.f32 v33, v14  }
0x238: {  	v45 =	vmul.f32 v33, v12;
	v46 =	vmul.f32 v33, v13  }
0x239: {  	v17 =	vmul.f32 v29, v17;
	v31 =	vmul.f32 $5.773502590e-01, v31;
	v19 =	vadd.f32 v25, v19  }
0x23a: {  	v18 =	vmul.f32 v29, v18;
	v25 =	vmul.f32 $7.071067690e-01, v36  }
0x23b: {  	v16 =	vadd.f32 v16, v45;
	v17 =	vadd.f32 v17, v19;
	v19 =	vmul.f32 v29, v20  }
0x23c: {  	[tilespmem:s11+$0xFFFFFFF0] =	vst v35;
	v14 =	vmul.f32 v31, v14;
	v20 =	vadd.f32 v26, v25;
	v25 =	vadd.f32 v30, v46  }
0x23d: {  	v12 =	vmul.f32 v31, v12;
	[tilespmem:v11+s18+$0x0] =	vst.idx.msk $0xffff, v17;
	v11 =	vadd.f32 v19, v16  }
0x23e: {  	v13 =	vmul.f32 v31, v13;
	v14 =	vadd.f32 v21, v14;
	v16 =	vadd.f32 v18, v25  }
0x23f: {  	v12 =	vadd.f32 v22, v12;
	v17 =	vmul.f32 v27, v23;
	[tilespmem:v10+s18+$0x0] =	vst.idx.msk $0xffff, v11  }
0x240: {  	v10 =	vadd.f32 v15, v13;
	v11 =	vadd.f32 v24, v14;
	[tilespmem:v9+s18+$0x0] =	vst.idx.msk $0xffff, v16  }
0x241: {  	v9 =	vadd.f32 v28, v12;
	[tilespmem:s11+$0x0] =	vst v20  }
0x242: {  	v10 =	vadd.f32 v17, v10;
	[tilespmem:v8+s18+$0x0] =	vst.idx.msk $0xffff, v11  }
0x243: {  	s25 =	sshll.u32 @!p3 s29, $0x5;
	[tilespmem:v7+s18+$0x0] =	vst.idx.msk $0xffff, v9  }
0x244: {  	s1 =	simm.s32 @!p3 $0x0;
	s2 =	simm.s32 @!p3 $0x13980;
	s0 =	sadd.s32 @!p3 s7, s25;
	[tilespmem:v6+s18+$0x0] =	vst.idx.msk $0xffff, v10  }
0x245: {  	[tilespmem:s2], [sflag:$0x9] =	stream.linear.gather @!p3 [hbm4b:s0+s1], $0x2800, $0x38;
	[tilespmem:$0x1DD80] =	vst v63  }
0x246: {  	s26 =	simm.s32 $0x0;
	s12 =	simm.s32 $0xC8;
	_ =	swait.ge [sflag:s30], $0x2800  }
0x247: {  	s21 =	sand.u32 $0x3800, s26;
	s28 =	sand.u32 $0x380, s26;
	[sflag:s30] =	ssyncset.done $0x0  }
0x248: {  	s3 =	simm.s32 $0x78;
	v6 =	vmov s12;
	s1 =	sor.u32 s28, s21;
	[sflag:s30] =	ssyncadd.s32 $0xFFFFD800  }
0x249: {  	s4 =	simm.s32 $0x28;
	v9 =	vmov s3;
	s29 =	sadd.s32 $0x16180, s1;
	v15 =	vld [tilespmem:s1+$0x16180]  }
0x24a: {  	v7 =	vmov s4;
	v17 =	vld [tilespmem:s29+$0x20]  }
0x24b: {  	s9 =	simm.s32 $0x1C990;
	v18 =	vld [tilespmem:s29+$0x40]  }
0x24c: {  	v19 =	vld [tilespmem:s9+$0xFFFFFFF0]  }
0x24d: {  	v16 =	vshll.u32 v7, $0x7;
	v12 =	vld.idx.msk [tilespmem:v6+s13+$0x0], $0xffff  }
0x24e: {  	v11 =	vor.u32 v2, v16;
	v13 =	vld.idx.msk [tilespmem:v9+s13+$0x0], $0xffff  }
0x24f: {  	v10 =	vor.u32 v0, v16;
	v8 =	vor.u32 v1, v16;
	v14 =	vld.idx.msk [tilespmem:v7+s13+$0x0], $0xffff  }
0x250: {  	v9 =	vor.u32 v3, v16;
	v6 =	vor.u32 v4, v16;
	v7 =	vor.u32 v5, v16;
	v16 =	vld [tilespmem:s29+$0x50]  }
0x251: {  	v40 =	vld [tilespmem:s9+$0x0]  }
0x252: {  	v56 =	vld [tilespmem:s29+$0x10]  }
0x253: {  	v24 =	vld.idx.msk [tilespmem:v11+s18+$0x0], $0xffff  }
0x254: {  	v20 =	vld.idx.msk [tilespmem:v10+s18+$0x0], $0xffff  }
0x255: {  	v23 =	vld.idx.msk [tilespmem:v8+s18+$0x0], $0xffff  }
0x256: {  	v17 =	vmul.f32 v17, v19;
	v15 =	vmul.f32 v15, v19  }
0x257: {  	v28 =	vmul.f32 $5.773502590e-01, v18;
	v47 =	vmul.f32 $5.773502590e-01, v16  }
0x258: {  	v63 =	vmul.f32 v56, v40;
	v31 =	vmul.f32 v24, v12  }
0x259: {  	v48 =	vmul.f32 v24, v14;
	v39 =	vmul.f32 v20, v13  }
0x25a: {  	v42 =	vmul.f32 v20, v12;
	v55 =	vmul.f32 v23, v14  }
0x25b: {  	v52 =	vld [tilespmem:s29+$0x410];
	v58 =	vmul.f32 v23, v12;
	v59 =	vmul.f32 v24, v13  }
0x25c: {  	v17 =	vmul.f32 $5.773502590e-01, v17;
	v26 =	vmul.f32 $7.071067690e-01, v15  }
0x25d: {  	v27 =	vld.idx.msk [tilespmem:v9+s18+$0x0], $0xffff;
	v15 =	vmul.f32 v20, v14;
	v21 =	vmul.f32 v28, v20  }
0x25e: {  	v29 =	vld.idx.msk [tilespmem:v6+s18+$0x0], $0xffff;
	v18 =	vmul.f32 v17, v14;
	v19 =	vmul.f32 v17, v13  }
0x25f: {  	v25 =	vld.idx.msk [tilespmem:v7+s18+$0x0], $0xffff;
	v30 =	vmul.f32 v17, v12;
	v17 =	vmul.f32 v23, v13  }
0x260: {  	v22 =	vld [tilespmem:s29+$0x60];
	v49 =	vmul.f32 v28, v23;
	v20 =	vmul.f32 $4.082483050e-01, v52  }
0x261: {  	v62 =	vmul.f32 v28, v24;
	v33 =	vsub.f32 v48, v42;
	v15 =	vadd.f32 v17, v15  }
0x262: {  	v53 =	vld [tilespmem:s29+$0x400];
	v32 =	vsub.f32 v58, v59;
	v50 =	vmul.f32 v27, v14;
	v16 =	vmul.f32 v47, v27  }
0x263: {  	v54 =	vld [tilespmem:s29+$0x30];
	v51 =	vmul.f32 v29, v13;
	v38 =	vmul.f32 v29, v12;
	v31 =	vadd.f32 v31, v15  }
0x264: {  	v43 =	vld [tilespmem:s29+$0x70];
	v23 =	vsub.f32 v39, v55;
	v41 =	vmul.f32 v25, v13;
	v44 =	vmul.f32 v27, v13  }
0x265: {  	v57 =	vmul.f32 v25, v12;
	v35 =	vadd.f32 v51, v50;
	v31 =	vmul.f32 v22, v31  }
0x266: {  	v61 =	vmul.f32 v29, v14;
	v17 =	vmul.f32 v47, v29;
	v18 =	vadd.f32 v21, v18  }
0x267: {  	v15 =	vmul.f32 v47, v25;
	v60 =	vadd.f32 v57, v35;
	v31 =	vmul.f32 $4.082483050e-01, v31  }
0x268: {  	v21 =	vadd.f32 v49, v19;
	v22 =	vmul.f32 v25, v14;
	v25 =	vmul.f32 $4.082483050e-01, v53  }
0x269: {  	v34 =	vmul.f32 v43, v60;
	v26 =	vadd.f32 v31, v26;
	v31 =	vmul.f32 v54, v40  }
0x26a: {  	v29 =	vmul.f32 v27, v12;
	v30 =	vadd.f32 v62, v30;
	v23 =	vmul.f32 v25, v23  }
0x26b: {  	v19 =	vsub.f32 v38, v41;
	v24 =	vmul.f32 $4.082483050e-01, v34;
	v28 =	vmul.f32 $5.773502590e-01, v31  }
0x26c: {  	s11 =	simm.s32 $0x1C990;
	s3 =	simm.s32 $0x79;
	s0 =	simm.s32 $0x0;
	v27 =	vsub.f32 v44, v61;
	[tilespmem:s9+$0xFFFFFFF0] =	vst v26;
	v31 =	vmul.f32 v25, v33;
	v26 =	vmul.f32 $7.071067690e-01, v63  }
.LBB2_17:
0x26d: {  	v25 =	vmul.f32 v25, v32;
	v22 =	vsub.f32 v22, v29;
	v14 =	vmul.f32 v28, v14;
	s26 =	sadd.s32 $0x80, s26;
	s0 =	sadd.s32 $0x100, s0;
	s9 =	sadd.s32 $0x80, s9  }
0x26e: {  	p4 =	sne.s32 s3, $0x9F;
	v13 =	vmul.f32 v28, v13;
	v27 =	vmul.f32 v20, v27;
	s1 =	smov.u32 s3;
	s3 =	sadd.s32 $0x1, s3;
	v21 =	vadd.f32 v31, v21  }
0x26f: {  	v12 =	vmul.f32 v28, v12;
	v23 =	vadd.f32 v23, v30;
	v14 =	vadd.f32 v16, v14  }
0x270: {  	v16 =	vadd.f32 v25, v18;
	v13 =	vadd.f32 v17, v13;
	v17 =	vmul.f32 v20, v22  }
0x271: {  	v18 =	vmul.f32 v20, v19;
	v12 =	vadd.f32 v15, v12  }
0x272: {  	v15 =	vadd.f32 v24, v26;
	[tilespmem:v10+s18+$0x0] =	vst.idx.msk $0xffff, v16  }
0x273: {  	[tilespmem:v8+s18+$0x0] =	vst.idx.msk $0xffff, v21  }
0x274: {  	v8 =	vadd.f32 v18, v14;
	[tilespmem:v11+s18+$0x0] =	vst.idx.msk $0xffff, v23  }
0x275: {  	v10 =	vadd.f32 v17, v13;
	[tilespmem:s11+$0x0] =	vst v15;
	s11 =	smov.u32 s9  }
0x276: {  	v11 =	vadd.f32 v27, v12;
	[tilespmem:v9+s18+$0x0] =	vst.idx.msk $0xffff, v8  }
0x277: {  	s2 =	sadd.s32 $0x50, s1;
	s4 =	sand.u32 $0x3800, s0;
	s12 =	sand.u32 $0x380, s26;
	[tilespmem:v6+s18+$0x0] =	vst.idx.msk $0xffff, v10  }
0x278: {  	s21 =	sadd.s32 $0xFFFFFFB0, s1;
	v6 =	vmov s2;
	s2 =	sor.u32 s12, s4;
	[tilespmem:v7+s18+$0x0] =	vst.idx.msk $0xffff, v11  }
0x279: {  	v9 =	vmov s1;
	v7 =	vmov s21;
	s21 =	sadd.s32 $0x16180, s2;
	v15 =	vld [tilespmem:s2+$0x16180]  }
0x27a: {  	v16 =	vshll.u32 v7, $0x7;
	v17 =	vld [tilespmem:s21+$0x20]  }
0x27b: {  	v10 =	vor.u32 v0, v16;
	v8 =	vor.u32 v1, v16;
	v18 =	vld [tilespmem:s21+$0x40]  }
0x27c: {  	v19 =	vld [tilespmem:s9+$0xFFFFFFF0]  }
0x27d: {  	v11 =	vor.u32 v2, v16;
	v12 =	vld.idx.msk [tilespmem:v6+s13+$0x0], $0xffff  }
0x27e: {  	v13 =	vld.idx.msk [tilespmem:v9+s13+$0x0], $0xffff  }
0x27f: {  	v6 =	vor.u32 v4, v16;
	v9 =	vor.u32 v3, v16;
	v14 =	vld.idx.msk [tilespmem:v7+s13+$0x0], $0xffff  }
0x280: {  	v20 =	vld.idx.msk [tilespmem:v10+s18+$0x0], $0xffff  }
0x281: {  	v7 =	vor.u32 v5, v16;
	v23 =	vld.idx.msk [tilespmem:v8+s18+$0x0], $0xffff;
	v15 =	vmul.f32 v15, v19;
	v16 =	vmul.f32 v17, v19  }
0x282: {  	v24 =	vld.idx.msk [tilespmem:v11+s18+$0x0], $0xffff  }
0x283: {  	v17 =	vld [tilespmem:s21+$0x50];
	v16 =	vmul.f32 $5.773502590e-01, v16  }
0x284: {  	v28 =	vmul.f32 $5.773502590e-01, v18;
	v25 =	vmul.f32 $7.071067690e-01, v15;
	v26 =	vld.idx.msk [tilespmem:v9+s18+$0x0], $0xffff  }
0x285: {  	v27 =	vld.idx.msk [tilespmem:v6+s18+$0x0], $0xffff;
	v15 =	vmul.f32 v16, v14;
	v19 =	vmul.f32 v16, v13  }
0x286: {  	v18 =	vmul.f32 v20, v14;
	v30 =	vmul.f32 v16, v12;
	v29 =	vld.idx.msk [tilespmem:v7+s18+$0x0], $0xffff  }
0x287: {  	v21 =	vmul.f32 v28, v20;
	v16 =	vmul.f32 v23, v13  }
0x288: {  	v31 =	vmul.f32 v24, v12;
	v22 =	vld [tilespmem:s21+$0x60];
	v32 =	vmul.f32 $5.773502590e-01, v17  }
0x289: {  	v34 =	vmul.f32 v28, v23;
	v33 =	vmul.f32 v24, v14;
	v17 =	vadd.f32 v16, v18  }
0x28a: {  	v36 =	vmul.f32 v26, v14;
	v35 =	vld [tilespmem:s21+$0x410];
	v16 =	vmul.f32 v32, v26  }
0x28b: {  	v31 =	vadd.f32 v31, v17;
	v38 =	vmul.f32 v27, v13;
	v17 =	vmul.f32 v32, v27;
	v37 =	vld [tilespmem:s21+$0x400]  }
0x28c: {  	v18 =	vadd.f32 v21, v15;
	v39 =	vmul.f32 v27, v12;
	v15 =	vmul.f32 v32, v29  }
0x28d: {  	v40 =	vmul.f32 v20, v13;
	v36 =	vadd.f32 v38, v36;
	v32 =	vld [tilespmem:s21+$0x70];
	v31 =	vmul.f32 v22, v31  }
0x28e: {  	v21 =	vadd.f32 v34, v19;
	v19 =	vmul.f32 v29, v13;
	v22 =	vmul.f32 v29, v14;
	v38 =	vld [tilespmem:s9+$0x0]  }
0x28f: {  	v41 =	vmul.f32 v20, v12;
	v34 =	vld [tilespmem:s21+$0x30];
	v31 =	vmul.f32 $4.082483050e-01, v31  }
0x290: {  	v43 =	vmul.f32 v23, v14;
	v19 =	vsub.f32 v39, v19;
	v39 =	vmul.f32 v26, v13;
	v42 =	vld [tilespmem:s21+$0x10]  }
0x291: {  	v29 =	vmul.f32 v29, v12;
	v20 =	vmul.f32 $4.082483050e-01, v35;
	v31 =	vadd.f32 v31, v25  }
0x292: {  	v35 =	vmul.f32 v23, v12;
	v23 =	vsub.f32 v40, v43;
	v25 =	vmul.f32 $4.082483050e-01, v37  }
0x293: {  	v27 =	vmul.f32 v27, v14;
	v29 =	vadd.f32 v29, v36;
	v37 =	vmul.f32 v24, v13;
	[tilespmem:s9+$0xFFFFFFF0] =	vst v31  }
.Ltmp13:
0x294: {  	v31 =	vsub.f32 v33, v41;
	v23 =	vmul.f32 v25, v23;
	v33 =	vmul.f32 v34, v38;
	(pc) =	sbr.rel @p4 .LBB2_17-.Ltmp13, $4  }
0x295: {  	v27 =	vsub.f32 v39, v27;
	v34 =	vmul.f32 v32, v29;
	v29 =	vmul.f32 v26, v12  }
0x296: {  	v26 =	vmul.f32 v28, v24;
	v36 =	vmul.f32 v42, v38  }
0x297: {  	v32 =	vsub.f32 v35, v37;
	v24 =	vmul.f32 $4.082483050e-01, v34;
	v28 =	vmul.f32 $5.773502590e-01, v33  }
0x298: {  	v31 =	vmul.f32 v25, v31;
	v30 =	vadd.f32 v26, v30;
	v26 =	vmul.f32 $7.071067690e-01, v36  }
0x299: {  	v25 =	vmul.f32 v25, v32  }
0x29a: {  	v22 =	vsub.f32 v22, v29;
	v14 =	vmul.f32 v28, v14;
	v13 =	vmul.f32 v28, v13  }
0x29b: {  	v27 =	vmul.f32 v20, v27;
	v12 =	vmul.f32 v28, v12;
	v18 =	vadd.f32 v25, v18  }
0x29c: {  	v59 =	vmul.f32 v20, v19;
	v21 =	vadd.f32 v31, v21;
	v23 =	vadd.f32 v23, v30  }
0x29d: {  	v61 =	vadd.f32 v24, v26;
	v14 =	vadd.f32 v16, v14;
	[tilespmem:v10+s18+$0x0] =	vst.idx.msk $0xffff, v18  }
0x29e: {  	v13 =	vadd.f32 v17, v13;
	v60 =	vmul.f32 v20, v22;
	[tilespmem:v8+s18+$0x0] =	vst.idx.msk $0xffff, v21  }
0x29f: {  	v62 =	vadd.f32 v15, v12;
	v63 =	vadd.f32 v59, v14;
	[tilespmem:v11+s18+$0x0] =	vst.idx.msk $0xffff, v23  }
0x2a0: {  	v10 =	vadd.f32 v60, v13;
	[tilespmem:s11+$0x0] =	vst v61  }
0x2a1: {  	v8 =	vadd.f32 v27, v62;
	[tilespmem:v9+s18+$0x0] =	vst.idx.msk $0xffff, v63  }
.Ltmp14:
0x2a2: {  	[tilespmem:v6+s18+$0x0] =	vst.idx.msk $0xffff, v10;
	(pc) =	sbr.rel .LBB2_20-.Ltmp14, $4  }
0x2a3: {  	s0 =	sadd.s32 @!p3 s25, s22;
	s1 =	simm.s32 @!p3 $0x0;
	s2 =	simm.s32 @!p3 $0x16180;
	[tilespmem:v7+s18+$0x0] =	vst.idx.msk $0xffff, v8  }
0x2a4: {  	[tilespmem:s2], [sflag:$0xA] =	stream.linear.gather @!p3 [hbm4b:s0+s1], $0x2800, $0x38;
	[tilespmem:$0x1DD80] =	vst v63  }
0x2a5: {  	s28 =	rddreg [dreg:$0x5];
	s29 =	simm.s32 $0x1B400  }
0x2a6: {  	[spmem:s28] =	stream.indirect.scatter.add.f32 [tilespmem:s18], [sflag:$0x8], $0x80, s29, s15, $0xb8;
	[tilespmem:$0x1DD80] =	vst v63  }
.LBB2_21:
.Ltmp15:
0x2a7: {  	_ =	swait.ge [sflag:s8], $0x2800;
	(pc) =	sbr.rel @!p1 .LBB2_22-.Ltmp15, $3  }
0x2a8: {  	[sflag:s8] =	ssyncset.done $0x0  }
0x2a9: {  	[sflag:s8] =	ssyncadd.s32 $0xFFFFD800  }
0x2aa: {  	[bflag:$0x0] =	sbarrier.arrive $0xFFFF;
	_ =	sdelay $0x1  }
0x2ab: {  	s21 =	rddreg [dreg:$0xb]  }
0x2ac: {  	s0 =	rddreg [dreg:$0x15]  }
0x2ad: {  	s1 =	rddreg [dreg:$0x1b]  }
0x2ae: {  	[hbm:s0], [sflag:s21] =	dma.local [spmem:s1], $0x2700  }
.Ltmp16:
0x2af: {  	_ = 	snop;
	(pc) =	sbr.rel @p0 .LBB2_25-.Ltmp16, $4  }
.Ltmp17:
0x2b0: {  	s2 =	simm.s32 $0xB;
	(pc) =	sbr.rel @!p0 .LBB2_24-.Ltmp17, $4  }
0x2b1: {  	_ =	swait.ge [sflag:s2], $0x2700  }
0x2b2: {  	[sflag:s2] =	ssyncset.done $0x0;
	s0 =	rddreg [dreg:$0x8]  }
0x2b3: {  	s3 =	rddreg [dreg:$0x1a];
	[sflag:s2] =	ssyncadd.s32 $0xFFFFD900  }
0x2b4: {  	_ = 	snop  }
.LBB2_22:
0x2b5: {  	s21 =	rddreg [dreg:$0xb]  }
0x2b6: {  	s0 =	rddreg [dreg:$0x14]  }
0x2b7: {  	s1 =	rddreg [dreg:$0x1b]  }
0x2b8: {  	[hbm:s0], [sflag:s21] =	dma.local [spmem:s1], $0x2700  }
.Ltmp18:
0x2b9: {  	_ = 	snop;
	(pc) =	sbr.rel @!p2 .LBB2_25-.Ltmp18, $4  }
.Ltmp19:
0x2ba: {  	s2 =	simm.s32 $0xB;
	(pc) =	sbr.rel @p2 .LBB2_24-.Ltmp19, $4  }
0x2bb: {  	_ =	swait.ge [sflag:s2], $0x2700  }
0x2bc: {  	[sflag:s2] =	ssyncset.done $0x0;
	s0 =	rddreg [dreg:$0x7]  }
0x2bd: {  	s3 =	rddreg [dreg:$0x1a];
	[sflag:s2] =	ssyncadd.s32 $0xFFFFD900  }
0x2be: {  	_ = 	snop  }
.LBB2_26:
0x2bf: {  	_ =	sfence.sel $0x180000  }
0x2c0: {  	[bflag:$0x0] =	sbarrier.arrive $0xFFFF  }
0x2c1: {  	_ =	strace $0x90000047  }
0x2c2: {  	[bflag:$0x2] =	sbarrier.arrive $0xFFFF  }
0x2c3: {  	s0 =	rddreg [dreg:$0x6]  }
0x2c4: {  	s0 =	sadd.s32 @!p0 $0x100000, s0  }
0x2c5: {  	[sflag:s0] =	ssyncadd.tile.s32 @!p0 $0x1;
	_ =	shalt  }
.Lfunc_end2:
_tile_overlayer_lowered:
.L_overlay_start_2:
0x2c6: {  	(tag) =	ssettag $0x2  }
0x2c7: {  	s0 =	rddreg [dreg:$0x0];
	s2 =	stileid.u32  }
0x2c8: {  	s1 =	rddreg [dreg:$0x1];
	p0 =	sne.s32 s2, $0x0  }
0x2c9: {  	s3 =	rddreg [dreg:$0x2];
	[bflag:$0x3] =	sbarrier.arrive $0xFFFF;
	s2 =	simm.s32 @!p0 $0x1C0B  }
0x2ca: {  	[timem:s3], [sflag:s2] =	dma.local @!p0 [hbm:s0], s1  }
0x2cb: {  	s0 =	simm.s32 @!p0 $0xB  }
0x2cc: {  	_ =	swait.ge @!p0 [sflag:s0], s1  }
0x2cd: {  	s1 =	ssub.s32 @!p0 $0x0, s1;
	[sflag:s0] =	ssyncset.done @!p0 $0x0  }
0x2ce: {  	[sflag:s0] =	ssyncadd.s32 @!p0 s1  }
0x2cf: {  	[bflag:$0x3] =	sbarrier.arrive $0xFFFF  }
0x2d0: {  	_ =	shalt  }

</sc_bundles>
